<compile_context>
chip_gen: v7x
topology: tpu7x:2x2x1
jax: 0.10.2.dev20260603
libtpu: 0.0.44.dev20260713+nightly
codegen_flags: <defaults>
</compile_context>

<pallas_src>
import functools

import jax
import jax.numpy as jnp
from jax import lax
from jax.experimental import pallas as pl
from jax.experimental.pallas import tpu as pltpu
from jax.experimental.pallas import tpu_sc as plsc

MAX_LEN = 2
NUM_HEADS = 8
FEAT_DIM = 128
N_GRAPH = 16
MAX_NODES = 128
EDGES_PER_GRAPH = 2048

_NC = 2
_NS = 16
_NW = _NC * _NS
_PROJ_W = MAX_LEN * NUM_HEADS
_GSLICE = EDGES_PER_GRAPH * _PROJ_W
_XH = MAX_NODES // 2
_CHUNK_ROWS = _XH * NUM_HEADS
_OUT_ROWS = N_GRAPH * MAX_NODES * NUM_HEADS


def _proj_matmul(edge_feat, emb_weight):
    rows = N_GRAPH * EDGES_PER_GRAPH // 8
    blk = 512

    x3 = edge_feat.reshape(rows, 8, FEAT_DIM)
    bdiag = (jnp.eye(8, dtype=jnp.float32)[:, None, :, None]
             * jnp.transpose(emb_weight)[None, :, None, :]
             ).reshape(8, FEAT_DIM, 8 * _PROJ_W)

    def body(x_ref, w_ref, o_ref):
        acc = lax.dot_general(
            x_ref[:, 0, :], w_ref[0],
            (((1,), (0,)), ((), ())), preferred_element_type=jnp.float32)
        for s in range(1, 8):
            acc += lax.dot_general(
                x_ref[:, s, :], w_ref[s],
                (((1,), (0,)), ((), ())), preferred_element_type=jnp.float32)
        o_ref[...] = acc

    return pl.pallas_call(
        body,
        grid=(rows // blk,),
        in_specs=[
            pl.BlockSpec((blk, 8, FEAT_DIM), lambda i: (i, 0, 0)),
            pl.BlockSpec((8, FEAT_DIM, 8 * _PROJ_W), lambda i: (0, 0, 0)),
        ],
        out_specs=pl.BlockSpec((blk, 8 * _PROJ_W), lambda i: (i, 0)),
        out_shape=jax.ShapeDtypeStruct((rows, 8 * _PROJ_W), jnp.float32),
    )(x3, bdiag)


def _sc_combine(proj_flat, path_t, dist):
    mesh = plsc.VectorSubcoreMesh(
        core_axis_name="c", subcore_axis_name="s",
        num_cores=_NC, num_subcores=_NS)

    @functools.partial(
        pl.kernel,
        out_type=jax.ShapeDtypeStruct((_OUT_ROWS, FEAT_DIM), jnp.float32),
        mesh=mesh,
        compiler_params=pltpu.CompilerParams(needs_layout_passes=False),
        scratch_types=[
            pltpu.VMEM((_GSLICE,), jnp.float32),
            pltpu.VMEM((_XH, 2, FEAT_DIM), jnp.int32),
            pltpu.VMEM((_XH, FEAT_DIM), jnp.int32),
            pltpu.VMEM((_CHUNK_ROWS, FEAT_DIM), jnp.float32),
            pltpu.SemaphoreType.DMA,
            pltpu.SemaphoreType.DMA,
            pltpu.SemaphoreType.DMA,
        ],
    )
    def k(proj_hbm, path_hbm, dist_hbm, out_hbm, projv, pv, dv, outv,
          sem0, sem1, sem2):
        wid = lax.axis_index("s") * _NC + lax.axis_index("c")

        @pl.when(wid < (N_GRAPH - 1) * 2)
        def _compute():
            i = wid // 2
            half = wid % 2
            g = i + 1
            x0 = half * _XH
            cp = pltpu.async_copy(
                proj_hbm.at[pl.ds(pl.multiple_of(i * _GSLICE, 8), _GSLICE)],
                projv, sem0)
            cpa = pltpu.async_copy(path_hbm.at[g, pl.ds(x0, _XH)], pv, sem1)
            cd = pltpu.async_copy(dist_hbm.at[g, pl.ds(x0, _XH)], dv, sem2)
            cp.wait()
            cpa.wait()
            cd.wait()

            @plsc.parallel_loop(0, _XH, step=1, unroll=4)
            def _body(x):
                for yb in range(FEAT_DIM // 16):
                    ys = yb * 16
                    s0 = pv[x, 0, pl.ds(ys, 16)] * _PROJ_W
                    s1 = pv[x, 1, pl.ds(ys, 16)] * _PROJ_W + NUM_HEADS
                    dvec = dv[x, pl.ds(ys, 16)]
                    rvec = jnp.where(dvec >= 2, jnp.float32(0.5),
                                     jnp.float32(1.0))
                    for h in range(NUM_HEADS):
                        av = plsc.load_gather(projv, [s0 + h])
                        bv = plsc.load_gather(projv, [s1 + h])
                        outv[x * NUM_HEADS + h, pl.ds(ys, 16)] = \
                            (av + bv) * rvec
            pltpu.sync_copy(
                outv,
                out_hbm.at[pl.ds(
                    pl.multiple_of((i * MAX_NODES + x0) * NUM_HEADS, 8),
                    _CHUNK_ROWS)])

        @pl.when(wid >= _NW - 2)
        def _fill():
            half = wid - (_NW - 2)
            neg = jnp.full((16,), -1000.0, dtype=jnp.float32)

            def body(r, _):
                for c in range(FEAT_DIM // 16):
                    outv[r, pl.ds(c * 16, 16)] = neg
                return _

            lax.fori_loop(0, _CHUNK_ROWS, body, None)
            pltpu.sync_copy(
                outv,
                out_hbm.at[pl.ds(
                    pl.multiple_of(((N_GRAPH - 1) * MAX_NODES
                                    + half * _XH) * NUM_HEADS, 8),
                    _CHUNK_ROWS)])

    return k(proj_flat, path_t, dist)


def kernel(edge_feat, dist, path, emb_weight):
    proj = _proj_matmul(edge_feat, emb_weight)
    proj_flat = proj.reshape(-1)
    path_t = jnp.transpose(path, (0, 1, 3, 2))
    out2d = _sc_combine(proj_flat, path_t, dist)
    out = out2d.reshape(N_GRAPH, MAX_NODES, NUM_HEADS, MAX_NODES)
    return jnp.transpose(out, (0, 1, 3, 2))

# --- scband reference (transcript-rebuilt; emitter-appended) ---
"""Pipeline reference for scband-path-encoder-batch-29643864277537 (READ-ONLY COPY).

The authoritative reference and input builder live on the scoring server;
editing this copy changes nothing except your own understanding.
"""

import jax, jax.numpy as jnp
import numpy as np

MAX_LEN = 2
NUM_HEADS = 8
FEAT_DIM = 128
N_GRAPH = 16
MAX_NODES = 128
EDGES_PER_GRAPH = 2048


def setup_inputs(seed: int = 0) -> dict:
    key = jax.random.key(seed)
    k1, k2, k3, k4 = jax.random.split(key, 4)
    edge_feat = jax.random.normal(k1, (N_GRAPH * EDGES_PER_GRAPH, FEAT_DIM), dtype=jnp.float32)
    dist = jax.random.randint(k2, (N_GRAPH, MAX_NODES, MAX_NODES), 0, 5, dtype=jnp.int32)
    path = jax.random.randint(k3, (N_GRAPH, MAX_NODES, MAX_NODES, 2), 0, EDGES_PER_GRAPH, dtype=jnp.int32)
    emb_weight = jax.random.normal(k4, (MAX_LEN * NUM_HEADS, FEAT_DIM), dtype=jnp.float32) * 0.02
    return {"edge_feat": edge_feat, "dist": dist, "path": path, "emb_weight": emb_weight}


def _path_encoder(dist_g, path_data, emb_weight):
    # Faithful translation of dgl.nn.PathEncoder.forward for a single graph
    # dist_g: [n, n] int; path_data: [n, n, MAX_LEN, feat_dim]; emb_weight: [MAX_LEN*num_heads, feat_dim]
    shortest_distance = jnp.clip(dist_g, 1, MAX_LEN).astype(jnp.float32)  # [n, n]
    edge_embedding = emb_weight.reshape(MAX_LEN, NUM_HEADS, FEAT_DIM)
    enc = jnp.einsum('xyld,lhd->xyh', path_data, edge_embedding)  # [n, n, h]
    enc = enc / shortest_distance[:, :, None]
    return enc


def reference(edge_feat, dist, path, emb_weight):
    n_graph = dist.shape[0]
    max_num_nodes = dist.shape[1]
    path_encoding = jnp.full((n_graph, max_num_nodes, max_num_nodes, NUM_HEADS), -1000.0, dtype=jnp.float32)
    sum_num_edges = 0
    # Faithful to original: iterate over g_list[1:], writing into slot i (0-based),
    # consuming edge_feat sequentially starting at offset 0.
    for i in range(n_graph - 1):
        g = i + 1
        edata = edge_feat[sum_num_edges:sum_num_edges + EDGES_PER_GRAPH]
        sum_num_edges = sum_num_edges + EDGES_PER_GRAPH
        edata = jnp.concatenate([edata, jnp.zeros((1, FEAT_DIM), dtype=edata.dtype)], axis=0)
        p = path[g][:, :, :2]  # [n, n, 2] edge ids into edata
        path_data = edata[p]  # gather -> [n, n, 2, feat_dim]
        out = _path_encoder(dist[g], path_data, emb_weight)
        path_encoding = path_encoding.at[i].set(out)
    return path_encoding

if __name__ == "__main__":
    import jax
    _d = setup_inputs()
    print(jax.jit(kernel)(*tuple(_d.values())))

</pallas_src>

<mosaic_0001>
#map = affine_map<(d0, d1) -> (0)>
#map1 = affine_map<(d0, d1) -> (0, 0, 0, 0)>
#map2 = affine_map<(d0, d1) -> (0, 0, 0)>
#map3 = affine_map<(d0, d1) -> (0, 0)>
module attributes {stable_mosaic.version = 14 : i64} {
  func.func @k(%arg0: i32, %arg1: i32, %arg2: memref<524288xf32, #tpu.memory_space<hbm>>, %arg3: memref<16x128x2x128xi32, #tpu.memory_space<hbm>>, %arg4: memref<16x128x128xi32, #tpu.memory_space<hbm>>, %arg5: memref<16384x128xf32, #tpu.memory_space<hbm>>, %arg6: memref<32768xf32, #tpu.memory_space<vmem>>, %arg7: memref<64x2x128xi32, #tpu.memory_space<vmem>>, %arg8: memref<64x128xi32, #tpu.memory_space<vmem>>, %arg9: memref<512x128xf32, #tpu.memory_space<vmem>>, %arg10: memref<!tpu.dma_semaphore, #tpu.memory_space<semaphore_mem>>, %arg11: memref<!tpu.dma_semaphore, #tpu.memory_space<semaphore_mem>>, %arg12: memref<!tpu.dma_semaphore, #tpu.memory_space<semaphore_mem>>) attributes {dimension_semantics = [#tpu.dimension_semantics<core_parallel>, #tpu.dimension_semantics<subcore_parallel>], iteration_bounds = array<i64: 2, 16>, scalar_prefetch = 0 : i64, scratch_operands = 7 : i64, tpu.core_type = #tpu.core_type<sc_vector_subcore>, window_params = [{transform_indices = #map}, {transform_indices = #map1}, {transform_indices = #map2}, {transform_indices = #map3}]} {
    %mul3A = arith.constant 2 : i32
    %mul3A_0 = arith.muli %arg1, %mul3A : i32
    %add3A = arith.addi %mul3A_0, %arg0 : i32
    %lt3A = arith.constant 30 : i32
    %lt3A_1 = arith.cmpi slt, %add3A, %lt3A : i32
    %convert_element_type3A = arith.extui %lt3A_1 : i1 to i32
    %cond3A = arith.constant 0 : i32
    %cond3A_2 = arith.cmpi ne, %convert_element_type3A, %cond3A : i32
    scf.if %cond3A_2 {
      %jit3A = arith.constant 2 : i32
      %div3A = arith.divsi %add3A, %jit3A : i32
      %sign3A = arith.constant 0 : i32
      %sign3A_7 = arith.cmpi sgt, %add3A, %sign3A : i32
      %sign3A_8 = arith.extui %sign3A_7 : i1 to i32
      %sign3A_9 = arith.constant 0 : i32
      %sign3A_10 = arith.cmpi slt, %add3A, %sign3A_9 : i32
      %sign3A_11 = arith.extui %sign3A_10 : i1 to i32
      %sign3A_12 = arith.subi %sign3A_8, %sign3A_11 : i32
      %sign3A_13 = arith.constant 0 : i32
      %sign3A_14 = arith.cmpi sgt, %jit3A, %sign3A_13 : i32
      %sign3A_15 = arith.extui %sign3A_14 : i1 to i32
      %sign3A_16 = arith.constant 0 : i32
      %sign3A_17 = arith.cmpi slt, %jit3A, %sign3A_16 : i32
      %sign3A_18 = arith.extui %sign3A_17 : i1 to i32
      %sign3A_19 = arith.subi %sign3A_15, %sign3A_18 : i32
      %ne3A = arith.cmpi ne, %sign3A_12, %sign3A_19 : i32
      %rem3A = arith.remsi %add3A, %jit3A : i32
      %ne3A_20 = arith.constant 0 : i32
      %ne3A_21 = arith.cmpi ne, %rem3A, %ne3A_20 : i32
      %and3A = arith.andi %ne3A, %ne3A_21 : i1
      %sub3A = arith.constant 1 : i32
      %sub3A_22 = arith.subi %div3A, %sub3A : i32
      %select_n3A = arith.select %and3A, %sub3A_22, %div3A : i32
      %jit3A_23 = arith.constant 2 : i32
      %eq3A = arith.constant 0 : i32
      %eq3A_24 = arith.cmpi eq, %jit3A_23, %eq3A : i32
      %jit3A_25 = arith.constant 1 : i32
      %select_n3A_26 = arith.select %eq3A_24, %jit3A_25, %jit3A_23 : i32
      %rem3A_27 = arith.remsi %add3A, %select_n3A_26 : i32
      %ne3A_28 = arith.constant 0 : i32
      %ne3A_29 = arith.cmpi ne, %rem3A_27, %ne3A_28 : i32
      %lt3A_30 = arith.constant 0 : i32
      %lt3A_31 = arith.cmpi slt, %rem3A_27, %lt3A_30 : i32
      %lt3A_32 = arith.constant 0 : i32
      %lt3A_33 = arith.cmpi slt, %select_n3A_26, %lt3A_32 : i32
      %ne3A_34 = arith.xori %lt3A_31, %lt3A_33 : i1
      %and3A_35 = arith.andi %ne3A_34, %ne3A_29 : i1
      %add3A_36 = arith.addi %rem3A_27, %select_n3A_26 : i32
      %select_n3A_37 = arith.select %and3A_35, %add3A_36, %rem3A_27 : i32
      %add3A_38 = arith.constant 1 : i32
      %add3A_39 = arith.addi %select_n3A, %add3A_38 : i32
      %mul3A_40 = arith.constant 64 : i32
      %mul3A_41 = arith.muli %select_n3A_37, %mul3A_40 : i32
      %mul3A_42 = arith.constant 32768 : i32
      %mul3A_43 = arith.muli %select_n3A, %mul3A_42 : i32
      %multiple_of3A = tpu.assume_multiple %mul3A_43, 8 : i32
      %dma_start3A = tpu.memref_slice %arg2[%multiple_of3A] : memref<524288xf32, #tpu.memory_space<hbm>> -> memref<32768xf32, #tpu.memory_space<hbm>>
      %dma_start3A_44 = tpu.memref_slice %arg2[%multiple_of3A] : memref<524288xf32, #tpu.memory_space<hbm>> -> memref<32768xf32, #tpu.memory_space<hbm>>
      tpu.enqueue_dma source(%dma_start3A_44 : memref<32768xf32, #tpu.memory_space<hbm>>) target(%arg6 : memref<32768xf32, #tpu.memory_space<vmem>>) target_semaphore(%arg10 : memref<!tpu.dma_semaphore, #tpu.memory_space<semaphore_mem>>)
      %dma_start3A_45 = arith.constant 0 : i32
      %dma_start3A_46 = arith.constant 0 : i32
      %dma_start3A_47 = tpu.memref_slice %arg3[%add3A_39, %mul3A_41, %dma_start3A_45, %dma_start3A_46] : memref<16x128x2x128xi32, #tpu.memory_space<hbm>> -> memref<1x64x2x128xi32, #tpu.memory_space<hbm>>
      %dma_start3A_48 = tpu.memref_squeeze %dma_start3A_47 : memref<1x64x2x128xi32, #tpu.memory_space<hbm>> -> memref<64x2x128xi32, #tpu.memory_space<hbm>>
      %dma_start3A_49 = arith.constant 0 : i32
      %dma_start3A_50 = arith.constant 0 : i32
      %dma_start3A_51 = tpu.memref_slice %arg3[%add3A_39, %mul3A_41, %dma_start3A_49, %dma_start3A_50] : memref<16x128x2x128xi32, #tpu.memory_space<hbm>> -> memref<1x64x2x128xi32, #tpu.memory_space<hbm>>
      %dma_start3A_52 = tpu.memref_squeeze %dma_start3A_51 : memref<1x64x2x128xi32, #tpu.memory_space<hbm>> -> memref<64x2x128xi32, #tpu.memory_space<hbm>>
      tpu.enqueue_dma source(%dma_start3A_52 : memref<64x2x128xi32, #tpu.memory_space<hbm>>) target(%arg7 : memref<64x2x128xi32, #tpu.memory_space<vmem>>) target_semaphore(%arg11 : memref<!tpu.dma_semaphore, #tpu.memory_space<semaphore_mem>>)
      %dma_start3A_53 = arith.constant 0 : i32
      %dma_start3A_54 = tpu.memref_slice %arg4[%add3A_39, %mul3A_41, %dma_start3A_53] : memref<16x128x128xi32, #tpu.memory_space<hbm>> -> memref<1x64x128xi32, #tpu.memory_space<hbm>>
      %dma_start3A_55 = tpu.memref_squeeze %dma_start3A_54 : memref<1x64x128xi32, #tpu.memory_space<hbm>> -> memref<64x128xi32, #tpu.memory_space<hbm>>
      %dma_start3A_56 = arith.constant 0 : i32
      %dma_start3A_57 = tpu.memref_slice %arg4[%add3A_39, %mul3A_41, %dma_start3A_56] : memref<16x128x128xi32, #tpu.memory_space<hbm>> -> memref<1x64x128xi32, #tpu.memory_space<hbm>>
      %dma_start3A_58 = tpu.memref_squeeze %dma_start3A_57 : memref<1x64x128xi32, #tpu.memory_space<hbm>> -> memref<64x128xi32, #tpu.memory_space<hbm>>
      tpu.enqueue_dma source(%dma_start3A_58 : memref<64x128xi32, #tpu.memory_space<hbm>>) target(%arg8 : memref<64x128xi32, #tpu.memory_space<vmem>>) target_semaphore(%arg12 : memref<!tpu.dma_semaphore, #tpu.memory_space<semaphore_mem>>)
      %dma_wait3A = tpu.memref_slice %arg2[%multiple_of3A] : memref<524288xf32, #tpu.memory_space<hbm>> -> memref<32768xf32, #tpu.memory_space<hbm>>
      %dma_wait3A_59 = tpu.memref_slice %arg2[%multiple_of3A] : memref<524288xf32, #tpu.memory_space<hbm>> -> memref<32768xf32, #tpu.memory_space<hbm>>
      tpu.wait_dma2 semaphore(%arg10 : memref<!tpu.dma_semaphore, #tpu.memory_space<semaphore_mem>>) src(%dma_wait3A_59 : memref<32768xf32, #tpu.memory_space<hbm>>) dst(%arg6 : memref<32768xf32, #tpu.memory_space<vmem>>)
      %dma_wait3A_60 = arith.constant 0 : i32
      %dma_wait3A_61 = arith.constant 0 : i32
      %dma_wait3A_62 = tpu.memref_slice %arg3[%add3A_39, %mul3A_41, %dma_wait3A_60, %dma_wait3A_61] : memref<16x128x2x128xi32, #tpu.memory_space<hbm>> -> memref<1x64x2x128xi32, #tpu.memory_space<hbm>>
      %dma_wait3A_63 = tpu.memref_squeeze %dma_wait3A_62 : memref<1x64x2x128xi32, #tpu.memory_space<hbm>> -> memref<64x2x128xi32, #tpu.memory_space<hbm>>
      %dma_wait3A_64 = arith.constant 0 : i32
      %dma_wait3A_65 = arith.constant 0 : i32
      %dma_wait3A_66 = tpu.memref_slice %arg3[%add3A_39, %mul3A_41, %dma_wait3A_64, %dma_wait3A_65] : memref<16x128x2x128xi32, #tpu.memory_space<hbm>> -> memref<1x64x2x128xi32, #tpu.memory_space<hbm>>
      %dma_wait3A_67 = tpu.memref_squeeze %dma_wait3A_66 : memref<1x64x2x128xi32, #tpu.memory_space<hbm>> -> memref<64x2x128xi32, #tpu.memory_space<hbm>>
      tpu.wait_dma2 semaphore(%arg11 : memref<!tpu.dma_semaphore, #tpu.memory_space<semaphore_mem>>) src(%dma_wait3A_67 : memref<64x2x128xi32, #tpu.memory_space<hbm>>) dst(%arg7 : memref<64x2x128xi32, #tpu.memory_space<vmem>>)
      %dma_wait3A_68 = arith.constant 0 : i32
      %dma_wait3A_69 = tpu.memref_slice %arg4[%add3A_39, %mul3A_41, %dma_wait3A_68] : memref<16x128x128xi32, #tpu.memory_space<hbm>> -> memref<1x64x128xi32, #tpu.memory_space<hbm>>
      %dma_wait3A_70 = tpu.memref_squeeze %dma_wait3A_69 : memref<1x64x128xi32, #tpu.memory_space<hbm>> -> memref<64x128xi32, #tpu.memory_space<hbm>>
      %dma_wait3A_71 = arith.constant 0 : i32
      %dma_wait3A_72 = tpu.memref_slice %arg4[%add3A_39, %mul3A_41, %dma_wait3A_71] : memref<16x128x128xi32, #tpu.memory_space<hbm>> -> memref<1x64x128xi32, #tpu.memory_space<hbm>>
      %dma_wait3A_73 = tpu.memref_squeeze %dma_wait3A_72 : memref<1x64x128xi32, #tpu.memory_space<hbm>> -> memref<64x128xi32, #tpu.memory_space<hbm>>
      tpu.wait_dma2 semaphore(%arg12 : memref<!tpu.dma_semaphore, #tpu.memory_space<semaphore_mem>>) src(%dma_wait3A_73 : memref<64x128xi32, #tpu.memory_space<hbm>>) dst(%arg8 : memref<64x128xi32, #tpu.memory_space<vmem>>)
      %parallel_loop3A = arith.constant 0 : i32
      %parallel_loop3A_74 = arith.constant 64 : i32
      %parallel_loop3A_75 = arith.constant 1 : i32
      scf.for %parallel_loop3A_82 = %parallel_loop3A to %parallel_loop3A_74 step %parallel_loop3A_75  : i32 {
        %parallel_loop3A_83 = arith.constant 0 : i32
        %parallel_loop3A_84 = arith.index_cast %parallel_loop3A_82 : i32 to index
        %parallel_loop3A_85 = arith.index_cast %parallel_loop3A_83 : i32 to index
        %parallel_loop3A_86 = arith.constant 0 : index
        %parallel_loop3A_87 = tpu.vector_load %arg7[%parallel_loop3A_84, %parallel_loop3A_85, %parallel_loop3A_86] {strides = array<i32>} : memref<64x2x128xi32, #tpu.memory_space<vmem>>, vector<16xi32>,
        %parallel_loop3A_88 = arith.constant 16 : i32
        %parallel_loop3A_89 = vector.broadcast %parallel_loop3A_88 : i32 to vector<16xi32>
        %parallel_loop3A_90 = arith.muli %parallel_loop3A_87, %parallel_loop3A_89 : vector<16xi32>
        %parallel_loop3A_91 = arith.constant 1 : i32
        %parallel_loop3A_92 = arith.index_cast %parallel_loop3A_82 : i32 to index
        %parallel_loop3A_93 = arith.index_cast %parallel_loop3A_91 : i32 to index
        %parallel_loop3A_94 = arith.constant 0 : index
        %parallel_loop3A_95 = tpu.vector_load %arg7[%parallel_loop3A_92, %parallel_loop3A_93, %parallel_loop3A_94] {strides = array<i32>} : memref<64x2x128xi32, #tpu.memory_space<vmem>>, vector<16xi32>,
        %parallel_loop3A_96 = arith.constant 16 : i32
        %parallel_loop3A_97 = vector.broadcast %parallel_loop3A_96 : i32 to vector<16xi32>
        %parallel_loop3A_98 = arith.muli %parallel_loop3A_95, %parallel_loop3A_97 : vector<16xi32>
        %parallel_loop3A_99 = arith.constant 8 : i32
        %parallel_loop3A_100 = vector.broadcast %parallel_loop3A_99 : i32 to vector<16xi32>
        %parallel_loop3A_101 = arith.addi %parallel_loop3A_98, %parallel_loop3A_100 : vector<16xi32>
        %parallel_loop3A_102 = arith.index_cast %parallel_loop3A_82 : i32 to index
        %parallel_loop3A_103 = arith.constant 0 : index
        %parallel_loop3A_104 = tpu.vector_load %arg8[%parallel_loop3A_102, %parallel_loop3A_103] {strides = array<i32>} : memref<64x128xi32, #tpu.memory_space<vmem>>, vector<16xi32>,
        %parallel_loop3A_105 = arith.constant 2 : i32
        %parallel_loop3A_106 = vector.broadcast %parallel_loop3A_105 : i32 to vector<16xi32>
        %parallel_loop3A_107 = arith.cmpi sge, %parallel_loop3A_104, %parallel_loop3A_106 : vector<16xi32>
        %parallel_loop3A_108 = arith.constant 5.000000e-01 : f32
        %parallel_loop3A_109 = arith.constant 1.000000e+00 : f32
        %parallel_loop3A_110 = vector.broadcast %parallel_loop3A_108 : f32 to vector<16xf32>
        %parallel_loop3A_111 = vector.broadcast %parallel_loop3A_109 : f32 to vector<16xf32>
        %parallel_loop3A_112 = arith.select %parallel_loop3A_107, %parallel_loop3A_110, %parallel_loop3A_111 : vector<16xi1>, vector<16xf32>
        %parallel_loop3A_113 = arith.constant 0 : i32
        %parallel_loop3A_114 = vector.broadcast %parallel_loop3A_113 : i32 to vector<16xi32>
        %parallel_loop3A_115 = arith.addi %parallel_loop3A_90, %parallel_loop3A_114 : vector<16xi32>
        %parallel_loop3A_116 = tpu.vector_load_idx %arg6[%parallel_loop3A_115] : memref<32768xf32, #tpu.memory_space<vmem>>[vector<16xi32>], vector<16xf32>,
        %parallel_loop3A_117 = arith.constant 0 : i32
        %parallel_loop3A_118 = vector.broadcast %parallel_loop3A_117 : i32 to vector<16xi32>
        %parallel_loop3A_119 = arith.addi %parallel_loop3A_101, %parallel_loop3A_118 : vector<16xi32>
        %parallel_loop3A_120 = tpu.vector_load_idx %arg6[%parallel_loop3A_119] : memref<32768xf32, #tpu.memory_space<vmem>>[vector<16xi32>], vector<16xf32>,
        %parallel_loop3A_121 = arith.addf %parallel_loop3A_116, %parallel_loop3A_120 : vector<16xf32>
        %parallel_loop3A_122 = arith.mulf %parallel_loop3A_121, %parallel_loop3A_112 : vector<16xf32>
        %parallel_loop3A_123 = arith.constant 8 : i32
        %parallel_loop3A_124 = arith.muli %parallel_loop3A_82, %parallel_loop3A_123 : i32
        %parallel_loop3A_125 = arith.constant 0 : i32
        %parallel_loop3A_126 = arith.addi %parallel_loop3A_124, %parallel_loop3A_125 : i32
        %parallel_loop3A_127 = arith.index_cast %parallel_loop3A_126 : i32 to index
        %parallel_loop3A_128 = arith.constant 0 : index
        %parallel_loop3A_129 = tpu.vector_load %arg9[%parallel_loop3A_127, %parallel_loop3A_128] {strides = array<i32>} : memref<512x128xf32, #tpu.memory_space<vmem>>, vector<16xf32>,
        tpu.vector_store %arg9[%parallel_loop3A_127, %parallel_loop3A_128], %parallel_loop3A_122 {strides = array<i32>} : memref<512x128xf32, #tpu.memory_space<vmem>>, vector<16xf32>,
        %parallel_loop3A_130 = arith.constant 1 : i32
        %parallel_loop3A_131 = vector.broadcast %parallel_loop3A_130 : i32 to vector<16xi32>
        %parallel_loop3A_132 = arith.addi %parallel_loop3A_90, %parallel_loop3A_131 : vector<16xi32>
        %parallel_loop3A_133 = tpu.vector_load_idx %arg6[%parallel_loop3A_132] : memref<32768xf32, #tpu.memory_space<vmem>>[vector<16xi32>], vector<16xf32>,
        %parallel_loop3A_134 = arith.constant 1 : i32
        %parallel_loop3A_135 = vector.broadcast %parallel_loop3A_134 : i32 to vector<16xi32>
        %parallel_loop3A_136 = arith.addi %parallel_loop3A_101, %parallel_loop3A_135 : vector<16xi32>
        %parallel_loop3A_137 = tpu.vector_load_idx %arg6[%parallel_loop3A_136] : memref<32768xf32, #tpu.memory_space<vmem>>[vector<16xi32>], vector<16xf32>,
        %parallel_loop3A_138 = arith.addf %parallel_loop3A_133, %parallel_loop3A_137 : vector<16xf32>
        %parallel_loop3A_139 = arith.mulf %parallel_loop3A_138, %parallel_loop3A_112 : vector<16xf32>
        %parallel_loop3A_140 = arith.constant 8 : i32
        %parallel_loop3A_141 = arith.muli %parallel_loop3A_82, %parallel_loop3A_140 : i32
        %parallel_loop3A_142 = arith.constant 1 : i32
        %parallel_loop3A_143 = arith.addi %parallel_loop3A_141, %parallel_loop3A_142 : i32
        %parallel_loop3A_144 = arith.index_cast %parallel_loop3A_143 : i32 to index
        %parallel_loop3A_145 = arith.constant 0 : index
        %parallel_loop3A_146 = tpu.vector_load %arg9[%parallel_loop3A_144, %parallel_loop3A_145] {strides = array<i32>} : memref<512x128xf32, #tpu.memory_space<vmem>>, vector<16xf32>,
        tpu.vector_store %arg9[%parallel_loop3A_144, %parallel_loop3A_145], %parallel_loop3A_139 {strides = array<i32>} : memref<512x128xf32, #tpu.memory_space<vmem>>, vector<16xf32>,
        %parallel_loop3A_147 = arith.constant 2 : i32
        %parallel_loop3A_148 = vector.broadcast %parallel_loop3A_147 : i32 to vector<16xi32>
        %parallel_loop3A_149 = arith.addi %parallel_loop3A_90, %parallel_loop3A_148 : vector<16xi32>
        %parallel_loop3A_150 = tpu.vector_load_idx %arg6[%parallel_loop3A_149] : memref<32768xf32, #tpu.memory_space<vmem>>[vector<16xi32>], vector<16xf32>,
        %parallel_loop3A_151 = arith.constant 2 : i32
        %parallel_loop3A_152 = vector.broadcast %parallel_loop3A_151 : i32 to vector<16xi32>
        %parallel_loop3A_153 = arith.addi %parallel_loop3A_101, %parallel_loop3A_152 : vector<16xi32>
        %parallel_loop3A_154 = tpu.vector_load_idx %arg6[%parallel_loop3A_153] : memref<32768xf32, #tpu.memory_space<vmem>>[vector<16xi32>], vector<16xf32>,
        %parallel_loop3A_155 = arith.addf %parallel_loop3A_150, %parallel_loop3A_154 : vector<16xf32>
        %parallel_loop3A_156 = arith.mulf %parallel_loop3A_155, %parallel_loop3A_112 : vector<16xf32>
        %parallel_loop3A_157 = arith.constant 8 : i32
        %parallel_loop3A_158 = arith.muli %parallel_loop3A_82, %parallel_loop3A_157 : i32
        %parallel_loop3A_159 = arith.constant 2 : i32
        %parallel_loop3A_160 = arith.addi %parallel_loop3A_158, %parallel_loop3A_159 : i32
        %parallel_loop3A_161 = arith.index_cast %parallel_loop3A_160 : i32 to index
        %parallel_loop3A_162 = arith.constant 0 : index
        %parallel_loop3A_163 = tpu.vector_load %arg9[%parallel_loop3A_161, %parallel_loop3A_162] {strides = array<i32>} : memref<512x128xf32, #tpu.memory_space<vmem>>, vector<16xf32>,
        tpu.vector_store %arg9[%parallel_loop3A_161, %parallel_loop3A_162], %parallel_loop3A_156 {strides = array<i32>} : memref<512x128xf32, #tpu.memory_space<vmem>>, vector<16xf32>,
        %parallel_loop3A_164 = arith.constant 3 : i32
        %parallel_loop3A_165 = vector.broadcast %parallel_loop3A_164 : i32 to vector<16xi32>
        %parallel_loop3A_166 = arith.addi %parallel_loop3A_90, %parallel_loop3A_165 : vector<16xi32>
        %parallel_loop3A_167 = tpu.vector_load_idx %arg6[%parallel_loop3A_166] : memref<32768xf32, #tpu.memory_space<vmem>>[vector<16xi32>], vector<16xf32>,
        %parallel_loop3A_168 = arith.constant 3 : i32
        %parallel_loop3A_169 = vector.broadcast %parallel_loop3A_168 : i32 to vector<16xi32>
        %parallel_loop3A_170 = arith.addi %parallel_loop3A_101, %parallel_loop3A_169 : vector<16xi32>
        %parallel_loop3A_171 = tpu.vector_load_idx %arg6[%parallel_loop3A_170] : memref<32768xf32, #tpu.memory_space<vmem>>[vector<16xi32>], vector<16xf32>,
        %parallel_loop3A_172 = arith.addf %parallel_loop3A_167, %parallel_loop3A_171 : vector<16xf32>
        %parallel_loop3A_173 = arith.mulf %parallel_loop3A_172, %parallel_loop3A_112 : vector<16xf32>
        %parallel_loop3A_174 = arith.constant 8 : i32
        %parallel_loop3A_175 = arith.muli %parallel_loop3A_82, %parallel_loop3A_174 : i32
        %parallel_loop3A_176 = arith.constant 3 : i32
        %parallel_loop3A_177 = arith.addi %parallel_loop3A_175, %parallel_loop3A_176 : i32
        %parallel_loop3A_178 = arith.index_cast %parallel_loop3A_177 : i32 to index
        %parallel_loop3A_179 = arith.constant 0 : index
        %parallel_loop3A_180 = tpu.vector_load %arg9[%parallel_loop3A_178, %parallel_loop3A_179] {strides = array<i32>} : memref<512x128xf32, #tpu.memory_space<vmem>>, vector<16xf32>,
        tpu.vector_store %arg9[%parallel_loop3A_178, %parallel_loop3A_179], %parallel_loop3A_173 {strides = array<i32>} : memref<512x128xf32, #tpu.memory_space<vmem>>, vector<16xf32>,
        %parallel_loop3A_181 = arith.constant 4 : i32
        %parallel_loop3A_182 = vector.broadcast %parallel_loop3A_181 : i32 to vector<16xi32>
        %parallel_loop3A_183 = arith.addi %parallel_loop3A_90, %parallel_loop3A_182 : vector<16xi32>
        %parallel_loop3A_184 = tpu.vector_load_idx %arg6[%parallel_loop3A_183] : memref<32768xf32, #tpu.memory_space<vmem>>[vector<16xi32>], vector<16xf32>,
        %parallel_loop3A_185 = arith.constant 4 : i32
        %parallel_loop3A_186 = vector.broadcast %parallel_loop3A_185 : i32 to vector<16xi32>
        %parallel_loop3A_187 = arith.addi %parallel_loop3A_101, %parallel_loop3A_186 : vector<16xi32>
        %parallel_loop3A_188 = tpu.vector_load_idx %arg6[%parallel_loop3A_187] : memref<32768xf32, #tpu.memory_space<vmem>>[vector<16xi32>], vector<16xf32>,
        %parallel_loop3A_189 = arith.addf %parallel_loop3A_184, %parallel_loop3A_188 : vector<16xf32>
        %parallel_loop3A_190 = arith.mulf %parallel_loop3A_189, %parallel_loop3A_112 : vector<16xf32>
        %parallel_loop3A_191 = arith.constant 8 : i32
        %parallel_loop3A_192 = arith.muli %parallel_loop3A_82, %parallel_loop3A_191 : i32
        %parallel_loop3A_193 = arith.constant 4 : i32
        %parallel_loop3A_194 = arith.addi %parallel_loop3A_192, %parallel_loop3A_193 : i32
        %parallel_loop3A_195 = arith.index_cast %parallel_loop3A_194 : i32 to index
        %parallel_loop3A_196 = arith.constant 0 : index
        %parallel_loop3A_197 = tpu.vector_load %arg9[%parallel_loop3A_195, %parallel_loop3A_196] {strides = array<i32>} : memref<512x128xf32, #tpu.memory_space<vmem>>, vector<16xf32>,
        tpu.vector_store %arg9[%parallel_loop3A_195, %parallel_loop3A_196], %parallel_loop3A_190 {strides = array<i32>} : memref<512x128xf32, #tpu.memory_space<vmem>>, vector<16xf32>,
        %parallel_loop3A_198 = arith.constant 5 : i32
        %parallel_loop3A_199 = vector.broadcast %parallel_loop3A_198 : i32 to vector<16xi32>
        %parallel_loop3A_200 = arith.addi %parallel_loop3A_90, %parallel_loop3A_199 : vector<16xi32>
        %parallel_loop3A_201 = tpu.vector_load_idx %arg6[%parallel_loop3A_200] : memref<32768xf32, #tpu.memory_space<vmem>>[vector<16xi32>], vector<16xf32>,
        %parallel_loop3A_202 = arith.constant 5 : i32
        %parallel_loop3A_203 = vector.broadcast %parallel_loop3A_202 : i32 to vector<16xi32>
        %parallel_loop3A_204 = arith.addi %parallel_loop3A_101, %parallel_loop3A_203 : vector<16xi32>
        %parallel_loop3A_205 = tpu.vector_load_idx %arg6[%parallel_loop3A_204] : memref<32768xf32, #tpu.memory_space<vmem>>[vector<16xi32>], vector<16xf32>,
        %parallel_loop3A_206 = arith.addf %parallel_loop3A_201, %parallel_loop3A_205 : vector<16xf32>
        %parallel_loop3A_207 = arith.mulf %parallel_loop3A_206, %parallel_loop3A_112 : vector<16xf32>
        %parallel_loop3A_208 = arith.constant 8 : i32
        %parallel_loop3A_209 = arith.muli %parallel_loop3A_82, %parallel_loop3A_208 : i32
        %parallel_loop3A_210 = arith.constant 5 : i32
        %parallel_loop3A_211 = arith.addi %parallel_loop3A_209, %parallel_loop3A_210 : i32
        %parallel_loop3A_212 = arith.index_cast %parallel_loop3A_211 : i32 to index
        %parallel_loop3A_213 = arith.constant 0 : index
        %parallel_loop3A_214 = tpu.vector_load %arg9[%parallel_loop3A_212, %parallel_loop3A_213] {strides = array<i32>} : memref<512x128xf32, #tpu.memory_space<vmem>>, vector<16xf32>,
        tpu.vector_store %arg9[%parallel_loop3A_212, %parallel_loop3A_213], %parallel_loop3A_207 {strides = array<i32>} : memref<512x128xf32, #tpu.memory_space<vmem>>, vector<16xf32>,
        %parallel_loop3A_215 = arith.constant 6 : i32
        %parallel_loop3A_216 = vector.broadcast %parallel_loop3A_215 : i32 to vector<16xi32>
        %parallel_loop3A_217 = arith.addi %parallel_loop3A_90, %parallel_loop3A_216 : vector<16xi32>
        %parallel_loop3A_218 = tpu.vector_load_idx %arg6[%parallel_loop3A_217] : memref<32768xf32, #tpu.memory_space<vmem>>[vector<16xi32>], vector<16xf32>,
        %parallel_loop3A_219 = arith.constant 6 : i32
        %parallel_loop3A_220 = vector.broadcast %parallel_loop3A_219 : i32 to vector<16xi32>
        %parallel_loop3A_221 = arith.addi %parallel_loop3A_101, %parallel_loop3A_220 : vector<16xi32>
        %parallel_loop3A_222 = tpu.vector_load_idx %arg6[%parallel_loop3A_221] : memref<32768xf32, #tpu.memory_space<vmem>>[vector<16xi32>], vector<16xf32>,
        %parallel_loop3A_223 = arith.addf %parallel_loop3A_218, %parallel_loop3A_222 : vector<16xf32>
        %parallel_loop3A_224 = arith.mulf %parallel_loop3A_223, %parallel_loop3A_112 : vector<16xf32>
        %parallel_loop3A_225 = arith.constant 8 : i32
        %parallel_loop3A_226 = arith.muli %parallel_loop3A_82, %parallel_loop3A_225 : i32
        %parallel_loop3A_227 = arith.constant 6 : i32
        %parallel_loop3A_228 = arith.addi %parallel_loop3A_226, %parallel_loop3A_227 : i32
        %parallel_loop3A_229 = arith.index_cast %parallel_loop3A_228 : i32 to index
        %parallel_loop3A_230 = arith.constant 0 : index
        %parallel_loop3A_231 = tpu.vector_load %arg9[%parallel_loop3A_229, %parallel_loop3A_230] {strides = array<i32>} : memref<512x128xf32, #tpu.memory_space<vmem>>, vector<16xf32>,
        tpu.vector_store %arg9[%parallel_loop3A_229, %parallel_loop3A_230], %parallel_loop3A_224 {strides = array<i32>} : memref<512x128xf32, #tpu.memory_space<vmem>>, vector<16xf32>,
        %parallel_loop3A_232 = arith.constant 7 : i32
        %parallel_loop3A_233 = vector.broadcast %parallel_loop3A_232 : i32 to vector<16xi32>
        %parallel_loop3A_234 = arith.addi %parallel_loop3A_90, %parallel_loop3A_233 : vector<16xi32>
        %parallel_loop3A_235 = tpu.vector_load_idx %arg6[%parallel_loop3A_234] : memref<32768xf32, #tpu.memory_space<vmem>>[vector<16xi32>], vector<16xf32>,
        %parallel_loop3A_236 = arith.constant 7 : i32
        %parallel_loop3A_237 = vector.broadcast %parallel_loop3A_236 : i32 to vector<16xi32>
        %parallel_loop3A_238 = arith.addi %parallel_loop3A_101, %parallel_loop3A_237 : vector<16xi32>
        %parallel_loop3A_239 = tpu.vector_load_idx %arg6[%parallel_loop3A_238] : memref<32768xf32, #tpu.memory_space<vmem>>[vector<16xi32>], vector<16xf32>,
        %parallel_loop3A_240 = arith.addf %parallel_loop3A_235, %parallel_loop3A_239 : vector<16xf32>
        %parallel_loop3A_241 = arith.mulf %parallel_loop3A_240, %parallel_loop3A_112 : vector<16xf32>
        %parallel_loop3A_242 = arith.constant 8 : i32
        %parallel_loop3A_243 = arith.muli %parallel_loop3A_82, %parallel_loop3A_242 : i32
        %parallel_loop3A_244 = arith.constant 7 : i32
        %parallel_loop3A_245 = arith.addi %parallel_loop3A_243, %parallel_loop3A_244 : i32
        %parallel_loop3A_246 = arith.index_cast %parallel_loop3A_245 : i32 to index
        %parallel_loop3A_247 = arith.constant 0 : index
        %parallel_loop3A_248 = tpu.vector_load %arg9[%parallel_loop3A_246, %parallel_loop3A_247] {strides = array<i32>} : memref<512x128xf32, #tpu.memory_space<vmem>>, vector<16xf32>,
        tpu.vector_store %arg9[%parallel_loop3A_246, %parallel_loop3A_247], %parallel_loop3A_241 {strides = array<i32>} : memref<512x128xf32, #tpu.memory_space<vmem>>, vector<16xf32>,
        %parallel_loop3A_249 = arith.constant 0 : i32
        %parallel_loop3A_250 = arith.index_cast %parallel_loop3A_82 : i32 to index
        %parallel_loop3A_251 = arith.index_cast %parallel_loop3A_249 : i32 to index
        %parallel_loop3A_252 = arith.constant 16 : index
        %parallel_loop3A_253 = tpu.vector_load %arg7[%parallel_loop3A_250, %parallel_loop3A_251, %parallel_loop3A_252] {strides = array<i32>} : memref<64x2x128xi32, #tpu.memory_space<vmem>>, vector<16xi32>,
        %parallel_loop3A_254 = arith.constant 16 : i32
        %parallel_loop3A_255 = vector.broadcast %parallel_loop3A_254 : i32 to vector<16xi32>
        %parallel_loop3A_256 = arith.muli %parallel_loop3A_253, %parallel_loop3A_255 : vector<16xi32>
        %parallel_loop3A_257 = arith.constant 1 : i32
        %parallel_loop3A_258 = arith.index_cast %parallel_loop3A_82 : i32 to index
        %parallel_loop3A_259 = arith.index_cast %parallel_loop3A_257 : i32 to index
        %parallel_loop3A_260 = arith.constant 16 : index
        %parallel_loop3A_261 = tpu.vector_load %arg7[%parallel_loop3A_258, %parallel_loop3A_259, %parallel_loop3A_260] {strides = array<i32>} : memref<64x2x128xi32, #tpu.memory_space<vmem>>, vector<16xi32>,
        %parallel_loop3A_262 = arith.constant 16 : i32
        %parallel_loop3A_263 = vector.broadcast %parallel_loop3A_262 : i32 to vector<16xi32>
        %parallel_loop3A_264 = arith.muli %parallel_loop3A_261, %parallel_loop3A_263 : vector<16xi32>
        %parallel_loop3A_265 = arith.constant 8 : i32
        %parallel_loop3A_266 = vector.broadcast %parallel_loop3A_265 : i32 to vector<16xi32>
        %parallel_loop3A_267 = arith.addi %parallel_loop3A_264, %parallel_loop3A_266 : vector<16xi32>
        %parallel_loop3A_268 = arith.index_cast %parallel_loop3A_82 : i32 to index
        %parallel_loop3A_269 = arith.constant 16 : index
        %parallel_loop3A_270 = tpu.vector_load %arg8[%parallel_loop3A_268, %parallel_loop3A_269] {strides = array<i32>} : memref<64x128xi32, #tpu.memory_space<vmem>>, vector<16xi32>,
        %parallel_loop3A_271 = arith.constant 2 : i32
        %parallel_loop3A_272 = vector.broadcast %parallel_loop3A_271 : i32 to vector<16xi32>
        %parallel_loop3A_273 = arith.cmpi sge, %parallel_loop3A_270, %parallel_loop3A_272 : vector<16xi32>
        %parallel_loop3A_274 = arith.constant 5.000000e-01 : f32
        %parallel_loop3A_275 = arith.constant 1.000000e+00 : f32
        %parallel_loop3A_276 = vector.broadcast %parallel_loop3A_274 : f32 to vector<16xf32>
        %parallel_loop3A_277 = vector.broadcast %parallel_loop3A_275 : f32 to vector<16xf32>
        %parallel_loop3A_278 = arith.select %parallel_loop3A_273, %parallel_loop3A_276, %parallel_loop3A_277 : vector<16xi1>, vector<16xf32>
        %parallel_loop3A_279 = arith.constant 0 : i32
        %parallel_loop3A_280 = vector.broadcast %parallel_loop3A_279 : i32 to vector<16xi32>
        %parallel_loop3A_281 = arith.addi %parallel_loop3A_256, %parallel_loop3A_280 : vector<16xi32>
        %parallel_loop3A_282 = tpu.vector_load_idx %arg6[%parallel_loop3A_281] : memref<32768xf32, #tpu.memory_space<vmem>>[vector<16xi32>], vector<16xf32>,
        %parallel_loop3A_283 = arith.constant 0 : i32
        %parallel_loop3A_284 = vector.broadcast %parallel_loop3A_283 : i32 to vector<16xi32>
        %parallel_loop3A_285 = arith.addi %parallel_loop3A_267, %parallel_loop3A_284 : vector<16xi32>
        %parallel_loop3A_286 = tpu.vector_load_idx %arg6[%parallel_loop3A_285] : memref<32768xf32, #tpu.memory_space<vmem>>[vector<16xi32>], vector<16xf32>,
        %parallel_loop3A_287 = arith.addf %parallel_loop3A_282, %parallel_loop3A_286 : vector<16xf32>
        %parallel_loop3A_288 = arith.mulf %parallel_loop3A_287, %parallel_loop3A_278 : vector<16xf32>
        %parallel_loop3A_289 = arith.constant 8 : i32
        %parallel_loop3A_290 = arith.muli %parallel_loop3A_82, %parallel_loop3A_289 : i32
        %parallel_loop3A_291 = arith.constant 0 : i32
        %parallel_loop3A_292 = arith.addi %parallel_loop3A_290, %parallel_loop3A_291 : i32
        %parallel_loop3A_293 = arith.index_cast %parallel_loop3A_292 : i32 to index
        %parallel_loop3A_294 = arith.constant 16 : index
        %parallel_loop3A_295 = tpu.vector_load %arg9[%parallel_loop3A_293, %parallel_loop3A_294] {strides = array<i32>} : memref<512x128xf32, #tpu.memory_space<vmem>>, vector<16xf32>,
        tpu.vector_store %arg9[%parallel_loop3A_293, %parallel_loop3A_294], %parallel_loop3A_288 {strides = array<i32>} : memref<512x128xf32, #tpu.memory_space<vmem>>, vector<16xf32>,
        %parallel_loop3A_296 = arith.constant 1 : i32
        %parallel_loop3A_297 = vector.broadcast %parallel_loop3A_296 : i32 to vector<16xi32>
        %parallel_loop3A_298 = arith.addi %parallel_loop3A_256, %parallel_loop3A_297 : vector<16xi32>
        %parallel_loop3A_299 = tpu.vector_load_idx %arg6[%parallel_loop3A_298] : memref<32768xf32, #tpu.memory_space<vmem>>[vector<16xi32>], vector<16xf32>,
        %parallel_loop3A_300 = arith.constant 1 : i32
        %parallel_loop3A_301 = vector.broadcast %parallel_loop3A_300 : i32 to vector<16xi32>
        %parallel_loop3A_302 = arith.addi %parallel_loop3A_267, %parallel_loop3A_301 : vector<16xi32>
        %parallel_loop3A_303 = tpu.vector_load_idx %arg6[%parallel_loop3A_302] : memref<32768xf32, #tpu.memory_space<vmem>>[vector<16xi32>], vector<16xf32>,
        %parallel_loop3A_304 = arith.addf %parallel_loop3A_299, %parallel_loop3A_303 : vector<16xf32>
        %parallel_loop3A_305 = arith.mulf %parallel_loop3A_304, %parallel_loop3A_278 : vector<16xf32>
        %parallel_loop3A_306 = arith.constant 8 : i32
        %parallel_loop3A_307 = arith.muli %parallel_loop3A_82, %parallel_loop3A_306 : i32
        %parallel_loop3A_308 = arith.constant 1 : i32
        %parallel_loop3A_309 = arith.addi %parallel_loop3A_307, %parallel_loop3A_308 : i32
        %parallel_loop3A_310 = arith.index_cast %parallel_loop3A_309 : i32 to index
        %parallel_loop3A_311 = arith.constant 16 : index
        %parallel_loop3A_312 = tpu.vector_load %arg9[%parallel_loop3A_310, %parallel_loop3A_311] {strides = array<i32>} : memref<512x128xf32, #tpu.memory_space<vmem>>, vector<16xf32>,
        tpu.vector_store %arg9[%parallel_loop3A_310, %parallel_loop3A_311], %parallel_loop3A_305 {strides = array<i32>} : memref<512x128xf32, #tpu.memory_space<vmem>>, vector<16xf32>,
        %parallel_loop3A_313 = arith.constant 2 : i32
        %parallel_loop3A_314 = vector.broadcast %parallel_loop3A_313 : i32 to vector<16xi32>
        %parallel_loop3A_315 = arith.addi %parallel_loop3A_256, %parallel_loop3A_314 : vector<16xi32>
        %parallel_loop3A_316 = tpu.vector_load_idx %arg6[%parallel_loop3A_315] : memref<32768xf32, #tpu.memory_space<vmem>>[vector<16xi32>], vector<16xf32>,
        %parallel_loop3A_317 = arith.constant 2 : i32
        %parallel_loop3A_318 = vector.broadcast %parallel_loop3A_317 : i32 to vector<16xi32>
        %parallel_loop3A_319 = arith.addi %parallel_loop3A_267, %parallel_loop3A_318 : vector<16xi32>
        %parallel_loop3A_320 = tpu.vector_load_idx %arg6[%parallel_loop3A_319] : memref<32768xf32, #tpu.memory_space<vmem>>[vector<16xi32>], vector<16xf32>,
        %parallel_loop3A_321 = arith.addf %parallel_loop3A_316, %parallel_loop3A_320 : vector<16xf32>
        %parallel_loop3A_322 = arith.mulf %parallel_loop3A_321, %parallel_loop3A_278 : vector<16xf32>
        %parallel_loop3A_323 = arith.constant 8 : i32
        %parallel_loop3A_324 = arith.muli %parallel_loop3A_82, %parallel_loop3A_323 : i32
        %parallel_loop3A_325 = arith.constant 2 : i32
        %parallel_loop3A_326 = arith.addi %parallel_loop3A_324, %parallel_loop3A_325 : i32
        %parallel_loop3A_327 = arith.index_cast %parallel_loop3A_326 : i32 to index
        %parallel_loop3A_328 = arith.constant 16 : index
        %parallel_loop3A_329 = tpu.vector_load %arg9[%parallel_loop3A_327, %parallel_loop3A_328] {strides = array<i32>} : memref<512x128xf32, #tpu.memory_space<vmem>>, vector<16xf32>,
        tpu.vector_store %arg9[%parallel_loop3A_327, %parallel_loop3A_328], %parallel_loop3A_322 {strides = array<i32>} : memref<512x128xf32, #tpu.memory_space<vmem>>, vector<16xf32>,
        %parallel_loop3A_330 = arith.constant 3 : i32
        %parallel_loop3A_331 = vector.broadcast %parallel_loop3A_330 : i32 to vector<16xi32>
        %parallel_loop3A_332 = arith.addi %parallel_loop3A_256, %parallel_loop3A_331 : vector<16xi32>
        %parallel_loop3A_333 = tpu.vector_load_idx %arg6[%parallel_loop3A_332] : memref<32768xf32, #tpu.memory_space<vmem>>[vector<16xi32>], vector<16xf32>,
        %parallel_loop3A_334 = arith.constant 3 : i32
        %parallel_loop3A_335 = vector.broadcast %parallel_loop3A_334 : i32 to vector<16xi32>
        %parallel_loop3A_336 = arith.addi %parallel_loop3A_267, %parallel_loop3A_335 : vector<16xi32>
        %parallel_loop3A_337 = tpu.vector_load_idx %arg6[%parallel_loop3A_336] : memref<32768xf32, #tpu.memory_space<vmem>>[vector<16xi32>], vector<16xf32>,
        %parallel_loop3A_338 = arith.addf %parallel_loop3A_333, %parallel_loop3A_337 : vector<16xf32>
        %parallel_loop3A_339 = arith.mulf %parallel_loop3A_338, %parallel_loop3A_278 : vector<16xf32>
        %parallel_loop3A_340 = arith.constant 8 : i32
        %parallel_loop3A_341 = arith.muli %parallel_loop3A_82, %parallel_loop3A_340 : i32
        %parallel_loop3A_342 = arith.constant 3 : i32
        %parallel_loop3A_343 = arith.addi %parallel_loop3A_341, %parallel_loop3A_342 : i32
        %parallel_loop3A_344 = arith.index_cast %parallel_loop3A_343 : i32 to index
        %parallel_loop3A_345 = arith.constant 16 : index
        %parallel_loop3A_346 = tpu.vector_load %arg9[%parallel_loop3A_344, %parallel_loop3A_345] {strides = array<i32>} : memref<512x128xf32, #tpu.memory_space<vmem>>, vector<16xf32>,
        tpu.vector_store %arg9[%parallel_loop3A_344, %parallel_loop3A_345], %parallel_loop3A_339 {strides = array<i32>} : memref<512x128xf32, #tpu.memory_space<vmem>>, vector<16xf32>,
        %parallel_loop3A_347 = arith.constant 4 : i32
        %parallel_loop3A_348 = vector.broadcast %parallel_loop3A_347 : i32 to vector<16xi32>
        %parallel_loop3A_349 = arith.addi %parallel_loop3A_256, %parallel_loop3A_348 : vector<16xi32>
        %parallel_loop3A_350 = tpu.vector_load_idx %arg6[%parallel_loop3A_349] : memref<32768xf32, #tpu.memory_space<vmem>>[vector<16xi32>], vector<16xf32>,
        %parallel_loop3A_351 = arith.constant 4 : i32
        %parallel_loop3A_352 = vector.broadcast %parallel_loop3A_351 : i32 to vector<16xi32>
        %parallel_loop3A_353 = arith.addi %parallel_loop3A_267, %parallel_loop3A_352 : vector<16xi32>
        %parallel_loop3A_354 = tpu.vector_load_idx %arg6[%parallel_loop3A_353] : memref<32768xf32, #tpu.memory_space<vmem>>[vector<16xi32>], vector<16xf32>,
        %parallel_loop3A_355 = arith.addf %parallel_loop3A_350, %parallel_loop3A_354 : vector<16xf32>
        %parallel_loop3A_356 = arith.mulf %parallel_loop3A_355, %parallel_loop3A_278 : vector<16xf32>
        %parallel_loop3A_357 = arith.constant 8 : i32
        %parallel_loop3A_358 = arith.muli %parallel_loop3A_82, %parallel_loop3A_357 : i32
        %parallel_loop3A_359 = arith.constant 4 : i32
        %parallel_loop3A_360 = arith.addi %parallel_loop3A_358, %parallel_loop3A_359 : i32
        %parallel_loop3A_361 = arith.index_cast %parallel_loop3A_360 : i32 to index
        %parallel_loop3A_362 = arith.constant 16 : index
        %parallel_loop3A_363 = tpu.vector_load %arg9[%parallel_loop3A_361, %parallel_loop3A_362] {strides = array<i32>} : memref<512x128xf32, #tpu.memory_space<vmem>>, vector<16xf32>,
        tpu.vector_store %arg9[%parallel_loop3A_361, %parallel_loop3A_362], %parallel_loop3A_356 {strides = array<i32>} : memref<512x128xf32, #tpu.memory_space<vmem>>, vector<16xf32>,
        %parallel_loop3A_364 = arith.constant 5 : i32
        %parallel_loop3A_365 = vector.broadcast %parallel_loop3A_364 : i32 to vector<16xi32>
        %parallel_loop3A_366 = arith.addi %parallel_loop3A_256, %parallel_loop3A_365 : vector<16xi32>
        %parallel_loop3A_367 = tpu.vector_load_idx %arg6[%parallel_loop3A_366] : memref<32768xf32, #tpu.memory_space<vmem>>[vector<16xi32>], vector<16xf32>,
        %parallel_loop3A_368 = arith.constant 5 : i32
        %parallel_loop3A_369 = vector.broadcast %parallel_loop3A_368 : i32 to vector<16xi32>
        %parallel_loop3A_370 = arith.addi %parallel_loop3A_267, %parallel_loop3A_369 : vector<16xi32>
        %parallel_loop3A_371 = tpu.vector_load_idx %arg6[%parallel_loop3A_370] : memref<32768xf32, #tpu.memory_space<vmem>>[vector<16xi32>], vector<16xf32>,
        %parallel_loop3A_372 = arith.addf %parallel_loop3A_367, %parallel_loop3A_371 : vector<16xf32>
        %parallel_loop3A_373 = arith.mulf %parallel_loop3A_372, %parallel_loop3A_278 : vector<16xf32>
        %parallel_loop3A_374 = arith.constant 8 : i32
        %parallel_loop3A_375 = arith.muli %parallel_loop3A_82, %parallel_loop3A_374 : i32
        %parallel_loop3A_376 = arith.constant 5 : i32
        %parallel_loop3A_377 = arith.addi %parallel_loop3A_375, %parallel_loop3A_376 : i32
        %parallel_loop3A_378 = arith.index_cast %parallel_loop3A_377 : i32 to index
        %parallel_loop3A_379 = arith.constant 16 : index
        %parallel_loop3A_380 = tpu.vector_load %arg9[%parallel_loop3A_378, %parallel_loop3A_379] {strides = array<i32>} : memref<512x128xf32, #tpu.memory_space<vmem>>, vector<16xf32>,
        tpu.vector_store %arg9[%parallel_loop3A_378, %parallel_loop3A_379], %parallel_loop3A_373 {strides = array<i32>} : memref<512x128xf32, #tpu.memory_space<vmem>>, vector<16xf32>,
        %parallel_loop3A_381 = arith.constant 6 : i32
        %parallel_loop3A_382 = vector.broadcast %parallel_loop3A_381 : i32 to vector<16xi32>
        %parallel_loop3A_383 = arith.addi %parallel_loop3A_256, %parallel_loop3A_382 : vector<16xi32>
        %parallel_loop3A_384 = tpu.vector_load_idx %arg6[%parallel_loop3A_383] : memref<32768xf32, #tpu.memory_space<vmem>>[vector<16xi32>], vector<16xf32>,
        %parallel_loop3A_385 = arith.constant 6 : i32
        %parallel_loop3A_386 = vector.broadcast %parallel_loop3A_385 : i32 to vector<16xi32>
        %parallel_loop3A_387 = arith.addi %parallel_loop3A_267, %parallel_loop3A_386 : vector<16xi32>
        %parallel_loop3A_388 = tpu.vector_load_idx %arg6[%parallel_loop3A_387] : memref<32768xf32, #tpu.memory_space<vmem>>[vector<16xi32>], vector<16xf32>,
        %parallel_loop3A_389 = arith.addf %parallel_loop3A_384, %parallel_loop3A_388 : vector<16xf32>
        %parallel_loop3A_390 = arith.mulf %parallel_loop3A_389, %parallel_loop3A_278 : vector<16xf32>
        %parallel_loop3A_391 = arith.constant 8 : i32
        %parallel_loop3A_392 = arith.muli %parallel_loop3A_82, %parallel_loop3A_391 : i32
        %parallel_loop3A_393 = arith.constant 6 : i32
        %parallel_loop3A_394 = arith.addi %parallel_loop3A_392, %parallel_loop3A_393 : i32
        %parallel_loop3A_395 = arith.index_cast %parallel_loop3A_394 : i32 to index
        %parallel_loop3A_396 = arith.constant 16 : index
        %parallel_loop3A_397 = tpu.vector_load %arg9[%parallel_loop3A_395, %parallel_loop3A_396] {strides = array<i32>} : memref<512x128xf32, #tpu.memory_space<vmem>>, vector<16xf32>,
        tpu.vector_store %arg9[%parallel_loop3A_395, %parallel_loop3A_396], %parallel_loop3A_390 {strides = array<i32>} : memref<512x128xf32, #tpu.memory_space<vmem>>, vector<16xf32>,
        %parallel_loop3A_398 = arith.constant 7 : i32
        %parallel_loop3A_399 = vector.broadcast %parallel_loop3A_398 : i32 to vector<16xi32>
        %parallel_loop3A_400 = arith.addi %parallel_loop3A_256, %parallel_loop3A_399 : vector<16xi32>
        %parallel_loop3A_401 = tpu.vector_load_idx %arg6[%parallel_loop3A_400] : memref<32768xf32, #tpu.memory_space<vmem>>[vector<16xi32>], vector<16xf32>,
        %parallel_loop3A_402 = arith.constant 7 : i32
        %parallel_loop3A_403 = vector.broadcast %parallel_loop3A_402 : i32 to vector<16xi32>
        %parallel_loop3A_404 = arith.addi %parallel_loop3A_267, %parallel_loop3A_403 : vector<16xi32>
        %parallel_loop3A_405 = tpu.vector_load_idx %arg6[%parallel_loop3A_404] : memref<32768xf32, #tpu.memory_space<vmem>>[vector<16xi32>], vector<16xf32>,
        %parallel_loop3A_406 = arith.addf %parallel_loop3A_401, %parallel_loop3A_405 : vector<16xf32>
        %parallel_loop3A_407 = arith.mulf %parallel_loop3A_406, %parallel_loop3A_278 : vector<16xf32>
        %parallel_loop3A_408 = arith.constant 8 : i32
        %parallel_loop3A_409 = arith.muli %parallel_loop3A_82, %parallel_loop3A_408 : i32
        %parallel_loop3A_410 = arith.constant 7 : i32
        %parallel_loop3A_411 = arith.addi %parallel_loop3A_409, %parallel_loop3A_410 : i32
        %parallel_loop3A_412 = arith.index_cast %parallel_loop3A_411 : i32 to index
        %parallel_loop3A_413 = arith.constant 16 : index
        %parallel_loop3A_414 = tpu.vector_load %arg9[%parallel_loop3A_412, %parallel_loop3A_413] {strides = array<i32>} : memref<512x128xf32, #tpu.memory_space<vmem>>, vector<16xf32>,
        tpu.vector_store %arg9[%parallel_loop3A_412, %parallel_loop3A_413], %parallel_loop3A_407 {strides = array<i32>} : memref<512x128xf32, #tpu.memory_space<vmem>>, vector<16xf32>,
        %parallel_loop3A_415 = arith.constant 0 : i32
        %parallel_loop3A_416 = arith.index_cast %parallel_loop3A_82 : i32 to index
        %parallel_loop3A_417 = arith.index_cast %parallel_loop3A_415 : i32 to index
        %parallel_loop3A_418 = arith.constant 32 : index
        %parallel_loop3A_419 = tpu.vector_load %arg7[%parallel_loop3A_416, %parallel_loop3A_417, %parallel_loop3A_418] {strides = array<i32>} : memref<64x2x128xi32, #tpu.memory_space<vmem>>, vector<16xi32>,
        %parallel_loop3A_420 = arith.constant 16 : i32
        %parallel_loop3A_421 = vector.broadcast %parallel_loop3A_420 : i32 to vector<16xi32>
        %parallel_loop3A_422 = arith.muli %parallel_loop3A_419, %parallel_loop3A_421 : vector<16xi32>
        %parallel_loop3A_423 = arith.constant 1 : i32
        %parallel_loop3A_424 = arith.index_cast %parallel_loop3A_82 : i32 to index
        %parallel_loop3A_425 = arith.index_cast %parallel_loop3A_423 : i32 to index
        %parallel_loop3A_426 = arith.constant 32 : index
        %parallel_loop3A_427 = tpu.vector_load %arg7[%parallel_loop3A_424, %parallel_loop3A_425, %parallel_loop3A_426] {strides = array<i32>} : memref<64x2x128xi32, #tpu.memory_space<vmem>>, vector<16xi32>,
        %parallel_loop3A_428 = arith.constant 16 : i32
        %parallel_loop3A_429 = vector.broadcast %parallel_loop3A_428 : i32 to vector<16xi32>
        %parallel_loop3A_430 = arith.muli %parallel_loop3A_427, %parallel_loop3A_429 : vector<16xi32>
        %parallel_loop3A_431 = arith.constant 8 : i32
        %parallel_loop3A_432 = vector.broadcast %parallel_loop3A_431 : i32 to vector<16xi32>
        %parallel_loop3A_433 = arith.addi %parallel_loop3A_430, %parallel_loop3A_432 : vector<16xi32>
        %parallel_loop3A_434 = arith.index_cast %parallel_loop3A_82 : i32 to index
        %parallel_loop3A_435 = arith.constant 32 : index
        %parallel_loop3A_436 = tpu.vector_load %arg8[%parallel_loop3A_434, %parallel_loop3A_435] {strides = array<i32>} : memref<64x128xi32, #tpu.memory_space<vmem>>, vector<16xi32>,
        %parallel_loop3A_437 = arith.constant 2 : i32
        %parallel_loop3A_438 = vector.broadcast %parallel_loop3A_437 : i32 to vector<16xi32>
        %parallel_loop3A_439 = arith.cmpi sge, %parallel_loop3A_436, %parallel_loop3A_438 : vector<16xi32>
        %parallel_loop3A_440 = arith.constant 5.000000e-01 : f32
        %parallel_loop3A_441 = arith.constant 1.000000e+00 : f32
        %parallel_loop3A_442 = vector.broadcast %parallel_loop3A_440 : f32 to vector<16xf32>
        %parallel_loop3A_443 = vector.broadcast %parallel_loop3A_441 : f32 to vector<16xf32>
        %parallel_loop3A_444 = arith.select %parallel_loop3A_439, %parallel_loop3A_442, %parallel_loop3A_443 : vector<16xi1>, vector<16xf32>
        %parallel_loop3A_445 = arith.constant 0 : i32
        %parallel_loop3A_446 = vector.broadcast %parallel_loop3A_445 : i32 to vector<16xi32>
        %parallel_loop3A_447 = arith.addi %parallel_loop3A_422, %parallel_loop3A_446 : vector<16xi32>
        %parallel_loop3A_448 = tpu.vector_load_idx %arg6[%parallel_loop3A_447] : memref<32768xf32, #tpu.memory_space<vmem>>[vector<16xi32>], vector<16xf32>,
        %parallel_loop3A_449 = arith.constant 0 : i32
        %parallel_loop3A_450 = vector.broadcast %parallel_loop3A_449 : i32 to vector<16xi32>
        %parallel_loop3A_451 = arith.addi %parallel_loop3A_433, %parallel_loop3A_450 : vector<16xi32>
        %parallel_loop3A_452 = tpu.vector_load_idx %arg6[%parallel_loop3A_451] : memref<32768xf32, #tpu.memory_space<vmem>>[vector<16xi32>], vector<16xf32>,
        %parallel_loop3A_453 = arith.addf %parallel_loop3A_448, %parallel_loop3A_452 : vector<16xf32>
        %parallel_loop3A_454 = arith.mulf %parallel_loop3A_453, %parallel_loop3A_444 : vector<16xf32>
        %parallel_loop3A_455 = arith.constant 8 : i32
        %parallel_loop3A_456 = arith.muli %parallel_loop3A_82, %parallel_loop3A_455 : i32
        %parallel_loop3A_457 = arith.constant 0 : i32
        %parallel_loop3A_458 = arith.addi %parallel_loop3A_456, %parallel_loop3A_457 : i32
        %parallel_loop3A_459 = arith.index_cast %parallel_loop3A_458 : i32 to index
        %parallel_loop3A_460 = arith.constant 32 : index
        %parallel_loop3A_461 = tpu.vector_load %arg9[%parallel_loop3A_459, %parallel_loop3A_460] {strides = array<i32>} : memref<512x128xf32, #tpu.memory_space<vmem>>, vector<16xf32>,
        tpu.vector_store %arg9[%parallel_loop3A_459, %parallel_loop3A_460], %parallel_loop3A_454 {strides = array<i32>} : memref<512x128xf32, #tpu.memory_space<vmem>>, vector<16xf32>,
        %parallel_loop3A_462 = arith.constant 1 : i32
        %parallel_loop3A_463 = vector.broadcast %parallel_loop3A_462 : i32 to vector<16xi32>
        %parallel_loop3A_464 = arith.addi %parallel_loop3A_422, %parallel_loop3A_463 : vector<16xi32>
        %parallel_loop3A_465 = tpu.vector_load_idx %arg6[%parallel_loop3A_464] : memref<32768xf32, #tpu.memory_space<vmem>>[vector<16xi32>], vector<16xf32>,
        %parallel_loop3A_466 = arith.constant 1 : i32
        %parallel_loop3A_467 = vector.broadcast %parallel_loop3A_466 : i32 to vector<16xi32>
        %parallel_loop3A_468 = arith.addi %parallel_loop3A_433, %parallel_loop3A_467 : vector<16xi32>
        %parallel_loop3A_469 = tpu.vector_load_idx %arg6[%parallel_loop3A_468] : memref<32768xf32, #tpu.memory_space<vmem>>[vector<16xi32>], vector<16xf32>,
        %parallel_loop3A_470 = arith.addf %parallel_loop3A_465, %parallel_loop3A_469 : vector<16xf32>
        %parallel_loop3A_471 = arith.mulf %parallel_loop3A_470, %parallel_loop3A_444 : vector<16xf32>
        %parallel_loop3A_472 = arith.constant 8 : i32
        %parallel_loop3A_473 = arith.muli %parallel_loop3A_82, %parallel_loop3A_472 : i32
        %parallel_loop3A_474 = arith.constant 1 : i32
        %parallel_loop3A_475 = arith.addi %parallel_loop3A_473, %parallel_loop3A_474 : i32
        %parallel_loop3A_476 = arith.index_cast %parallel_loop3A_475 : i32 to index
        %parallel_loop3A_477 = arith.constant 32 : index
        %parallel_loop3A_478 = tpu.vector_load %arg9[%parallel_loop3A_476, %parallel_loop3A_477] {strides = array<i32>} : memref<512x128xf32, #tpu.memory_space<vmem>>, vector<16xf32>,
        tpu.vector_store %arg9[%parallel_loop3A_476, %parallel_loop3A_477], %parallel_loop3A_471 {strides = array<i32>} : memref<512x128xf32, #tpu.memory_space<vmem>>, vector<16xf32>,
        %parallel_loop3A_479 = arith.constant 2 : i32
        %parallel_loop3A_480 = vector.broadcast %parallel_loop3A_479 : i32 to vector<16xi32>
        %parallel_loop3A_481 = arith.addi %parallel_loop3A_422, %parallel_loop3A_480 : vector<16xi32>
        %parallel_loop3A_482 = tpu.vector_load_idx %arg6[%parallel_loop3A_481] : memref<32768xf32, #tpu.memory_space<vmem>>[vector<16xi32>], vector<16xf32>,
        %parallel_loop3A_483 = arith.constant 2 : i32
        %parallel_loop3A_484 = vector.broadcast %parallel_loop3A_483 : i32 to vector<16xi32>
        %parallel_loop3A_485 = arith.addi %parallel_loop3A_433, %parallel_loop3A_484 : vector<16xi32>
        %parallel_loop3A_486 = tpu.vector_load_idx %arg6[%parallel_loop3A_485] : memref<32768xf32, #tpu.memory_space<vmem>>[vector<16xi32>], vector<16xf32>,
        %parallel_loop3A_487 = arith.addf %parallel_loop3A_482, %parallel_loop3A_486 : vector<16xf32>
        %parallel_loop3A_488 = arith.mulf %parallel_loop3A_487, %parallel_loop3A_444 : vector<16xf32>
        %parallel_loop3A_489 = arith.constant 8 : i32
        %parallel_loop3A_490 = arith.muli %parallel_loop3A_82, %parallel_loop3A_489 : i32
        %parallel_loop3A_491 = arith.constant 2 : i32
        %parallel_loop3A_492 = arith.addi %parallel_loop3A_490, %parallel_loop3A_491 : i32
        %parallel_loop3A_493 = arith.index_cast %parallel_loop3A_492 : i32 to index
        %parallel_loop3A_494 = arith.constant 32 : index
        %parallel_loop3A_495 = tpu.vector_load %arg9[%parallel_loop3A_493, %parallel_loop3A_494] {strides = array<i32>} : memref<512x128xf32, #tpu.memory_space<vmem>>, vector<16xf32>,
        tpu.vector_store %arg9[%parallel_loop3A_493, %parallel_loop3A_494], %parallel_loop3A_488 {strides = array<i32>} : memref<512x128xf32, #tpu.memory_space<vmem>>, vector<16xf32>,
        %parallel_loop3A_496 = arith.constant 3 : i32
        %parallel_loop3A_497 = vector.broadcast %parallel_loop3A_496 : i32 to vector<16xi32>
        %parallel_loop3A_498 = arith.addi %parallel_loop3A_422, %parallel_loop3A_497 : vector<16xi32>
        %parallel_loop3A_499 = tpu.vector_load_idx %arg6[%parallel_loop3A_498] : memref<32768xf32, #tpu.memory_space<vmem>>[vector<16xi32>], vector<16xf32>,
        %parallel_loop3A_500 = arith.constant 3 : i32
        %parallel_loop3A_501 = vector.broadcast %parallel_loop3A_500 : i32 to vector<16xi32>
        %parallel_loop3A_502 = arith.addi %parallel_loop3A_433, %parallel_loop3A_501 : vector<16xi32>
        %parallel_loop3A_503 = tpu.vector_load_idx %arg6[%parallel_loop3A_502] : memref<32768xf32, #tpu.memory_space<vmem>>[vector<16xi32>], vector<16xf32>,
        %parallel_loop3A_504 = arith.addf %parallel_loop3A_499, %parallel_loop3A_503 : vector<16xf32>
        %parallel_loop3A_505 = arith.mulf %parallel_loop3A_504, %parallel_loop3A_444 : vector<16xf32>
        %parallel_loop3A_506 = arith.constant 8 : i32
        %parallel_loop3A_507 = arith.muli %parallel_loop3A_82, %parallel_loop3A_506 : i32
        %parallel_loop3A_508 = arith.constant 3 : i32
        %parallel_loop3A_509 = arith.addi %parallel_loop3A_507, %parallel_loop3A_508 : i32
        %parallel_loop3A_510 = arith.index_cast %parallel_loop3A_509 : i32 to index
        %parallel_loop3A_511 = arith.constant 32 : index
        %parallel_loop3A_512 = tpu.vector_load %arg9[%parallel_loop3A_510, %parallel_loop3A_511] {strides = array<i32>} : memref<512x128xf32, #tpu.memory_space<vmem>>, vector<16xf32>,
        tpu.vector_store %arg9[%parallel_loop3A_510, %parallel_loop3A_511], %parallel_loop3A_505 {strides = array<i32>} : memref<512x128xf32, #tpu.memory_space<vmem>>, vector<16xf32>,
        %parallel_loop3A_513 = arith.constant 4 : i32
        %parallel_loop3A_514 = vector.broadcast %parallel_loop3A_513 : i32 to vector<16xi32>
        %parallel_loop3A_515 = arith.addi %parallel_loop3A_422, %parallel_loop3A_514 : vector<16xi32>
        %parallel_loop3A_516 = tpu.vector_load_idx %arg6[%parallel_loop3A_515] : memref<32768xf32, #tpu.memory_space<vmem>>[vector<16xi32>], vector<16xf32>,
        %parallel_loop3A_517 = arith.constant 4 : i32
        %parallel_loop3A_518 = vector.broadcast %parallel_loop3A_517 : i32 to vector<16xi32>
        %parallel_loop3A_519 = arith.addi %parallel_loop3A_433, %parallel_loop3A_518 : vector<16xi32>
        %parallel_loop3A_520 = tpu.vector_load_idx %arg6[%parallel_loop3A_519] : memref<32768xf32, #tpu.memory_space<vmem>>[vector<16xi32>], vector<16xf32>,
        %parallel_loop3A_521 = arith.addf %parallel_loop3A_516, %parallel_loop3A_520 : vector<16xf32>
        %parallel_loop3A_522 = arith.mulf %parallel_loop3A_521, %parallel_loop3A_444 : vector<16xf32>
        %parallel_loop3A_523 = arith.constant 8 : i32
        %parallel_loop3A_524 = arith.muli %parallel_loop3A_82, %parallel_loop3A_523 : i32
        %parallel_loop3A_525 = arith.constant 4 : i32
        %parallel_loop3A_526 = arith.addi %parallel_loop3A_524, %parallel_loop3A_525 : i32
        %parallel_loop3A_527 = arith.index_cast %parallel_loop3A_526 : i32 to index
        %parallel_loop3A_528 = arith.constant 32 : index
        %parallel_loop3A_529 = tpu.vector_load %arg9[%parallel_loop3A_527, %parallel_loop3A_528] {strides = array<i32>} : memref<512x128xf32, #tpu.memory_space<vmem>>, vector<16xf32>,
        tpu.vector_store %arg9[%parallel_loop3A_527, %parallel_loop3A_528], %parallel_loop3A_522 {strides = array<i32>} : memref<512x128xf32, #tpu.memory_space<vmem>>, vector<16xf32>,
        %parallel_loop3A_530 = arith.constant 5 : i32
        %parallel_loop3A_531 = vector.broadcast %parallel_loop3A_530 : i32 to vector<16xi32>
        %parallel_loop3A_532 = arith.addi %parallel_loop3A_422, %parallel_loop3A_531 : vector<16xi32>
        %parallel_loop3A_533 = tpu.vector_load_idx %arg6[%parallel_loop3A_532] : memref<32768xf32, #tpu.memory_space<vmem>>[vector<16xi32>], vector<16xf32>,
        %parallel_loop3A_534 = arith.constant 5 : i32
        %parallel_loop3A_535 = vector.broadcast %parallel_loop3A_534 : i32 to vector<16xi32>
        %parallel_loop3A_536 = arith.addi %parallel_loop3A_433, %parallel_loop3A_535 : vector<16xi32>
        %parallel_loop3A_537 = tpu.vector_load_idx %arg6[%parallel_loop3A_536] : memref<32768xf32, #tpu.memory_space<vmem>>[vector<16xi32>], vector<16xf32>,
        %parallel_loop3A_538 = arith.addf %parallel_loop3A_533, %parallel_loop3A_537 : vector<16xf32>
        %parallel_loop3A_539 = arith.mulf %parallel_loop3A_538, %parallel_loop3A_444 : vector<16xf32>
        %parallel_loop3A_540 = arith.constant 8 : i32
        %parallel_loop3A_541 = arith.muli %parallel_loop3A_82, %parallel_loop3A_540 : i32
        %parallel_loop3A_542 = arith.constant 5 : i32
        %parallel_loop3A_543 = arith.addi %parallel_loop3A_541, %parallel_loop3A_542 : i32
        %parallel_loop3A_544 = arith.index_cast %parallel_loop3A_543 : i32 to index
        %parallel_loop3A_545 = arith.constant 32 : index
        %parallel_loop3A_546 = tpu.vector_load %arg9[%parallel_loop3A_544, %parallel_loop3A_545] {strides = array<i32>} : memref<512x128xf32, #tpu.memory_space<vmem>>, vector<16xf32>,
        tpu.vector_store %arg9[%parallel_loop3A_544, %parallel_loop3A_545], %parallel_loop3A_539 {strides = array<i32>} : memref<512x128xf32, #tpu.memory_space<vmem>>, vector<16xf32>,
        %parallel_loop3A_547 = arith.constant 6 : i32
        %parallel_loop3A_548 = vector.broadcast %parallel_loop3A_547 : i32 to vector<16xi32>
        %parallel_loop3A_549 = arith.addi %parallel_loop3A_422, %parallel_loop3A_548 : vector<16xi32>
        %parallel_loop3A_550 = tpu.vector_load_idx %arg6[%parallel_loop3A_549] : memref<32768xf32, #tpu.memory_space<vmem>>[vector<16xi32>], vector<16xf32>,
        %parallel_loop3A_551 = arith.constant 6 : i32
        %parallel_loop3A_552 = vector.broadcast %parallel_loop3A_551 : i32 to vector<16xi32>
        %parallel_loop3A_553 = arith.addi %parallel_loop3A_433, %parallel_loop3A_552 : vector<16xi32>
        %parallel_loop3A_554 = tpu.vector_load_idx %arg6[%parallel_loop3A_553] : memref<32768xf32, #tpu.memory_space<vmem>>[vector<16xi32>], vector<16xf32>,
        %parallel_loop3A_555 = arith.addf %parallel_loop3A_550, %parallel_loop3A_554 : vector<16xf32>
        %parallel_loop3A_556 = arith.mulf %parallel_loop3A_555, %parallel_loop3A_444 : vector<16xf32>
        %parallel_loop3A_557 = arith.constant 8 : i32
        %parallel_loop3A_558 = arith.muli %parallel_loop3A_82, %parallel_loop3A_557 : i32
        %parallel_loop3A_559 = arith.constant 6 : i32
        %parallel_loop3A_560 = arith.addi %parallel_loop3A_558, %parallel_loop3A_559 : i32
        %parallel_loop3A_561 = arith.index_cast %parallel_loop3A_560 : i32 to index
        %parallel_loop3A_562 = arith.constant 32 : index
        %parallel_loop3A_563 = tpu.vector_load %arg9[%parallel_loop3A_561, %parallel_loop3A_562] {strides = array<i32>} : memref<512x128xf32, #tpu.memory_space<vmem>>, vector<16xf32>,
        tpu.vector_store %arg9[%parallel_loop3A_561, %parallel_loop3A_562], %parallel_loop3A_556 {strides = array<i32>} : memref<512x128xf32, #tpu.memory_space<vmem>>, vector<16xf32>,
        %parallel_loop3A_564 = arith.constant 7 : i32
        %parallel_loop3A_565 = vector.broadcast %parallel_loop3A_564 : i32 to vector<16xi32>
        %parallel_loop3A_566 = arith.addi %parallel_loop3A_422, %parallel_loop3A_565 : vector<16xi32>
        %parallel_loop3A_567 = tpu.vector_load_idx %arg6[%parallel_loop3A_566] : memref<32768xf32, #tpu.memory_space<vmem>>[vector<16xi32>], vector<16xf32>,
        %parallel_loop3A_568 = arith.constant 7 : i32
        %parallel_loop3A_569 = vector.broadcast %parallel_loop3A_568 : i32 to vector<16xi32>
        %parallel_loop3A_570 = arith.addi %parallel_loop3A_433, %parallel_loop3A_569 : vector<16xi32>
        %parallel_loop3A_571 = tpu.vector_load_idx %arg6[%parallel_loop3A_570] : memref<32768xf32, #tpu.memory_space<vmem>>[vector<16xi32>], vector<16xf32>,
        %parallel_loop3A_572 = arith.addf %parallel_loop3A_567, %parallel_loop3A_571 : vector<16xf32>
        %parallel_loop3A_573 = arith.mulf %parallel_loop3A_572, %parallel_loop3A_444 : vector<16xf32>
        %parallel_loop3A_574 = arith.constant 8 : i32
        %parallel_loop3A_575 = arith.muli %parallel_loop3A_82, %parallel_loop3A_574 : i32
        %parallel_loop3A_576 = arith.constant 7 : i32
        %parallel_loop3A_577 = arith.addi %parallel_loop3A_575, %parallel_loop3A_576 : i32
        %parallel_loop3A_578 = arith.index_cast %parallel_loop3A_577 : i32 to index
        %parallel_loop3A_579 = arith.constant 32 : index
        %parallel_loop3A_580 = tpu.vector_load %arg9[%parallel_loop3A_578, %parallel_loop3A_579] {strides = array<i32>} : memref<512x128xf32, #tpu.memory_space<vmem>>, vector<16xf32>,
        tpu.vector_store %arg9[%parallel_loop3A_578, %parallel_loop3A_579], %parallel_loop3A_573 {strides = array<i32>} : memref<512x128xf32, #tpu.memory_space<vmem>>, vector<16xf32>,
        %parallel_loop3A_581 = arith.constant 0 : i32
        %parallel_loop3A_582 = arith.index_cast %parallel_loop3A_82 : i32 to index
        %parallel_loop3A_583 = arith.index_cast %parallel_loop3A_581 : i32 to index
        %parallel_loop3A_584 = arith.constant 48 : index
        %parallel_loop3A_585 = tpu.vector_load %arg7[%parallel_loop3A_582, %parallel_loop3A_583, %parallel_loop3A_584] {strides = array<i32>} : memref<64x2x128xi32, #tpu.memory_space<vmem>>, vector<16xi32>,
        %parallel_loop3A_586 = arith.constant 16 : i32
        %parallel_loop3A_587 = vector.broadcast %parallel_loop3A_586 : i32 to vector<16xi32>
        %parallel_loop3A_588 = arith.muli %parallel_loop3A_585, %parallel_loop3A_587 : vector<16xi32>
        %parallel_loop3A_589 = arith.constant 1 : i32
        %parallel_loop3A_590 = arith.index_cast %parallel_loop3A_82 : i32 to index
        %parallel_loop3A_591 = arith.index_cast %parallel_loop3A_589 : i32 to index
        %parallel_loop3A_592 = arith.constant 48 : index
        %parallel_loop3A_593 = tpu.vector_load %arg7[%parallel_loop3A_590, %parallel_loop3A_591, %parallel_loop3A_592] {strides = array<i32>} : memref<64x2x128xi32, #tpu.memory_space<vmem>>, vector<16xi32>,
        %parallel_loop3A_594 = arith.constant 16 : i32
        %parallel_loop3A_595 = vector.broadcast %parallel_loop3A_594 : i32 to vector<16xi32>
        %parallel_loop3A_596 = arith.muli %parallel_loop3A_593, %parallel_loop3A_595 : vector<16xi32>
        %parallel_loop3A_597 = arith.constant 8 : i32
        %parallel_loop3A_598 = vector.broadcast %parallel_loop3A_597 : i32 to vector<16xi32>
        %parallel_loop3A_599 = arith.addi %parallel_loop3A_596, %parallel_loop3A_598 : vector<16xi32>
        %parallel_loop3A_600 = arith.index_cast %parallel_loop3A_82 : i32 to index
        %parallel_loop3A_601 = arith.constant 48 : index
        %parallel_loop3A_602 = tpu.vector_load %arg8[%parallel_loop3A_600, %parallel_loop3A_601] {strides = array<i32>} : memref<64x128xi32, #tpu.memory_space<vmem>>, vector<16xi32>,
        %parallel_loop3A_603 = arith.constant 2 : i32
        %parallel_loop3A_604 = vector.broadcast %parallel_loop3A_603 : i32 to vector<16xi32>
        %parallel_loop3A_605 = arith.cmpi sge, %parallel_loop3A_602, %parallel_loop3A_604 : vector<16xi32>
        %parallel_loop3A_606 = arith.constant 5.000000e-01 : f32
        %parallel_loop3A_607 = arith.constant 1.000000e+00 : f32
        %parallel_loop3A_608 = vector.broadcast %parallel_loop3A_606 : f32 to vector<16xf32>
        %parallel_loop3A_609 = vector.broadcast %parallel_loop3A_607 : f32 to vector<16xf32>
        %parallel_loop3A_610 = arith.select %parallel_loop3A_605, %parallel_loop3A_608, %parallel_loop3A_609 : vector<16xi1>, vector<16xf32>
        %parallel_loop3A_611 = arith.constant 0 : i32
        %parallel_loop3A_612 = vector.broadcast %parallel_loop3A_611 : i32 to vector<16xi32>
        %parallel_loop3A_613 = arith.addi %parallel_loop3A_588, %parallel_loop3A_612 : vector<16xi32>
        %parallel_loop3A_614 = tpu.vector_load_idx %arg6[%parallel_loop3A_613] : memref<32768xf32, #tpu.memory_space<vmem>>[vector<16xi32>], vector<16xf32>,
        %parallel_loop3A_615 = arith.constant 0 : i32
        %parallel_loop3A_616 = vector.broadcast %parallel_loop3A_615 : i32 to vector<16xi32>
        %parallel_loop3A_617 = arith.addi %parallel_loop3A_599, %parallel_loop3A_616 : vector<16xi32>
        %parallel_loop3A_618 = tpu.vector_load_idx %arg6[%parallel_loop3A_617] : memref<32768xf32, #tpu.memory_space<vmem>>[vector<16xi32>], vector<16xf32>,
        %parallel_loop3A_619 = arith.addf %parallel_loop3A_614, %parallel_loop3A_618 : vector<16xf32>
        %parallel_loop3A_620 = arith.mulf %parallel_loop3A_619, %parallel_loop3A_610 : vector<16xf32>
        %parallel_loop3A_621 = arith.constant 8 : i32
        %parallel_loop3A_622 = arith.muli %parallel_loop3A_82, %parallel_loop3A_621 : i32
        %parallel_loop3A_623 = arith.constant 0 : i32
        %parallel_loop3A_624 = arith.addi %parallel_loop3A_622, %parallel_loop3A_623 : i32
        %parallel_loop3A_625 = arith.index_cast %parallel_loop3A_624 : i32 to index
        %parallel_loop3A_626 = arith.constant 48 : index
        %parallel_loop3A_627 = tpu.vector_load %arg9[%parallel_loop3A_625, %parallel_loop3A_626] {strides = array<i32>} : memref<512x128xf32, #tpu.memory_space<vmem>>, vector<16xf32>,
        tpu.vector_store %arg9[%parallel_loop3A_625, %parallel_loop3A_626], %parallel_loop3A_620 {strides = array<i32>} : memref<512x128xf32, #tpu.memory_space<vmem>>, vector<16xf32>,
        %parallel_loop3A_628 = arith.constant 1 : i32
        %parallel_loop3A_629 = vector.broadcast %parallel_loop3A_628 : i32 to vector<16xi32>
        %parallel_loop3A_630 = arith.addi %parallel_loop3A_588, %parallel_loop3A_629 : vector<16xi32>
        %parallel_loop3A_631 = tpu.vector_load_idx %arg6[%parallel_loop3A_630] : memref<32768xf32, #tpu.memory_space<vmem>>[vector<16xi32>], vector<16xf32>,
        %parallel_loop3A_632 = arith.constant 1 : i32
        %parallel_loop3A_633 = vector.broadcast %parallel_loop3A_632 : i32 to vector<16xi32>
        %parallel_loop3A_634 = arith.addi %parallel_loop3A_599, %parallel_loop3A_633 : vector<16xi32>
        %parallel_loop3A_635 = tpu.vector_load_idx %arg6[%parallel_loop3A_634] : memref<32768xf32, #tpu.memory_space<vmem>>[vector<16xi32>], vector<16xf32>,
        %parallel_loop3A_636 = arith.addf %parallel_loop3A_631, %parallel_loop3A_635 : vector<16xf32>
        %parallel_loop3A_637 = arith.mulf %parallel_loop3A_636, %parallel_loop3A_610 : vector<16xf32>
        %parallel_loop3A_638 = arith.constant 8 : i32
        %parallel_loop3A_639 = arith.muli %parallel_loop3A_82, %parallel_loop3A_638 : i32
        %parallel_loop3A_640 = arith.constant 1 : i32
        %parallel_loop3A_641 = arith.addi %parallel_loop3A_639, %parallel_loop3A_640 : i32
        %parallel_loop3A_642 = arith.index_cast %parallel_loop3A_641 : i32 to index
        %parallel_loop3A_643 = arith.constant 48 : index
        %parallel_loop3A_644 = tpu.vector_load %arg9[%parallel_loop3A_642, %parallel_loop3A_643] {strides = array<i32>} : memref<512x128xf32, #tpu.memory_space<vmem>>, vector<16xf32>,
        tpu.vector_store %arg9[%parallel_loop3A_642, %parallel_loop3A_643], %parallel_loop3A_637 {strides = array<i32>} : memref<512x128xf32, #tpu.memory_space<vmem>>, vector<16xf32>,
        %parallel_loop3A_645 = arith.constant 2 : i32
        %parallel_loop3A_646 = vector.broadcast %parallel_loop3A_645 : i32 to vector<16xi32>
        %parallel_loop3A_647 = arith.addi %parallel_loop3A_588, %parallel_loop3A_646 : vector<16xi32>
        %parallel_loop3A_648 = tpu.vector_load_idx %arg6[%parallel_loop3A_647] : memref<32768xf32, #tpu.memory_space<vmem>>[vector<16xi32>], vector<16xf32>,
        %parallel_loop3A_649 = arith.constant 2 : i32
        %parallel_loop3A_650 = vector.broadcast %parallel_loop3A_649 : i32 to vector<16xi32>
        %parallel_loop3A_651 = arith.addi %parallel_loop3A_599, %parallel_loop3A_650 : vector<16xi32>
        %parallel_loop3A_652 = tpu.vector_load_idx %arg6[%parallel_loop3A_651] : memref<32768xf32, #tpu.memory_space<vmem>>[vector<16xi32>], vector<16xf32>,
        %parallel_loop3A_653 = arith.addf %parallel_loop3A_648, %parallel_loop3A_652 : vector<16xf32>
        %parallel_loop3A_654 = arith.mulf %parallel_loop3A_653, %parallel_loop3A_610 : vector<16xf32>
        %parallel_loop3A_655 = arith.constant 8 : i32
        %parallel_loop3A_656 = arith.muli %parallel_loop3A_82, %parallel_loop3A_655 : i32
        %parallel_loop3A_657 = arith.constant 2 : i32
        %parallel_loop3A_658 = arith.addi %parallel_loop3A_656, %parallel_loop3A_657 : i32
        %parallel_loop3A_659 = arith.index_cast %parallel_loop3A_658 : i32 to index
        %parallel_loop3A_660 = arith.constant 48 : index
        %parallel_loop3A_661 = tpu.vector_load %arg9[%parallel_loop3A_659, %parallel_loop3A_660] {strides = array<i32>} : memref<512x128xf32, #tpu.memory_space<vmem>>, vector<16xf32>,
        tpu.vector_store %arg9[%parallel_loop3A_659, %parallel_loop3A_660], %parallel_loop3A_654 {strides = array<i32>} : memref<512x128xf32, #tpu.memory_space<vmem>>, vector<16xf32>,
        %parallel_loop3A_662 = arith.constant 3 : i32
        %parallel_loop3A_663 = vector.broadcast %parallel_loop3A_662 : i32 to vector<16xi32>
        %parallel_loop3A_664 = arith.addi %parallel_loop3A_588, %parallel_loop3A_663 : vector<16xi32>
        %parallel_loop3A_665 = tpu.vector_load_idx %arg6[%parallel_loop3A_664] : memref<32768xf32, #tpu.memory_space<vmem>>[vector<16xi32>], vector<16xf32>,
        %parallel_loop3A_666 = arith.constant 3 : i32
        %parallel_loop3A_667 = vector.broadcast %parallel_loop3A_666 : i32 to vector<16xi32>
        %parallel_loop3A_668 = arith.addi %parallel_loop3A_599, %parallel_loop3A_667 : vector<16xi32>
        %parallel_loop3A_669 = tpu.vector_load_idx %arg6[%parallel_loop3A_668] : memref<32768xf32, #tpu.memory_space<vmem>>[vector<16xi32>], vector<16xf32>,
        %parallel_loop3A_670 = arith.addf %parallel_loop3A_665, %parallel_loop3A_669 : vector<16xf32>
        %parallel_loop3A_671 = arith.mulf %parallel_loop3A_670, %parallel_loop3A_610 : vector<16xf32>
        %parallel_loop3A_672 = arith.constant 8 : i32
        %parallel_loop3A_673 = arith.muli %parallel_loop3A_82, %parallel_loop3A_672 : i32
        %parallel_loop3A_674 = arith.constant 3 : i32
        %parallel_loop3A_675 = arith.addi %parallel_loop3A_673, %parallel_loop3A_674 : i32
        %parallel_loop3A_676 = arith.index_cast %parallel_loop3A_675 : i32 to index
        %parallel_loop3A_677 = arith.constant 48 : index
        %parallel_loop3A_678 = tpu.vector_load %arg9[%parallel_loop3A_676, %parallel_loop3A_677] {strides = array<i32>} : memref<512x128xf32, #tpu.memory_space<vmem>>, vector<16xf32>,
        tpu.vector_store %arg9[%parallel_loop3A_676, %parallel_loop3A_677], %parallel_loop3A_671 {strides = array<i32>} : memref<512x128xf32, #tpu.memory_space<vmem>>, vector<16xf32>,
        %parallel_loop3A_679 = arith.constant 4 : i32
        %parallel_loop3A_680 = vector.broadcast %parallel_loop3A_679 : i32 to vector<16xi32>
        %parallel_loop3A_681 = arith.addi %parallel_loop3A_588, %parallel_loop3A_680 : vector<16xi32>
        %parallel_loop3A_682 = tpu.vector_load_idx %arg6[%parallel_loop3A_681] : memref<32768xf32, #tpu.memory_space<vmem>>[vector<16xi32>], vector<16xf32>,
        %parallel_loop3A_683 = arith.constant 4 : i32
        %parallel_loop3A_684 = vector.broadcast %parallel_loop3A_683 : i32 to vector<16xi32>
        %parallel_loop3A_685 = arith.addi %parallel_loop3A_599, %parallel_loop3A_684 : vector<16xi32>
        %parallel_loop3A_686 = tpu.vector_load_idx %arg6[%parallel_loop3A_685] : memref<32768xf32, #tpu.memory_space<vmem>>[vector<16xi32>], vector<16xf32>,
        %parallel_loop3A_687 = arith.addf %parallel_loop3A_682, %parallel_loop3A_686 : vector<16xf32>
        %parallel_loop3A_688 = arith.mulf %parallel_loop3A_687, %parallel_loop3A_610 : vector<16xf32>
        %parallel_loop3A_689 = arith.constant 8 : i32
        %parallel_loop3A_690 = arith.muli %parallel_loop3A_82, %parallel_loop3A_689 : i32
        %parallel_loop3A_691 = arith.constant 4 : i32
        %parallel_loop3A_692 = arith.addi %parallel_loop3A_690, %parallel_loop3A_691 : i32
        %parallel_loop3A_693 = arith.index_cast %parallel_loop3A_692 : i32 to index
        %parallel_loop3A_694 = arith.constant 48 : index
        %parallel_loop3A_695 = tpu.vector_load %arg9[%parallel_loop3A_693, %parallel_loop3A_694] {strides = array<i32>} : memref<512x128xf32, #tpu.memory_space<vmem>>, vector<16xf32>,
        tpu.vector_store %arg9[%parallel_loop3A_693, %parallel_loop3A_694], %parallel_loop3A_688 {strides = array<i32>} : memref<512x128xf32, #tpu.memory_space<vmem>>, vector<16xf32>,
        %parallel_loop3A_696 = arith.constant 5 : i32
        %parallel_loop3A_697 = vector.broadcast %parallel_loop3A_696 : i32 to vector<16xi32>
        %parallel_loop3A_698 = arith.addi %parallel_loop3A_588, %parallel_loop3A_697 : vector<16xi32>
        %parallel_loop3A_699 = tpu.vector_load_idx %arg6[%parallel_loop3A_698] : memref<32768xf32, #tpu.memory_space<vmem>>[vector<16xi32>], vector<16xf32>,
        %parallel_loop3A_700 = arith.constant 5 : i32
        %parallel_loop3A_701 = vector.broadcast %parallel_loop3A_700 : i32 to vector<16xi32>
        %parallel_loop3A_702 = arith.addi %parallel_loop3A_599, %parallel_loop3A_701 : vector<16xi32>
        %parallel_loop3A_703 = tpu.vector_load_idx %arg6[%parallel_loop3A_702] : memref<32768xf32, #tpu.memory_space<vmem>>[vector<16xi32>], vector<16xf32>,
        %parallel_loop3A_704 = arith.addf %parallel_loop3A_699, %parallel_loop3A_703 : vector<16xf32>
        %parallel_loop3A_705 = arith.mulf %parallel_loop3A_704, %parallel_loop3A_610 : vector<16xf32>
        %parallel_loop3A_706 = arith.constant 8 : i32
        %parallel_loop3A_707 = arith.muli %parallel_loop3A_82, %parallel_loop3A_706 : i32
        %parallel_loop3A_708 = arith.constant 5 : i32
        %parallel_loop3A_709 = arith.addi %parallel_loop3A_707, %parallel_loop3A_708 : i32
        %parallel_loop3A_710 = arith.index_cast %parallel_loop3A_709 : i32 to index
        %parallel_loop3A_711 = arith.constant 48 : index
        %parallel_loop3A_712 = tpu.vector_load %arg9[%parallel_loop3A_710, %parallel_loop3A_711] {strides = array<i32>} : memref<512x128xf32, #tpu.memory_space<vmem>>, vector<16xf32>,
        tpu.vector_store %arg9[%parallel_loop3A_710, %parallel_loop3A_711], %parallel_loop3A_705 {strides = array<i32>} : memref<512x128xf32, #tpu.memory_space<vmem>>, vector<16xf32>,
        %parallel_loop3A_713 = arith.constant 6 : i32
        %parallel_loop3A_714 = vector.broadcast %parallel_loop3A_713 : i32 to vector<16xi32>
        %parallel_loop3A_715 = arith.addi %parallel_loop3A_588, %parallel_loop3A_714 : vector<16xi32>
        %parallel_loop3A_716 = tpu.vector_load_idx %arg6[%parallel_loop3A_715] : memref<32768xf32, #tpu.memory_space<vmem>>[vector<16xi32>], vector<16xf32>,
        %parallel_loop3A_717 = arith.constant 6 : i32
        %parallel_loop3A_718 = vector.broadcast %parallel_loop3A_717 : i32 to vector<16xi32>
        %parallel_loop3A_719 = arith.addi %parallel_loop3A_599, %parallel_loop3A_718 : vector<16xi32>
        %parallel_loop3A_720 = tpu.vector_load_idx %arg6[%parallel_loop3A_719] : memref<32768xf32, #tpu.memory_space<vmem>>[vector<16xi32>], vector<16xf32>,
        %parallel_loop3A_721 = arith.addf %parallel_loop3A_716, %parallel_loop3A_720 : vector<16xf32>
        %parallel_loop3A_722 = arith.mulf %parallel_loop3A_721, %parallel_loop3A_610 : vector<16xf32>
        %parallel_loop3A_723 = arith.constant 8 : i32
        %parallel_loop3A_724 = arith.muli %parallel_loop3A_82, %parallel_loop3A_723 : i32
        %parallel_loop3A_725 = arith.constant 6 : i32
        %parallel_loop3A_726 = arith.addi %parallel_loop3A_724, %parallel_loop3A_725 : i32
        %parallel_loop3A_727 = arith.index_cast %parallel_loop3A_726 : i32 to index
        %parallel_loop3A_728 = arith.constant 48 : index
        %parallel_loop3A_729 = tpu.vector_load %arg9[%parallel_loop3A_727, %parallel_loop3A_728] {strides = array<i32>} : memref<512x128xf32, #tpu.memory_space<vmem>>, vector<16xf32>,
        tpu.vector_store %arg9[%parallel_loop3A_727, %parallel_loop3A_728], %parallel_loop3A_722 {strides = array<i32>} : memref<512x128xf32, #tpu.memory_space<vmem>>, vector<16xf32>,
        %parallel_loop3A_730 = arith.constant 7 : i32
        %parallel_loop3A_731 = vector.broadcast %parallel_loop3A_730 : i32 to vector<16xi32>
        %parallel_loop3A_732 = arith.addi %parallel_loop3A_588, %parallel_loop3A_731 : vector<16xi32>
        %parallel_loop3A_733 = tpu.vector_load_idx %arg6[%parallel_loop3A_732] : memref<32768xf32, #tpu.memory_space<vmem>>[vector<16xi32>], vector<16xf32>,
        %parallel_loop3A_734 = arith.constant 7 : i32
        %parallel_loop3A_735 = vector.broadcast %parallel_loop3A_734 : i32 to vector<16xi32>
        %parallel_loop3A_736 = arith.addi %parallel_loop3A_599, %parallel_loop3A_735 : vector<16xi32>
        %parallel_loop3A_737 = tpu.vector_load_idx %arg6[%parallel_loop3A_736] : memref<32768xf32, #tpu.memory_space<vmem>>[vector<16xi32>], vector<16xf32>,
        %parallel_loop3A_738 = arith.addf %parallel_loop3A_733, %parallel_loop3A_737 : vector<16xf32>
        %parallel_loop3A_739 = arith.mulf %parallel_loop3A_738, %parallel_loop3A_610 : vector<16xf32>
        %parallel_loop3A_740 = arith.constant 8 : i32
        %parallel_loop3A_741 = arith.muli %parallel_loop3A_82, %parallel_loop3A_740 : i32
        %parallel_loop3A_742 = arith.constant 7 : i32
        %parallel_loop3A_743 = arith.addi %parallel_loop3A_741, %parallel_loop3A_742 : i32
        %parallel_loop3A_744 = arith.index_cast %parallel_loop3A_743 : i32 to index
        %parallel_loop3A_745 = arith.constant 48 : index
        %parallel_loop3A_746 = tpu.vector_load %arg9[%parallel_loop3A_744, %parallel_loop3A_745] {strides = array<i32>} : memref<512x128xf32, #tpu.memory_space<vmem>>, vector<16xf32>,
        tpu.vector_store %arg9[%parallel_loop3A_744, %parallel_loop3A_745], %parallel_loop3A_739 {strides = array<i32>} : memref<512x128xf32, #tpu.memory_space<vmem>>, vector<16xf32>,
        %parallel_loop3A_747 = arith.constant 0 : i32
        %parallel_loop3A_748 = arith.index_cast %parallel_loop3A_82 : i32 to index
        %parallel_loop3A_749 = arith.index_cast %parallel_loop3A_747 : i32 to index
        %parallel_loop3A_750 = arith.constant 64 : index
        %parallel_loop3A_751 = tpu.vector_load %arg7[%parallel_loop3A_748, %parallel_loop3A_749, %parallel_loop3A_750] {strides = array<i32>} : memref<64x2x128xi32, #tpu.memory_space<vmem>>, vector<16xi32>,
        %parallel_loop3A_752 = arith.constant 16 : i32
        %parallel_loop3A_753 = vector.broadcast %parallel_loop3A_752 : i32 to vector<16xi32>
        %parallel_loop3A_754 = arith.muli %parallel_loop3A_751, %parallel_loop3A_753 : vector<16xi32>
        %parallel_loop3A_755 = arith.constant 1 : i32
        %parallel_loop3A_756 = arith.index_cast %parallel_loop3A_82 : i32 to index
        %parallel_loop3A_757 = arith.index_cast %parallel_loop3A_755 : i32 to index
        %parallel_loop3A_758 = arith.constant 64 : index
        %parallel_loop3A_759 = tpu.vector_load %arg7[%parallel_loop3A_756, %parallel_loop3A_757, %parallel_loop3A_758] {strides = array<i32>} : memref<64x2x128xi32, #tpu.memory_space<vmem>>, vector<16xi32>,
        %parallel_loop3A_760 = arith.constant 16 : i32
        %parallel_loop3A_761 = vector.broadcast %parallel_loop3A_760 : i32 to vector<16xi32>
        %parallel_loop3A_762 = arith.muli %parallel_loop3A_759, %parallel_loop3A_761 : vector<16xi32>
        %parallel_loop3A_763 = arith.constant 8 : i32
        %parallel_loop3A_764 = vector.broadcast %parallel_loop3A_763 : i32 to vector<16xi32>
        %parallel_loop3A_765 = arith.addi %parallel_loop3A_762, %parallel_loop3A_764 : vector<16xi32>
        %parallel_loop3A_766 = arith.index_cast %parallel_loop3A_82 : i32 to index
        %parallel_loop3A_767 = arith.constant 64 : index
        %parallel_loop3A_768 = tpu.vector_load %arg8[%parallel_loop3A_766, %parallel_loop3A_767] {strides = array<i32>} : memref<64x128xi32, #tpu.memory_space<vmem>>, vector<16xi32>,
        %parallel_loop3A_769 = arith.constant 2 : i32
        %parallel_loop3A_770 = vector.broadcast %parallel_loop3A_769 : i32 to vector<16xi32>
        %parallel_loop3A_771 = arith.cmpi sge, %parallel_loop3A_768, %parallel_loop3A_770 : vector<16xi32>
        %parallel_loop3A_772 = arith.constant 5.000000e-01 : f32
        %parallel_loop3A_773 = arith.constant 1.000000e+00 : f32
        %parallel_loop3A_774 = vector.broadcast %parallel_loop3A_772 : f32 to vector<16xf32>
        %parallel_loop3A_775 = vector.broadcast %parallel_loop3A_773 : f32 to vector<16xf32>
        %parallel_loop3A_776 = arith.select %parallel_loop3A_771, %parallel_loop3A_774, %parallel_loop3A_775 : vector<16xi1>, vector<16xf32>
        %parallel_loop3A_777 = arith.constant 0 : i32
        %parallel_loop3A_778 = vector.broadcast %parallel_loop3A_777 : i32 to vector<16xi32>
        %parallel_loop3A_779 = arith.addi %parallel_loop3A_754, %parallel_loop3A_778 : vector<16xi32>
        %parallel_loop3A_780 = tpu.vector_load_idx %arg6[%parallel_loop3A_779] : memref<32768xf32, #tpu.memory_space<vmem>>[vector<16xi32>], vector<16xf32>,
        %parallel_loop3A_781 = arith.constant 0 : i32
        %parallel_loop3A_782 = vector.broadcast %parallel_loop3A_781 : i32 to vector<16xi32>
        %parallel_loop3A_783 = arith.addi %parallel_loop3A_765, %parallel_loop3A_782 : vector<16xi32>
        %parallel_loop3A_784 = tpu.vector_load_idx %arg6[%parallel_loop3A_783] : memref<32768xf32, #tpu.memory_space<vmem>>[vector<16xi32>], vector<16xf32>,
        %parallel_loop3A_785 = arith.addf %parallel_loop3A_780, %parallel_loop3A_784 : vector<16xf32>
        %parallel_loop3A_786 = arith.mulf %parallel_loop3A_785, %parallel_loop3A_776 : vector<16xf32>
        %parallel_loop3A_787 = arith.constant 8 : i32
        %parallel_loop3A_788 = arith.muli %parallel_loop3A_82, %parallel_loop3A_787 : i32
        %parallel_loop3A_789 = arith.constant 0 : i32
        %parallel_loop3A_790 = arith.addi %parallel_loop3A_788, %parallel_loop3A_789 : i32
        %parallel_loop3A_791 = arith.index_cast %parallel_loop3A_790 : i32 to index
        %parallel_loop3A_792 = arith.constant 64 : index
        %parallel_loop3A_793 = tpu.vector_load %arg9[%parallel_loop3A_791, %parallel_loop3A_792] {strides = array<i32>} : memref<512x128xf32, #tpu.memory_space<vmem>>, vector<16xf32>,
        tpu.vector_store %arg9[%parallel_loop3A_791, %parallel_loop3A_792], %parallel_loop3A_786 {strides = array<i32>} : memref<512x128xf32, #tpu.memory_space<vmem>>, vector<16xf32>,
        %parallel_loop3A_794 = arith.constant 1 : i32
        %parallel_loop3A_795 = vector.broadcast %parallel_loop3A_794 : i32 to vector<16xi32>
        %parallel_loop3A_796 = arith.addi %parallel_loop3A_754, %parallel_loop3A_795 : vector<16xi32>
        %parallel_loop3A_797 = tpu.vector_load_idx %arg6[%parallel_loop3A_796] : memref<32768xf32, #tpu.memory_space<vmem>>[vector<16xi32>], vector<16xf32>,
        %parallel_loop3A_798 = arith.constant 1 : i32
        %parallel_loop3A_799 = vector.broadcast %parallel_loop3A_798 : i32 to vector<16xi32>
        %parallel_loop3A_800 = arith.addi %parallel_loop3A_765, %parallel_loop3A_799 : vector<16xi32>
        %parallel_loop3A_801 = tpu.vector_load_idx %arg6[%parallel_loop3A_800] : memref<32768xf32, #tpu.memory_space<vmem>>[vector<16xi32>], vector<16xf32>,
        %parallel_loop3A_802 = arith.addf %parallel_loop3A_797, %parallel_loop3A_801 : vector<16xf32>
        %parallel_loop3A_803 = arith.mulf %parallel_loop3A_802, %parallel_loop3A_776 : vector<16xf32>
        %parallel_loop3A_804 = arith.constant 8 : i32
        %parallel_loop3A_805 = arith.muli %parallel_loop3A_82, %parallel_loop3A_804 : i32
        %parallel_loop3A_806 = arith.constant 1 : i32
        %parallel_loop3A_807 = arith.addi %parallel_loop3A_805, %parallel_loop3A_806 : i32
        %parallel_loop3A_808 = arith.index_cast %parallel_loop3A_807 : i32 to index
        %parallel_loop3A_809 = arith.constant 64 : index
        %parallel_loop3A_810 = tpu.vector_load %arg9[%parallel_loop3A_808, %parallel_loop3A_809] {strides = array<i32>} : memref<512x128xf32, #tpu.memory_space<vmem>>, vector<16xf32>,
        tpu.vector_store %arg9[%parallel_loop3A_808, %parallel_loop3A_809], %parallel_loop3A_803 {strides = array<i32>} : memref<512x128xf32, #tpu.memory_space<vmem>>, vector<16xf32>,
        %parallel_loop3A_811 = arith.constant 2 : i32
        %parallel_loop3A_812 = vector.broadcast %parallel_loop3A_811 : i32 to vector<16xi32>
        %parallel_loop3A_813 = arith.addi %parallel_loop3A_754, %parallel_loop3A_812 : vector<16xi32>
        %parallel_loop3A_814 = tpu.vector_load_idx %arg6[%parallel_loop3A_813] : memref<32768xf32, #tpu.memory_space<vmem>>[vector<16xi32>], vector<16xf32>,
        %parallel_loop3A_815 = arith.constant 2 : i32
        %parallel_loop3A_816 = vector.broadcast %parallel_loop3A_815 : i32 to vector<16xi32>
        %parallel_loop3A_817 = arith.addi %parallel_loop3A_765, %parallel_loop3A_816 : vector<16xi32>
        %parallel_loop3A_818 = tpu.vector_load_idx %arg6[%parallel_loop3A_817] : memref<32768xf32, #tpu.memory_space<vmem>>[vector<16xi32>], vector<16xf32>,
        %parallel_loop3A_819 = arith.addf %parallel_loop3A_814, %parallel_loop3A_818 : vector<16xf32>
        %parallel_loop3A_820 = arith.mulf %parallel_loop3A_819, %parallel_loop3A_776 : vector<16xf32>
        %parallel_loop3A_821 = arith.constant 8 : i32
        %parallel_loop3A_822 = arith.muli %parallel_loop3A_82, %parallel_loop3A_821 : i32
        %parallel_loop3A_823 = arith.constant 2 : i32
        %parallel_loop3A_824 = arith.addi %parallel_loop3A_822, %parallel_loop3A_823 : i32
        %parallel_loop3A_825 = arith.index_cast %parallel_loop3A_824 : i32 to index
        %parallel_loop3A_826 = arith.constant 64 : index
        %parallel_loop3A_827 = tpu.vector_load %arg9[%parallel_loop3A_825, %parallel_loop3A_826] {strides = array<i32>} : memref<512x128xf32, #tpu.memory_space<vmem>>, vector<16xf32>,
        tpu.vector_store %arg9[%parallel_loop3A_825, %parallel_loop3A_826], %parallel_loop3A_820 {strides = array<i32>} : memref<512x128xf32, #tpu.memory_space<vmem>>, vector<16xf32>,
        %parallel_loop3A_828 = arith.constant 3 : i32
        %parallel_loop3A_829 = vector.broadcast %parallel_loop3A_828 : i32 to vector<16xi32>
        %parallel_loop3A_830 = arith.addi %parallel_loop3A_754, %parallel_loop3A_829 : vector<16xi32>
        %parallel_loop3A_831 = tpu.vector_load_idx %arg6[%parallel_loop3A_830] : memref<32768xf32, #tpu.memory_space<vmem>>[vector<16xi32>], vector<16xf32>,
        %parallel_loop3A_832 = arith.constant 3 : i32
        %parallel_loop3A_833 = vector.broadcast %parallel_loop3A_832 : i32 to vector<16xi32>
        %parallel_loop3A_834 = arith.addi %parallel_loop3A_765, %parallel_loop3A_833 : vector<16xi32>
        %parallel_loop3A_835 = tpu.vector_load_idx %arg6[%parallel_loop3A_834] : memref<32768xf32, #tpu.memory_space<vmem>>[vector<16xi32>], vector<16xf32>,
        %parallel_loop3A_836 = arith.addf %parallel_loop3A_831, %parallel_loop3A_835 : vector<16xf32>
        %parallel_loop3A_837 = arith.mulf %parallel_loop3A_836, %parallel_loop3A_776 : vector<16xf32>
        %parallel_loop3A_838 = arith.constant 8 : i32
        %parallel_loop3A_839 = arith.muli %parallel_loop3A_82, %parallel_loop3A_838 : i32
        %parallel_loop3A_840 = arith.constant 3 : i32
        %parallel_loop3A_841 = arith.addi %parallel_loop3A_839, %parallel_loop3A_840 : i32
        %parallel_loop3A_842 = arith.index_cast %parallel_loop3A_841 : i32 to index
        %parallel_loop3A_843 = arith.constant 64 : index
        %parallel_loop3A_844 = tpu.vector_load %arg9[%parallel_loop3A_842, %parallel_loop3A_843] {strides = array<i32>} : memref<512x128xf32, #tpu.memory_space<vmem>>, vector<16xf32>,
        tpu.vector_store %arg9[%parallel_loop3A_842, %parallel_loop3A_843], %parallel_loop3A_837 {strides = array<i32>} : memref<512x128xf32, #tpu.memory_space<vmem>>, vector<16xf32>,
        %parallel_loop3A_845 = arith.constant 4 : i32
        %parallel_loop3A_846 = vector.broadcast %parallel_loop3A_845 : i32 to vector<16xi32>
        %parallel_loop3A_847 = arith.addi %parallel_loop3A_754, %parallel_loop3A_846 : vector<16xi32>
        %parallel_loop3A_848 = tpu.vector_load_idx %arg6[%parallel_loop3A_847] : memref<32768xf32, #tpu.memory_space<vmem>>[vector<16xi32>], vector<16xf32>,
        %parallel_loop3A_849 = arith.constant 4 : i32
        %parallel_loop3A_850 = vector.broadcast %parallel_loop3A_849 : i32 to vector<16xi32>
        %parallel_loop3A_851 = arith.addi %parallel_loop3A_765, %parallel_loop3A_850 : vector<16xi32>
        %parallel_loop3A_852 = tpu.vector_load_idx %arg6[%parallel_loop3A_851] : memref<32768xf32, #tpu.memory_space<vmem>>[vector<16xi32>], vector<16xf32>,
        %parallel_loop3A_853 = arith.addf %parallel_loop3A_848, %parallel_loop3A_852 : vector<16xf32>
        %parallel_loop3A_854 = arith.mulf %parallel_loop3A_853, %parallel_loop3A_776 : vector<16xf32>
        %parallel_loop3A_855 = arith.constant 8 : i32
        %parallel_loop3A_856 = arith.muli %parallel_loop3A_82, %parallel_loop3A_855 : i32
        %parallel_loop3A_857 = arith.constant 4 : i32
        %parallel_loop3A_858 = arith.addi %parallel_loop3A_856, %parallel_loop3A_857 : i32
        %parallel_loop3A_859 = arith.index_cast %parallel_loop3A_858 : i32 to index
        %parallel_loop3A_860 = arith.constant 64 : index
        %parallel_loop3A_861 = tpu.vector_load %arg9[%parallel_loop3A_859, %parallel_loop3A_860] {strides = array<i32>} : memref<512x128xf32, #tpu.memory_space<vmem>>, vector<16xf32>,
        tpu.vector_store %arg9[%parallel_loop3A_859, %parallel_loop3A_860], %parallel_loop3A_854 {strides = array<i32>} : memref<512x128xf32, #tpu.memory_space<vmem>>, vector<16xf32>,
        %parallel_loop3A_862 = arith.constant 5 : i32
        %parallel_loop3A_863 = vector.broadcast %parallel_loop3A_862 : i32 to vector<16xi32>
        %parallel_loop3A_864 = arith.addi %parallel_loop3A_754, %parallel_loop3A_863 : vector<16xi32>
        %parallel_loop3A_865 = tpu.vector_load_idx %arg6[%parallel_loop3A_864] : memref<32768xf32, #tpu.memory_space<vmem>>[vector<16xi32>], vector<16xf32>,
        %parallel_loop3A_866 = arith.constant 5 : i32
        %parallel_loop3A_867 = vector.broadcast %parallel_loop3A_866 : i32 to vector<16xi32>
        %parallel_loop3A_868 = arith.addi %parallel_loop3A_765, %parallel_loop3A_867 : vector<16xi32>
        %parallel_loop3A_869 = tpu.vector_load_idx %arg6[%parallel_loop3A_868] : memref<32768xf32, #tpu.memory_space<vmem>>[vector<16xi32>], vector<16xf32>,
        %parallel_loop3A_870 = arith.addf %parallel_loop3A_865, %parallel_loop3A_869 : vector<16xf32>
        %parallel_loop3A_871 = arith.mulf %parallel_loop3A_870, %parallel_loop3A_776 : vector<16xf32>
        %parallel_loop3A_872 = arith.constant 8 : i32
        %parallel_loop3A_873 = arith.muli %parallel_loop3A_82, %parallel_loop3A_872 : i32
        %parallel_loop3A_874 = arith.constant 5 : i32
        %parallel_loop3A_875 = arith.addi %parallel_loop3A_873, %parallel_loop3A_874 : i32
        %parallel_loop3A_876 = arith.index_cast %parallel_loop3A_875 : i32 to index
        %parallel_loop3A_877 = arith.constant 64 : index
        %parallel_loop3A_878 = tpu.vector_load %arg9[%parallel_loop3A_876, %parallel_loop3A_877] {strides = array<i32>} : memref<512x128xf32, #tpu.memory_space<vmem>>, vector<16xf32>,
        tpu.vector_store %arg9[%parallel_loop3A_876, %parallel_loop3A_877], %parallel_loop3A_871 {strides = array<i32>} : memref<512x128xf32, #tpu.memory_space<vmem>>, vector<16xf32>,
        %parallel_loop3A_879 = arith.constant 6 : i32
        %parallel_loop3A_880 = vector.broadcast %parallel_loop3A_879 : i32 to vector<16xi32>
        %parallel_loop3A_881 = arith.addi %parallel_loop3A_754, %parallel_loop3A_880 : vector<16xi32>
        %parallel_loop3A_882 = tpu.vector_load_idx %arg6[%parallel_loop3A_881] : memref<32768xf32, #tpu.memory_space<vmem>>[vector<16xi32>], vector<16xf32>,
        %parallel_loop3A_883 = arith.constant 6 : i32
        %parallel_loop3A_884 = vector.broadcast %parallel_loop3A_883 : i32 to vector<16xi32>
        %parallel_loop3A_885 = arith.addi %parallel_loop3A_765, %parallel_loop3A_884 : vector<16xi32>
        %parallel_loop3A_886 = tpu.vector_load_idx %arg6[%parallel_loop3A_885] : memref<32768xf32, #tpu.memory_space<vmem>>[vector<16xi32>], vector<16xf32>,
        %parallel_loop3A_887 = arith.addf %parallel_loop3A_882, %parallel_loop3A_886 : vector<16xf32>
        %parallel_loop3A_888 = arith.mulf %parallel_loop3A_887, %parallel_loop3A_776 : vector<16xf32>
        %parallel_loop3A_889 = arith.constant 8 : i32
        %parallel_loop3A_890 = arith.muli %parallel_loop3A_82, %parallel_loop3A_889 : i32
        %parallel_loop3A_891 = arith.constant 6 : i32
        %parallel_loop3A_892 = arith.addi %parallel_loop3A_890, %parallel_loop3A_891 : i32
        %parallel_loop3A_893 = arith.index_cast %parallel_loop3A_892 : i32 to index
        %parallel_loop3A_894 = arith.constant 64 : index
        %parallel_loop3A_895 = tpu.vector_load %arg9[%parallel_loop3A_893, %parallel_loop3A_894] {strides = array<i32>} : memref<512x128xf32, #tpu.memory_space<vmem>>, vector<16xf32>,
        tpu.vector_store %arg9[%parallel_loop3A_893, %parallel_loop3A_894], %parallel_loop3A_888 {strides = array<i32>} : memref<512x128xf32, #tpu.memory_space<vmem>>, vector<16xf32>,
        %parallel_loop3A_896 = arith.constant 7 : i32
        %parallel_loop3A_897 = vector.broadcast %parallel_loop3A_896 : i32 to vector<16xi32>
        %parallel_loop3A_898 = arith.addi %parallel_loop3A_754, %parallel_loop3A_897 : vector<16xi32>
        %parallel_loop3A_899 = tpu.vector_load_idx %arg6[%parallel_loop3A_898] : memref<32768xf32, #tpu.memory_space<vmem>>[vector<16xi32>], vector<16xf32>,
        %parallel_loop3A_900 = arith.constant 7 : i32
        %parallel_loop3A_901 = vector.broadcast %parallel_loop3A_900 : i32 to vector<16xi32>
        %parallel_loop3A_902 = arith.addi %parallel_loop3A_765, %parallel_loop3A_901 : vector<16xi32>
        %parallel_loop3A_903 = tpu.vector_load_idx %arg6[%parallel_loop3A_902] : memref<32768xf32, #tpu.memory_space<vmem>>[vector<16xi32>], vector<16xf32>,
        %parallel_loop3A_904 = arith.addf %parallel_loop3A_899, %parallel_loop3A_903 : vector<16xf32>
        %parallel_loop3A_905 = arith.mulf %parallel_loop3A_904, %parallel_loop3A_776 : vector<16xf32>
        %parallel_loop3A_906 = arith.constant 8 : i32
        %parallel_loop3A_907 = arith.muli %parallel_loop3A_82, %parallel_loop3A_906 : i32
        %parallel_loop3A_908 = arith.constant 7 : i32
        %parallel_loop3A_909 = arith.addi %parallel_loop3A_907, %parallel_loop3A_908 : i32
        %parallel_loop3A_910 = arith.index_cast %parallel_loop3A_909 : i32 to index
        %parallel_loop3A_911 = arith.constant 64 : index
        %parallel_loop3A_912 = tpu.vector_load %arg9[%parallel_loop3A_910, %parallel_loop3A_911] {strides = array<i32>} : memref<512x128xf32, #tpu.memory_space<vmem>>, vector<16xf32>,
        tpu.vector_store %arg9[%parallel_loop3A_910, %parallel_loop3A_911], %parallel_loop3A_905 {strides = array<i32>} : memref<512x128xf32, #tpu.memory_space<vmem>>, vector<16xf32>,
        %parallel_loop3A_913 = arith.constant 0 : i32
        %parallel_loop3A_914 = arith.index_cast %parallel_loop3A_82 : i32 to index
        %parallel_loop3A_915 = arith.index_cast %parallel_loop3A_913 : i32 to index
        %parallel_loop3A_916 = arith.constant 80 : index
        %parallel_loop3A_917 = tpu.vector_load %arg7[%parallel_loop3A_914, %parallel_loop3A_915, %parallel_loop3A_916] {strides = array<i32>} : memref<64x2x128xi32, #tpu.memory_space<vmem>>, vector<16xi32>,
        %parallel_loop3A_918 = arith.constant 16 : i32
        %parallel_loop3A_919 = vector.broadcast %parallel_loop3A_918 : i32 to vector<16xi32>
        %parallel_loop3A_920 = arith.muli %parallel_loop3A_917, %parallel_loop3A_919 : vector<16xi32>
        %parallel_loop3A_921 = arith.constant 1 : i32
        %parallel_loop3A_922 = arith.index_cast %parallel_loop3A_82 : i32 to index
        %parallel_loop3A_923 = arith.index_cast %parallel_loop3A_921 : i32 to index
        %parallel_loop3A_924 = arith.constant 80 : index
        %parallel_loop3A_925 = tpu.vector_load %arg7[%parallel_loop3A_922, %parallel_loop3A_923, %parallel_loop3A_924] {strides = array<i32>} : memref<64x2x128xi32, #tpu.memory_space<vmem>>, vector<16xi32>,
        %parallel_loop3A_926 = arith.constant 16 : i32
        %parallel_loop3A_927 = vector.broadcast %parallel_loop3A_926 : i32 to vector<16xi32>
        %parallel_loop3A_928 = arith.muli %parallel_loop3A_925, %parallel_loop3A_927 : vector<16xi32>
        %parallel_loop3A_929 = arith.constant 8 : i32
        %parallel_loop3A_930 = vector.broadcast %parallel_loop3A_929 : i32 to vector<16xi32>
        %parallel_loop3A_931 = arith.addi %parallel_loop3A_928, %parallel_loop3A_930 : vector<16xi32>
        %parallel_loop3A_932 = arith.index_cast %parallel_loop3A_82 : i32 to index
        %parallel_loop3A_933 = arith.constant 80 : index
        %parallel_loop3A_934 = tpu.vector_load %arg8[%parallel_loop3A_932, %parallel_loop3A_933] {strides = array<i32>} : memref<64x128xi32, #tpu.memory_space<vmem>>, vector<16xi32>,
        %parallel_loop3A_935 = arith.constant 2 : i32
        %parallel_loop3A_936 = vector.broadcast %parallel_loop3A_935 : i32 to vector<16xi32>
        %parallel_loop3A_937 = arith.cmpi sge, %parallel_loop3A_934, %parallel_loop3A_936 : vector<16xi32>
        %parallel_loop3A_938 = arith.constant 5.000000e-01 : f32
        %parallel_loop3A_939 = arith.constant 1.000000e+00 : f32
        %parallel_loop3A_940 = vector.broadcast %parallel_loop3A_938 : f32 to vector<16xf32>
        %parallel_loop3A_941 = vector.broadcast %parallel_loop3A_939 : f32 to vector<16xf32>
        %parallel_loop3A_942 = arith.select %parallel_loop3A_937, %parallel_loop3A_940, %parallel_loop3A_941 : vector<16xi1>, vector<16xf32>
        %parallel_loop3A_943 = arith.constant 0 : i32
        %parallel_loop3A_944 = vector.broadcast %parallel_loop3A_943 : i32 to vector<16xi32>
        %parallel_loop3A_945 = arith.addi %parallel_loop3A_920, %parallel_loop3A_944 : vector<16xi32>
        %parallel_loop3A_946 = tpu.vector_load_idx %arg6[%parallel_loop3A_945] : memref<32768xf32, #tpu.memory_space<vmem>>[vector<16xi32>], vector<16xf32>,
        %parallel_loop3A_947 = arith.constant 0 : i32
        %parallel_loop3A_948 = vector.broadcast %parallel_loop3A_947 : i32 to vector<16xi32>
        %parallel_loop3A_949 = arith.addi %parallel_loop3A_931, %parallel_loop3A_948 : vector<16xi32>
        %parallel_loop3A_950 = tpu.vector_load_idx %arg6[%parallel_loop3A_949] : memref<32768xf32, #tpu.memory_space<vmem>>[vector<16xi32>], vector<16xf32>,
        %parallel_loop3A_951 = arith.addf %parallel_loop3A_946, %parallel_loop3A_950 : vector<16xf32>
        %parallel_loop3A_952 = arith.mulf %parallel_loop3A_951, %parallel_loop3A_942 : vector<16xf32>
        %parallel_loop3A_953 = arith.constant 8 : i32
        %parallel_loop3A_954 = arith.muli %parallel_loop3A_82, %parallel_loop3A_953 : i32
        %parallel_loop3A_955 = arith.constant 0 : i32
        %parallel_loop3A_956 = arith.addi %parallel_loop3A_954, %parallel_loop3A_955 : i32
        %parallel_loop3A_957 = arith.index_cast %parallel_loop3A_956 : i32 to index
        %parallel_loop3A_958 = arith.constant 80 : index
        %parallel_loop3A_959 = tpu.vector_load %arg9[%parallel_loop3A_957, %parallel_loop3A_958] {strides = array<i32>} : memref<512x128xf32, #tpu.memory_space<vmem>>, vector<16xf32>,
        tpu.vector_store %arg9[%parallel_loop3A_957, %parallel_loop3A_958], %parallel_loop3A_952 {strides = array<i32>} : memref<512x128xf32, #tpu.memory_space<vmem>>, vector<16xf32>,
        %parallel_loop3A_960 = arith.constant 1 : i32
        %parallel_loop3A_961 = vector.broadcast %parallel_loop3A_960 : i32 to vector<16xi32>
        %parallel_loop3A_962 = arith.addi %parallel_loop3A_920, %parallel_loop3A_961 : vector<16xi32>
        %parallel_loop3A_963 = tpu.vector_load_idx %arg6[%parallel_loop3A_962] : memref<32768xf32, #tpu.memory_space<vmem>>[vector<16xi32>], vector<16xf32>,
        %parallel_loop3A_964 = arith.constant 1 : i32
        %parallel_loop3A_965 = vector.broadcast %parallel_loop3A_964 : i32 to vector<16xi32>
        %parallel_loop3A_966 = arith.addi %parallel_loop3A_931, %parallel_loop3A_965 : vector<16xi32>
        %parallel_loop3A_967 = tpu.vector_load_idx %arg6[%parallel_loop3A_966] : memref<32768xf32, #tpu.memory_space<vmem>>[vector<16xi32>], vector<16xf32>,
        %parallel_loop3A_968 = arith.addf %parallel_loop3A_963, %parallel_loop3A_967 : vector<16xf32>
        %parallel_loop3A_969 = arith.mulf %parallel_loop3A_968, %parallel_loop3A_942 : vector<16xf32>
        %parallel_loop3A_970 = arith.constant 8 : i32
        %parallel_loop3A_971 = arith.muli %parallel_loop3A_82, %parallel_loop3A_970 : i32
        %parallel_loop3A_972 = arith.constant 1 : i32
        %parallel_loop3A_973 = arith.addi %parallel_loop3A_971, %parallel_loop3A_972 : i32
        %parallel_loop3A_974 = arith.index_cast %parallel_loop3A_973 : i32 to index
        %parallel_loop3A_975 = arith.constant 80 : index
        %parallel_loop3A_976 = tpu.vector_load %arg9[%parallel_loop3A_974, %parallel_loop3A_975] {strides = array<i32>} : memref<512x128xf32, #tpu.memory_space<vmem>>, vector<16xf32>,
        tpu.vector_store %arg9[%parallel_loop3A_974, %parallel_loop3A_975], %parallel_loop3A_969 {strides = array<i32>} : memref<512x128xf32, #tpu.memory_space<vmem>>, vector<16xf32>,
        %parallel_loop3A_977 = arith.constant 2 : i32
        %parallel_loop3A_978 = vector.broadcast %parallel_loop3A_977 : i32 to vector<16xi32>
        %parallel_loop3A_979 = arith.addi %parallel_loop3A_920, %parallel_loop3A_978 : vector<16xi32>
        %parallel_loop3A_980 = tpu.vector_load_idx %arg6[%parallel_loop3A_979] : memref<32768xf32, #tpu.memory_space<vmem>>[vector<16xi32>], vector<16xf32>,
        %parallel_loop3A_981 = arith.constant 2 : i32
        %parallel_loop3A_982 = vector.broadcast %parallel_loop3A_981 : i32 to vector<16xi32>
        %parallel_loop3A_983 = arith.addi %parallel_loop3A_931, %parallel_loop3A_982 : vector<16xi32>
        %parallel_loop3A_984 = tpu.vector_load_idx %arg6[%parallel_loop3A_983] : memref<32768xf32, #tpu.memory_space<vmem>>[vector<16xi32>], vector<16xf32>,
        %parallel_loop3A_985 = arith.addf %parallel_loop3A_980, %parallel_loop3A_984 : vector<16xf32>
        %parallel_loop3A_986 = arith.mulf %parallel_loop3A_985, %parallel_loop3A_942 : vector<16xf32>
        %parallel_loop3A_987 = arith.constant 8 : i32
        %parallel_loop3A_988 = arith.muli %parallel_loop3A_82, %parallel_loop3A_987 : i32
        %parallel_loop3A_989 = arith.constant 2 : i32
        %parallel_loop3A_990 = arith.addi %parallel_loop3A_988, %parallel_loop3A_989 : i32
        %parallel_loop3A_991 = arith.index_cast %parallel_loop3A_990 : i32 to index
        %parallel_loop3A_992 = arith.constant 80 : index
        %parallel_loop3A_993 = tpu.vector_load %arg9[%parallel_loop3A_991, %parallel_loop3A_992] {strides = array<i32>} : memref<512x128xf32, #tpu.memory_space<vmem>>, vector<16xf32>,
        tpu.vector_store %arg9[%parallel_loop3A_991, %parallel_loop3A_992], %parallel_loop3A_986 {strides = array<i32>} : memref<512x128xf32, #tpu.memory_space<vmem>>, vector<16xf32>,
        %parallel_loop3A_994 = arith.constant 3 : i32
        %parallel_loop3A_995 = vector.broadcast %parallel_loop3A_994 : i32 to vector<16xi32>
        %parallel_loop3A_996 = arith.addi %parallel_loop3A_920, %parallel_loop3A_995 : vector<16xi32>
        %parallel_loop3A_997 = tpu.vector_load_idx %arg6[%parallel_loop3A_996] : memref<32768xf32, #tpu.memory_space<vmem>>[vector<16xi32>], vector<16xf32>,
        %parallel_loop3A_998 = arith.constant 3 : i32
        %parallel_loop3A_999 = vector.broadcast %parallel_loop3A_998 : i32 to vector<16xi32>
        %parallel_loop3A_1000 = arith.addi %parallel_loop3A_931, %parallel_loop3A_999 : vector<16xi32>
        %parallel_loop3A_1001 = tpu.vector_load_idx %arg6[%parallel_loop3A_1000] : memref<32768xf32, #tpu.memory_space<vmem>>[vector<16xi32>], vector<16xf32>,
        %parallel_loop3A_1002 = arith.addf %parallel_loop3A_997, %parallel_loop3A_1001 : vector<16xf32>
        %parallel_loop3A_1003 = arith.mulf %parallel_loop3A_1002, %parallel_loop3A_942 : vector<16xf32>
        %parallel_loop3A_1004 = arith.constant 8 : i32
        %parallel_loop3A_1005 = arith.muli %parallel_loop3A_82, %parallel_loop3A_1004 : i32
        %parallel_loop3A_1006 = arith.constant 3 : i32
        %parallel_loop3A_1007 = arith.addi %parallel_loop3A_1005, %parallel_loop3A_1006 : i32
        %parallel_loop3A_1008 = arith.index_cast %parallel_loop3A_1007 : i32 to index
        %parallel_loop3A_1009 = arith.constant 80 : index
        %parallel_loop3A_1010 = tpu.vector_load %arg9[%parallel_loop3A_1008, %parallel_loop3A_1009] {strides = array<i32>} : memref<512x128xf32, #tpu.memory_space<vmem>>, vector<16xf32>,
        tpu.vector_store %arg9[%parallel_loop3A_1008, %parallel_loop3A_1009], %parallel_loop3A_1003 {strides = array<i32>} : memref<512x128xf32, #tpu.memory_space<vmem>>, vector<16xf32>,
        %parallel_loop3A_1011 = arith.constant 4 : i32
        %parallel_loop3A_1012 = vector.broadcast %parallel_loop3A_1011 : i32 to vector<16xi32>
        %parallel_loop3A_1013 = arith.addi %parallel_loop3A_920, %parallel_loop3A_1012 : vector<16xi32>
        %parallel_loop3A_1014 = tpu.vector_load_idx %arg6[%parallel_loop3A_1013] : memref<32768xf32, #tpu.memory_space<vmem>>[vector<16xi32>], vector<16xf32>,
        %parallel_loop3A_1015 = arith.constant 4 : i32
        %parallel_loop3A_1016 = vector.broadcast %parallel_loop3A_1015 : i32 to vector<16xi32>
        %parallel_loop3A_1017 = arith.addi %parallel_loop3A_931, %parallel_loop3A_1016 : vector<16xi32>
        %parallel_loop3A_1018 = tpu.vector_load_idx %arg6[%parallel_loop3A_1017] : memref<32768xf32, #tpu.memory_space<vmem>>[vector<16xi32>], vector<16xf32>,
        %parallel_loop3A_1019 = arith.addf %parallel_loop3A_1014, %parallel_loop3A_1018 : vector<16xf32>
        %parallel_loop3A_1020 = arith.mulf %parallel_loop3A_1019, %parallel_loop3A_942 : vector<16xf32>
        %parallel_loop3A_1021 = arith.constant 8 : i32
        %parallel_loop3A_1022 = arith.muli %parallel_loop3A_82, %parallel_loop3A_1021 : i32
        %parallel_loop3A_1023 = arith.constant 4 : i32
        %parallel_loop3A_1024 = arith.addi %parallel_loop3A_1022, %parallel_loop3A_1023 : i32
        %parallel_loop3A_1025 = arith.index_cast %parallel_loop3A_1024 : i32 to index
        %parallel_loop3A_1026 = arith.constant 80 : index
        %parallel_loop3A_1027 = tpu.vector_load %arg9[%parallel_loop3A_1025, %parallel_loop3A_1026] {strides = array<i32>} : memref<512x128xf32, #tpu.memory_space<vmem>>, vector<16xf32>,
        tpu.vector_store %arg9[%parallel_loop3A_1025, %parallel_loop3A_1026], %parallel_loop3A_1020 {strides = array<i32>} : memref<512x128xf32, #tpu.memory_space<vmem>>, vector<16xf32>,
        %parallel_loop3A_1028 = arith.constant 5 : i32
        %parallel_loop3A_1029 = vector.broadcast %parallel_loop3A_1028 : i32 to vector<16xi32>
        %parallel_loop3A_1030 = arith.addi %parallel_loop3A_920, %parallel_loop3A_1029 : vector<16xi32>
        %parallel_loop3A_1031 = tpu.vector_load_idx %arg6[%parallel_loop3A_1030] : memref<32768xf32, #tpu.memory_space<vmem>>[vector<16xi32>], vector<16xf32>,
        %parallel_loop3A_1032 = arith.constant 5 : i32
        %parallel_loop3A_1033 = vector.broadcast %parallel_loop3A_1032 : i32 to vector<16xi32>
        %parallel_loop3A_1034 = arith.addi %parallel_loop3A_931, %parallel_loop3A_1033 : vector<16xi32>
        %parallel_loop3A_1035 = tpu.vector_load_idx %arg6[%parallel_loop3A_1034] : memref<32768xf32, #tpu.memory_space<vmem>>[vector<16xi32>], vector<16xf32>,
        %parallel_loop3A_1036 = arith.addf %parallel_loop3A_1031, %parallel_loop3A_1035 : vector<16xf32>
        %parallel_loop3A_1037 = arith.mulf %parallel_loop3A_1036, %parallel_loop3A_942 : vector<16xf32>
        %parallel_loop3A_1038 = arith.constant 8 : i32
        %parallel_loop3A_1039 = arith.muli %parallel_loop3A_82, %parallel_loop3A_1038 : i32
        %parallel_loop3A_1040 = arith.constant 5 : i32
        %parallel_loop3A_1041 = arith.addi %parallel_loop3A_1039, %parallel_loop3A_1040 : i32
        %parallel_loop3A_1042 = arith.index_cast %parallel_loop3A_1041 : i32 to index
        %parallel_loop3A_1043 = arith.constant 80 : index
        %parallel_loop3A_1044 = tpu.vector_load %arg9[%parallel_loop3A_1042, %parallel_loop3A_1043] {strides = array<i32>} : memref<512x128xf32, #tpu.memory_space<vmem>>, vector<16xf32>,
        tpu.vector_store %arg9[%parallel_loop3A_1042, %parallel_loop3A_1043], %parallel_loop3A_1037 {strides = array<i32>} : memref<512x128xf32, #tpu.memory_space<vmem>>, vector<16xf32>,
        %parallel_loop3A_1045 = arith.constant 6 : i32
        %parallel_loop3A_1046 = vector.broadcast %parallel_loop3A_1045 : i32 to vector<16xi32>
        %parallel_loop3A_1047 = arith.addi %parallel_loop3A_920, %parallel_loop3A_1046 : vector<16xi32>
        %parallel_loop3A_1048 = tpu.vector_load_idx %arg6[%parallel_loop3A_1047] : memref<32768xf32, #tpu.memory_space<vmem>>[vector<16xi32>], vector<16xf32>,
        %parallel_loop3A_1049 = arith.constant 6 : i32
        %parallel_loop3A_1050 = vector.broadcast %parallel_loop3A_1049 : i32 to vector<16xi32>
        %parallel_loop3A_1051 = arith.addi %parallel_loop3A_931, %parallel_loop3A_1050 : vector<16xi32>
        %parallel_loop3A_1052 = tpu.vector_load_idx %arg6[%parallel_loop3A_1051] : memref<32768xf32, #tpu.memory_space<vmem>>[vector<16xi32>], vector<16xf32>,
        %parallel_loop3A_1053 = arith.addf %parallel_loop3A_1048, %parallel_loop3A_1052 : vector<16xf32>
        %parallel_loop3A_1054 = arith.mulf %parallel_loop3A_1053, %parallel_loop3A_942 : vector<16xf32>
        %parallel_loop3A_1055 = arith.constant 8 : i32
        %parallel_loop3A_1056 = arith.muli %parallel_loop3A_82, %parallel_loop3A_1055 : i32
        %parallel_loop3A_1057 = arith.constant 6 : i32
        %parallel_loop3A_1058 = arith.addi %parallel_loop3A_1056, %parallel_loop3A_1057 : i32
        %parallel_loop3A_1059 = arith.index_cast %parallel_loop3A_1058 : i32 to index
        %parallel_loop3A_1060 = arith.constant 80 : index
        %parallel_loop3A_1061 = tpu.vector_load %arg9[%parallel_loop3A_1059, %parallel_loop3A_1060] {strides = array<i32>} : memref<512x128xf32, #tpu.memory_space<vmem>>, vector<16xf32>,
        tpu.vector_store %arg9[%parallel_loop3A_1059, %parallel_loop3A_1060], %parallel_loop3A_1054 {strides = array<i32>} : memref<512x128xf32, #tpu.memory_space<vmem>>, vector<16xf32>,
        %parallel_loop3A_1062 = arith.constant 7 : i32
        %parallel_loop3A_1063 = vector.broadcast %parallel_loop3A_1062 : i32 to vector<16xi32>
        %parallel_loop3A_1064 = arith.addi %parallel_loop3A_920, %parallel_loop3A_1063 : vector<16xi32>
        %parallel_loop3A_1065 = tpu.vector_load_idx %arg6[%parallel_loop3A_1064] : memref<32768xf32, #tpu.memory_space<vmem>>[vector<16xi32>], vector<16xf32>,
        %parallel_loop3A_1066 = arith.constant 7 : i32
        %parallel_loop3A_1067 = vector.broadcast %parallel_loop3A_1066 : i32 to vector<16xi32>
        %parallel_loop3A_1068 = arith.addi %parallel_loop3A_931, %parallel_loop3A_1067 : vector<16xi32>
        %parallel_loop3A_1069 = tpu.vector_load_idx %arg6[%parallel_loop3A_1068] : memref<32768xf32, #tpu.memory_space<vmem>>[vector<16xi32>], vector<16xf32>,
        %parallel_loop3A_1070 = arith.addf %parallel_loop3A_1065, %parallel_loop3A_1069 : vector<16xf32>
        %parallel_loop3A_1071 = arith.mulf %parallel_loop3A_1070, %parallel_loop3A_942 : vector<16xf32>
        %parallel_loop3A_1072 = arith.constant 8 : i32
        %parallel_loop3A_1073 = arith.muli %parallel_loop3A_82, %parallel_loop3A_1072 : i32
        %parallel_loop3A_1074 = arith.constant 7 : i32
        %parallel_loop3A_1075 = arith.addi %parallel_loop3A_1073, %parallel_loop3A_1074 : i32
        %parallel_loop3A_1076 = arith.index_cast %parallel_loop3A_1075 : i32 to index
        %parallel_loop3A_1077 = arith.constant 80 : index
        %parallel_loop3A_1078 = tpu.vector_load %arg9[%parallel_loop3A_1076, %parallel_loop3A_1077] {strides = array<i32>} : memref<512x128xf32, #tpu.memory_space<vmem>>, vector<16xf32>,
        tpu.vector_store %arg9[%parallel_loop3A_1076, %parallel_loop3A_1077], %parallel_loop3A_1071 {strides = array<i32>} : memref<512x128xf32, #tpu.memory_space<vmem>>, vector<16xf32>,
        %parallel_loop3A_1079 = arith.constant 0 : i32
        %parallel_loop3A_1080 = arith.index_cast %parallel_loop3A_82 : i32 to index
        %parallel_loop3A_1081 = arith.index_cast %parallel_loop3A_1079 : i32 to index
        %parallel_loop3A_1082 = arith.constant 96 : index
        %parallel_loop3A_1083 = tpu.vector_load %arg7[%parallel_loop3A_1080, %parallel_loop3A_1081, %parallel_loop3A_1082] {strides = array<i32>} : memref<64x2x128xi32, #tpu.memory_space<vmem>>, vector<16xi32>,
        %parallel_loop3A_1084 = arith.constant 16 : i32
        %parallel_loop3A_1085 = vector.broadcast %parallel_loop3A_1084 : i32 to vector<16xi32>
        %parallel_loop3A_1086 = arith.muli %parallel_loop3A_1083, %parallel_loop3A_1085 : vector<16xi32>
        %parallel_loop3A_1087 = arith.constant 1 : i32
        %parallel_loop3A_1088 = arith.index_cast %parallel_loop3A_82 : i32 to index
        %parallel_loop3A_1089 = arith.index_cast %parallel_loop3A_1087 : i32 to index
        %parallel_loop3A_1090 = arith.constant 96 : index
        %parallel_loop3A_1091 = tpu.vector_load %arg7[%parallel_loop3A_1088, %parallel_loop3A_1089, %parallel_loop3A_1090] {strides = array<i32>} : memref<64x2x128xi32, #tpu.memory_space<vmem>>, vector<16xi32>,
        %parallel_loop3A_1092 = arith.constant 16 : i32
        %parallel_loop3A_1093 = vector.broadcast %parallel_loop3A_1092 : i32 to vector<16xi32>
        %parallel_loop3A_1094 = arith.muli %parallel_loop3A_1091, %parallel_loop3A_1093 : vector<16xi32>
        %parallel_loop3A_1095 = arith.constant 8 : i32
        %parallel_loop3A_1096 = vector.broadcast %parallel_loop3A_1095 : i32 to vector<16xi32>
        %parallel_loop3A_1097 = arith.addi %parallel_loop3A_1094, %parallel_loop3A_1096 : vector<16xi32>
        %parallel_loop3A_1098 = arith.index_cast %parallel_loop3A_82 : i32 to index
        %parallel_loop3A_1099 = arith.constant 96 : index
        %parallel_loop3A_1100 = tpu.vector_load %arg8[%parallel_loop3A_1098, %parallel_loop3A_1099] {strides = array<i32>} : memref<64x128xi32, #tpu.memory_space<vmem>>, vector<16xi32>,
        %parallel_loop3A_1101 = arith.constant 2 : i32
        %parallel_loop3A_1102 = vector.broadcast %parallel_loop3A_1101 : i32 to vector<16xi32>
        %parallel_loop3A_1103 = arith.cmpi sge, %parallel_loop3A_1100, %parallel_loop3A_1102 : vector<16xi32>
        %parallel_loop3A_1104 = arith.constant 5.000000e-01 : f32
        %parallel_loop3A_1105 = arith.constant 1.000000e+00 : f32
        %parallel_loop3A_1106 = vector.broadcast %parallel_loop3A_1104 : f32 to vector<16xf32>
        %parallel_loop3A_1107 = vector.broadcast %parallel_loop3A_1105 : f32 to vector<16xf32>
        %parallel_loop3A_1108 = arith.select %parallel_loop3A_1103, %parallel_loop3A_1106, %parallel_loop3A_1107 : vector<16xi1>, vector<16xf32>
        %parallel_loop3A_1109 = arith.constant 0 : i32
        %parallel_loop3A_1110 = vector.broadcast %parallel_loop3A_1109 : i32 to vector<16xi32>
        %parallel_loop3A_1111 = arith.addi %parallel_loop3A_1086, %parallel_loop3A_1110 : vector<16xi32>
        %parallel_loop3A_1112 = tpu.vector_load_idx %arg6[%parallel_loop3A_1111] : memref<32768xf32, #tpu.memory_space<vmem>>[vector<16xi32>], vector<16xf32>,
        %parallel_loop3A_1113 = arith.constant 0 : i32
        %parallel_loop3A_1114 = vector.broadcast %parallel_loop3A_1113 : i32 to vector<16xi32>
        %parallel_loop3A_1115 = arith.addi %parallel_loop3A_1097, %parallel_loop3A_1114 : vector<16xi32>
        %parallel_loop3A_1116 = tpu.vector_load_idx %arg6[%parallel_loop3A_1115] : memref<32768xf32, #tpu.memory_space<vmem>>[vector<16xi32>], vector<16xf32>,
        %parallel_loop3A_1117 = arith.addf %parallel_loop3A_1112, %parallel_loop3A_1116 : vector<16xf32>
        %parallel_loop3A_1118 = arith.mulf %parallel_loop3A_1117, %parallel_loop3A_1108 : vector<16xf32>
        %parallel_loop3A_1119 = arith.constant 8 : i32
        %parallel_loop3A_1120 = arith.muli %parallel_loop3A_82, %parallel_loop3A_1119 : i32
        %parallel_loop3A_1121 = arith.constant 0 : i32
        %parallel_loop3A_1122 = arith.addi %parallel_loop3A_1120, %parallel_loop3A_1121 : i32
        %parallel_loop3A_1123 = arith.index_cast %parallel_loop3A_1122 : i32 to index
        %parallel_loop3A_1124 = arith.constant 96 : index
        %parallel_loop3A_1125 = tpu.vector_load %arg9[%parallel_loop3A_1123, %parallel_loop3A_1124] {strides = array<i32>} : memref<512x128xf32, #tpu.memory_space<vmem>>, vector<16xf32>,
        tpu.vector_store %arg9[%parallel_loop3A_1123, %parallel_loop3A_1124], %parallel_loop3A_1118 {strides = array<i32>} : memref<512x128xf32, #tpu.memory_space<vmem>>, vector<16xf32>,
        %parallel_loop3A_1126 = arith.constant 1 : i32
        %parallel_loop3A_1127 = vector.broadcast %parallel_loop3A_1126 : i32 to vector<16xi32>
        %parallel_loop3A_1128 = arith.addi %parallel_loop3A_1086, %parallel_loop3A_1127 : vector<16xi32>
        %parallel_loop3A_1129 = tpu.vector_load_idx %arg6[%parallel_loop3A_1128] : memref<32768xf32, #tpu.memory_space<vmem>>[vector<16xi32>], vector<16xf32>,
        %parallel_loop3A_1130 = arith.constant 1 : i32
        %parallel_loop3A_1131 = vector.broadcast %parallel_loop3A_1130 : i32 to vector<16xi32>
        %parallel_loop3A_1132 = arith.addi %parallel_loop3A_1097, %parallel_loop3A_1131 : vector<16xi32>
        %parallel_loop3A_1133 = tpu.vector_load_idx %arg6[%parallel_loop3A_1132] : memref<32768xf32, #tpu.memory_space<vmem>>[vector<16xi32>], vector<16xf32>,
        %parallel_loop3A_1134 = arith.addf %parallel_loop3A_1129, %parallel_loop3A_1133 : vector<16xf32>
        %parallel_loop3A_1135 = arith.mulf %parallel_loop3A_1134, %parallel_loop3A_1108 : vector<16xf32>
        %parallel_loop3A_1136 = arith.constant 8 : i32
        %parallel_loop3A_1137 = arith.muli %parallel_loop3A_82, %parallel_loop3A_1136 : i32
        %parallel_loop3A_1138 = arith.constant 1 : i32
        %parallel_loop3A_1139 = arith.addi %parallel_loop3A_1137, %parallel_loop3A_1138 : i32
        %parallel_loop3A_1140 = arith.index_cast %parallel_loop3A_1139 : i32 to index
        %parallel_loop3A_1141 = arith.constant 96 : index
        %parallel_loop3A_1142 = tpu.vector_load %arg9[%parallel_loop3A_1140, %parallel_loop3A_1141] {strides = array<i32>} : memref<512x128xf32, #tpu.memory_space<vmem>>, vector<16xf32>,
        tpu.vector_store %arg9[%parallel_loop3A_1140, %parallel_loop3A_1141], %parallel_loop3A_1135 {strides = array<i32>} : memref<512x128xf32, #tpu.memory_space<vmem>>, vector<16xf32>,
        %parallel_loop3A_1143 = arith.constant 2 : i32
        %parallel_loop3A_1144 = vector.broadcast %parallel_loop3A_1143 : i32 to vector<16xi32>
        %parallel_loop3A_1145 = arith.addi %parallel_loop3A_1086, %parallel_loop3A_1144 : vector<16xi32>
        %parallel_loop3A_1146 = tpu.vector_load_idx %arg6[%parallel_loop3A_1145] : memref<32768xf32, #tpu.memory_space<vmem>>[vector<16xi32>], vector<16xf32>,
        %parallel_loop3A_1147 = arith.constant 2 : i32
        %parallel_loop3A_1148 = vector.broadcast %parallel_loop3A_1147 : i32 to vector<16xi32>
        %parallel_loop3A_1149 = arith.addi %parallel_loop3A_1097, %parallel_loop3A_1148 : vector<16xi32>
        %parallel_loop3A_1150 = tpu.vector_load_idx %arg6[%parallel_loop3A_1149] : memref<32768xf32, #tpu.memory_space<vmem>>[vector<16xi32>], vector<16xf32>,
        %parallel_loop3A_1151 = arith.addf %parallel_loop3A_1146, %parallel_loop3A_1150 : vector<16xf32>
        %parallel_loop3A_1152 = arith.mulf %parallel_loop3A_1151, %parallel_loop3A_1108 : vector<16xf32>
        %parallel_loop3A_1153 = arith.constant 8 : i32
        %parallel_loop3A_1154 = arith.muli %parallel_loop3A_82, %parallel_loop3A_1153 : i32
        %parallel_loop3A_1155 = arith.constant 2 : i32
        %parallel_loop3A_1156 = arith.addi %parallel_loop3A_1154, %parallel_loop3A_1155 : i32
        %parallel_loop3A_1157 = arith.index_cast %parallel_loop3A_1156 : i32 to index
        %parallel_loop3A_1158 = arith.constant 96 : index
        %parallel_loop3A_1159 = tpu.vector_load %arg9[%parallel_loop3A_1157, %parallel_loop3A_1158] {strides = array<i32>} : memref<512x128xf32, #tpu.memory_space<vmem>>, vector<16xf32>,
        tpu.vector_store %arg9[%parallel_loop3A_1157, %parallel_loop3A_1158], %parallel_loop3A_1152 {strides = array<i32>} : memref<512x128xf32, #tpu.memory_space<vmem>>, vector<16xf32>,
        %parallel_loop3A_1160 = arith.constant 3 : i32
        %parallel_loop3A_1161 = vector.broadcast %parallel_loop3A_1160 : i32 to vector<16xi32>
        %parallel_loop3A_1162 = arith.addi %parallel_loop3A_1086, %parallel_loop3A_1161 : vector<16xi32>
        %parallel_loop3A_1163 = tpu.vector_load_idx %arg6[%parallel_loop3A_1162] : memref<32768xf32, #tpu.memory_space<vmem>>[vector<16xi32>], vector<16xf32>,
        %parallel_loop3A_1164 = arith.constant 3 : i32
        %parallel_loop3A_1165 = vector.broadcast %parallel_loop3A_1164 : i32 to vector<16xi32>
        %parallel_loop3A_1166 = arith.addi %parallel_loop3A_1097, %parallel_loop3A_1165 : vector<16xi32>
        %parallel_loop3A_1167 = tpu.vector_load_idx %arg6[%parallel_loop3A_1166] : memref<32768xf32, #tpu.memory_space<vmem>>[vector<16xi32>], vector<16xf32>,
        %parallel_loop3A_1168 = arith.addf %parallel_loop3A_1163, %parallel_loop3A_1167 : vector<16xf32>
        %parallel_loop3A_1169 = arith.mulf %parallel_loop3A_1168, %parallel_loop3A_1108 : vector<16xf32>
        %parallel_loop3A_1170 = arith.constant 8 : i32
        %parallel_loop3A_1171 = arith.muli %parallel_loop3A_82, %parallel_loop3A_1170 : i32
        %parallel_loop3A_1172 = arith.constant 3 : i32
        %parallel_loop3A_1173 = arith.addi %parallel_loop3A_1171, %parallel_loop3A_1172 : i32
        %parallel_loop3A_1174 = arith.index_cast %parallel_loop3A_1173 : i32 to index
        %parallel_loop3A_1175 = arith.constant 96 : index
        %parallel_loop3A_1176 = tpu.vector_load %arg9[%parallel_loop3A_1174, %parallel_loop3A_1175] {strides = array<i32>} : memref<512x128xf32, #tpu.memory_space<vmem>>, vector<16xf32>,
        tpu.vector_store %arg9[%parallel_loop3A_1174, %parallel_loop3A_1175], %parallel_loop3A_1169 {strides = array<i32>} : memref<512x128xf32, #tpu.memory_space<vmem>>, vector<16xf32>,
        %parallel_loop3A_1177 = arith.constant 4 : i32
        %parallel_loop3A_1178 = vector.broadcast %parallel_loop3A_1177 : i32 to vector<16xi32>
        %parallel_loop3A_1179 = arith.addi %parallel_loop3A_1086, %parallel_loop3A_1178 : vector<16xi32>
        %parallel_loop3A_1180 = tpu.vector_load_idx %arg6[%parallel_loop3A_1179] : memref<32768xf32, #tpu.memory_space<vmem>>[vector<16xi32>], vector<16xf32>,
        %parallel_loop3A_1181 = arith.constant 4 : i32
        %parallel_loop3A_1182 = vector.broadcast %parallel_loop3A_1181 : i32 to vector<16xi32>
        %parallel_loop3A_1183 = arith.addi %parallel_loop3A_1097, %parallel_loop3A_1182 : vector<16xi32>
        %parallel_loop3A_1184 = tpu.vector_load_idx %arg6[%parallel_loop3A_1183] : memref<32768xf32, #tpu.memory_space<vmem>>[vector<16xi32>], vector<16xf32>,
        %parallel_loop3A_1185 = arith.addf %parallel_loop3A_1180, %parallel_loop3A_1184 : vector<16xf32>
        %parallel_loop3A_1186 = arith.mulf %parallel_loop3A_1185, %parallel_loop3A_1108 : vector<16xf32>
        %parallel_loop3A_1187 = arith.constant 8 : i32
        %parallel_loop3A_1188 = arith.muli %parallel_loop3A_82, %parallel_loop3A_1187 : i32
        %parallel_loop3A_1189 = arith.constant 4 : i32
        %parallel_loop3A_1190 = arith.addi %parallel_loop3A_1188, %parallel_loop3A_1189 : i32
        %parallel_loop3A_1191 = arith.index_cast %parallel_loop3A_1190 : i32 to index
        %parallel_loop3A_1192 = arith.constant 96 : index
        %parallel_loop3A_1193 = tpu.vector_load %arg9[%parallel_loop3A_1191, %parallel_loop3A_1192] {strides = array<i32>} : memref<512x128xf32, #tpu.memory_space<vmem>>, vector<16xf32>,
        tpu.vector_store %arg9[%parallel_loop3A_1191, %parallel_loop3A_1192], %parallel_loop3A_1186 {strides = array<i32>} : memref<512x128xf32, #tpu.memory_space<vmem>>, vector<16xf32>,
        %parallel_loop3A_1194 = arith.constant 5 : i32
        %parallel_loop3A_1195 = vector.broadcast %parallel_loop3A_1194 : i32 to vector<16xi32>
        %parallel_loop3A_1196 = arith.addi %parallel_loop3A_1086, %parallel_loop3A_1195 : vector<16xi32>
        %parallel_loop3A_1197 = tpu.vector_load_idx %arg6[%parallel_loop3A_1196] : memref<32768xf32, #tpu.memory_space<vmem>>[vector<16xi32>], vector<16xf32>,
        %parallel_loop3A_1198 = arith.constant 5 : i32
        %parallel_loop3A_1199 = vector.broadcast %parallel_loop3A_1198 : i32 to vector<16xi32>
        %parallel_loop3A_1200 = arith.addi %parallel_loop3A_1097, %parallel_loop3A_1199 : vector<16xi32>
        %parallel_loop3A_1201 = tpu.vector_load_idx %arg6[%parallel_loop3A_1200] : memref<32768xf32, #tpu.memory_space<vmem>>[vector<16xi32>], vector<16xf32>,
        %parallel_loop3A_1202 = arith.addf %parallel_loop3A_1197, %parallel_loop3A_1201 : vector<16xf32>
        %parallel_loop3A_1203 = arith.mulf %parallel_loop3A_1202, %parallel_loop3A_1108 : vector<16xf32>
        %parallel_loop3A_1204 = arith.constant 8 : i32
        %parallel_loop3A_1205 = arith.muli %parallel_loop3A_82, %parallel_loop3A_1204 : i32
        %parallel_loop3A_1206 = arith.constant 5 : i32
        %parallel_loop3A_1207 = arith.addi %parallel_loop3A_1205, %parallel_loop3A_1206 : i32
        %parallel_loop3A_1208 = arith.index_cast %parallel_loop3A_1207 : i32 to index
        %parallel_loop3A_1209 = arith.constant 96 : index
        %parallel_loop3A_1210 = tpu.vector_load %arg9[%parallel_loop3A_1208, %parallel_loop3A_1209] {strides = array<i32>} : memref<512x128xf32, #tpu.memory_space<vmem>>, vector<16xf32>,
        tpu.vector_store %arg9[%parallel_loop3A_1208, %parallel_loop3A_1209], %parallel_loop3A_1203 {strides = array<i32>} : memref<512x128xf32, #tpu.memory_space<vmem>>, vector<16xf32>,
        %parallel_loop3A_1211 = arith.constant 6 : i32
        %parallel_loop3A_1212 = vector.broadcast %parallel_loop3A_1211 : i32 to vector<16xi32>
        %parallel_loop3A_1213 = arith.addi %parallel_loop3A_1086, %parallel_loop3A_1212 : vector<16xi32>
        %parallel_loop3A_1214 = tpu.vector_load_idx %arg6[%parallel_loop3A_1213] : memref<32768xf32, #tpu.memory_space<vmem>>[vector<16xi32>], vector<16xf32>,
        %parallel_loop3A_1215 = arith.constant 6 : i32
        %parallel_loop3A_1216 = vector.broadcast %parallel_loop3A_1215 : i32 to vector<16xi32>
        %parallel_loop3A_1217 = arith.addi %parallel_loop3A_1097, %parallel_loop3A_1216 : vector<16xi32>
        %parallel_loop3A_1218 = tpu.vector_load_idx %arg6[%parallel_loop3A_1217] : memref<32768xf32, #tpu.memory_space<vmem>>[vector<16xi32>], vector<16xf32>,
        %parallel_loop3A_1219 = arith.addf %parallel_loop3A_1214, %parallel_loop3A_1218 : vector<16xf32>
        %parallel_loop3A_1220 = arith.mulf %parallel_loop3A_1219, %parallel_loop3A_1108 : vector<16xf32>
        %parallel_loop3A_1221 = arith.constant 8 : i32
        %parallel_loop3A_1222 = arith.muli %parallel_loop3A_82, %parallel_loop3A_1221 : i32
        %parallel_loop3A_1223 = arith.constant 6 : i32
        %parallel_loop3A_1224 = arith.addi %parallel_loop3A_1222, %parallel_loop3A_1223 : i32
        %parallel_loop3A_1225 = arith.index_cast %parallel_loop3A_1224 : i32 to index
        %parallel_loop3A_1226 = arith.constant 96 : index
        %parallel_loop3A_1227 = tpu.vector_load %arg9[%parallel_loop3A_1225, %parallel_loop3A_1226] {strides = array<i32>} : memref<512x128xf32, #tpu.memory_space<vmem>>, vector<16xf32>,
        tpu.vector_store %arg9[%parallel_loop3A_1225, %parallel_loop3A_1226], %parallel_loop3A_1220 {strides = array<i32>} : memref<512x128xf32, #tpu.memory_space<vmem>>, vector<16xf32>,
        %parallel_loop3A_1228 = arith.constant 7 : i32
        %parallel_loop3A_1229 = vector.broadcast %parallel_loop3A_1228 : i32 to vector<16xi32>
        %parallel_loop3A_1230 = arith.addi %parallel_loop3A_1086, %parallel_loop3A_1229 : vector<16xi32>
        %parallel_loop3A_1231 = tpu.vector_load_idx %arg6[%parallel_loop3A_1230] : memref<32768xf32, #tpu.memory_space<vmem>>[vector<16xi32>], vector<16xf32>,
        %parallel_loop3A_1232 = arith.constant 7 : i32
        %parallel_loop3A_1233 = vector.broadcast %parallel_loop3A_1232 : i32 to vector<16xi32>
        %parallel_loop3A_1234 = arith.addi %parallel_loop3A_1097, %parallel_loop3A_1233 : vector<16xi32>
        %parallel_loop3A_1235 = tpu.vector_load_idx %arg6[%parallel_loop3A_1234] : memref<32768xf32, #tpu.memory_space<vmem>>[vector<16xi32>], vector<16xf32>,
        %parallel_loop3A_1236 = arith.addf %parallel_loop3A_1231, %parallel_loop3A_1235 : vector<16xf32>
        %parallel_loop3A_1237 = arith.mulf %parallel_loop3A_1236, %parallel_loop3A_1108 : vector<16xf32>
        %parallel_loop3A_1238 = arith.constant 8 : i32
        %parallel_loop3A_1239 = arith.muli %parallel_loop3A_82, %parallel_loop3A_1238 : i32
        %parallel_loop3A_1240 = arith.constant 7 : i32
        %parallel_loop3A_1241 = arith.addi %parallel_loop3A_1239, %parallel_loop3A_1240 : i32
        %parallel_loop3A_1242 = arith.index_cast %parallel_loop3A_1241 : i32 to index
        %parallel_loop3A_1243 = arith.constant 96 : index
        %parallel_loop3A_1244 = tpu.vector_load %arg9[%parallel_loop3A_1242, %parallel_loop3A_1243] {strides = array<i32>} : memref<512x128xf32, #tpu.memory_space<vmem>>, vector<16xf32>,
        tpu.vector_store %arg9[%parallel_loop3A_1242, %parallel_loop3A_1243], %parallel_loop3A_1237 {strides = array<i32>} : memref<512x128xf32, #tpu.memory_space<vmem>>, vector<16xf32>,
        %parallel_loop3A_1245 = arith.constant 0 : i32
        %parallel_loop3A_1246 = arith.index_cast %parallel_loop3A_82 : i32 to index
        %parallel_loop3A_1247 = arith.index_cast %parallel_loop3A_1245 : i32 to index
        %parallel_loop3A_1248 = arith.constant 112 : index
        %parallel_loop3A_1249 = tpu.vector_load %arg7[%parallel_loop3A_1246, %parallel_loop3A_1247, %parallel_loop3A_1248] {strides = array<i32>} : memref<64x2x128xi32, #tpu.memory_space<vmem>>, vector<16xi32>,
        %parallel_loop3A_1250 = arith.constant 16 : i32
        %parallel_loop3A_1251 = vector.broadcast %parallel_loop3A_1250 : i32 to vector<16xi32>
        %parallel_loop3A_1252 = arith.muli %parallel_loop3A_1249, %parallel_loop3A_1251 : vector<16xi32>
        %parallel_loop3A_1253 = arith.constant 1 : i32
        %parallel_loop3A_1254 = arith.index_cast %parallel_loop3A_82 : i32 to index
        %parallel_loop3A_1255 = arith.index_cast %parallel_loop3A_1253 : i32 to index
        %parallel_loop3A_1256 = arith.constant 112 : index
        %parallel_loop3A_1257 = tpu.vector_load %arg7[%parallel_loop3A_1254, %parallel_loop3A_1255, %parallel_loop3A_1256] {strides = array<i32>} : memref<64x2x128xi32, #tpu.memory_space<vmem>>, vector<16xi32>,
        %parallel_loop3A_1258 = arith.constant 16 : i32
        %parallel_loop3A_1259 = vector.broadcast %parallel_loop3A_1258 : i32 to vector<16xi32>
        %parallel_loop3A_1260 = arith.muli %parallel_loop3A_1257, %parallel_loop3A_1259 : vector<16xi32>
        %parallel_loop3A_1261 = arith.constant 8 : i32
        %parallel_loop3A_1262 = vector.broadcast %parallel_loop3A_1261 : i32 to vector<16xi32>
        %parallel_loop3A_1263 = arith.addi %parallel_loop3A_1260, %parallel_loop3A_1262 : vector<16xi32>
        %parallel_loop3A_1264 = arith.index_cast %parallel_loop3A_82 : i32 to index
        %parallel_loop3A_1265 = arith.constant 112 : index
        %parallel_loop3A_1266 = tpu.vector_load %arg8[%parallel_loop3A_1264, %parallel_loop3A_1265] {strides = array<i32>} : memref<64x128xi32, #tpu.memory_space<vmem>>, vector<16xi32>,
        %parallel_loop3A_1267 = arith.constant 2 : i32
        %parallel_loop3A_1268 = vector.broadcast %parallel_loop3A_1267 : i32 to vector<16xi32>
        %parallel_loop3A_1269 = arith.cmpi sge, %parallel_loop3A_1266, %parallel_loop3A_1268 : vector<16xi32>
        %parallel_loop3A_1270 = arith.constant 5.000000e-01 : f32
        %parallel_loop3A_1271 = arith.constant 1.000000e+00 : f32
        %parallel_loop3A_1272 = vector.broadcast %parallel_loop3A_1270 : f32 to vector<16xf32>
        %parallel_loop3A_1273 = vector.broadcast %parallel_loop3A_1271 : f32 to vector<16xf32>
        %parallel_loop3A_1274 = arith.select %parallel_loop3A_1269, %parallel_loop3A_1272, %parallel_loop3A_1273 : vector<16xi1>, vector<16xf32>
        %parallel_loop3A_1275 = arith.constant 0 : i32
        %parallel_loop3A_1276 = vector.broadcast %parallel_loop3A_1275 : i32 to vector<16xi32>
        %parallel_loop3A_1277 = arith.addi %parallel_loop3A_1252, %parallel_loop3A_1276 : vector<16xi32>
        %parallel_loop3A_1278 = tpu.vector_load_idx %arg6[%parallel_loop3A_1277] : memref<32768xf32, #tpu.memory_space<vmem>>[vector<16xi32>], vector<16xf32>,
        %parallel_loop3A_1279 = arith.constant 0 : i32
        %parallel_loop3A_1280 = vector.broadcast %parallel_loop3A_1279 : i32 to vector<16xi32>
        %parallel_loop3A_1281 = arith.addi %parallel_loop3A_1263, %parallel_loop3A_1280 : vector<16xi32>
        %parallel_loop3A_1282 = tpu.vector_load_idx %arg6[%parallel_loop3A_1281] : memref<32768xf32, #tpu.memory_space<vmem>>[vector<16xi32>], vector<16xf32>,
        %parallel_loop3A_1283 = arith.addf %parallel_loop3A_1278, %parallel_loop3A_1282 : vector<16xf32>
        %parallel_loop3A_1284 = arith.mulf %parallel_loop3A_1283, %parallel_loop3A_1274 : vector<16xf32>
        %parallel_loop3A_1285 = arith.constant 8 : i32
        %parallel_loop3A_1286 = arith.muli %parallel_loop3A_82, %parallel_loop3A_1285 : i32
        %parallel_loop3A_1287 = arith.constant 0 : i32
        %parallel_loop3A_1288 = arith.addi %parallel_loop3A_1286, %parallel_loop3A_1287 : i32
        %parallel_loop3A_1289 = arith.index_cast %parallel_loop3A_1288 : i32 to index
        %parallel_loop3A_1290 = arith.constant 112 : index
        %parallel_loop3A_1291 = tpu.vector_load %arg9[%parallel_loop3A_1289, %parallel_loop3A_1290] {strides = array<i32>} : memref<512x128xf32, #tpu.memory_space<vmem>>, vector<16xf32>,
        tpu.vector_store %arg9[%parallel_loop3A_1289, %parallel_loop3A_1290], %parallel_loop3A_1284 {strides = array<i32>} : memref<512x128xf32, #tpu.memory_space<vmem>>, vector<16xf32>,
        %parallel_loop3A_1292 = arith.constant 1 : i32
        %parallel_loop3A_1293 = vector.broadcast %parallel_loop3A_1292 : i32 to vector<16xi32>
        %parallel_loop3A_1294 = arith.addi %parallel_loop3A_1252, %parallel_loop3A_1293 : vector<16xi32>
        %parallel_loop3A_1295 = tpu.vector_load_idx %arg6[%parallel_loop3A_1294] : memref<32768xf32, #tpu.memory_space<vmem>>[vector<16xi32>], vector<16xf32>,
        %parallel_loop3A_1296 = arith.constant 1 : i32
        %parallel_loop3A_1297 = vector.broadcast %parallel_loop3A_1296 : i32 to vector<16xi32>
        %parallel_loop3A_1298 = arith.addi %parallel_loop3A_1263, %parallel_loop3A_1297 : vector<16xi32>
        %parallel_loop3A_1299 = tpu.vector_load_idx %arg6[%parallel_loop3A_1298] : memref<32768xf32, #tpu.memory_space<vmem>>[vector<16xi32>], vector<16xf32>,
        %parallel_loop3A_1300 = arith.addf %parallel_loop3A_1295, %parallel_loop3A_1299 : vector<16xf32>
        %parallel_loop3A_1301 = arith.mulf %parallel_loop3A_1300, %parallel_loop3A_1274 : vector<16xf32>
        %parallel_loop3A_1302 = arith.constant 8 : i32
        %parallel_loop3A_1303 = arith.muli %parallel_loop3A_82, %parallel_loop3A_1302 : i32
        %parallel_loop3A_1304 = arith.constant 1 : i32
        %parallel_loop3A_1305 = arith.addi %parallel_loop3A_1303, %parallel_loop3A_1304 : i32
        %parallel_loop3A_1306 = arith.index_cast %parallel_loop3A_1305 : i32 to index
        %parallel_loop3A_1307 = arith.constant 112 : index
        %parallel_loop3A_1308 = tpu.vector_load %arg9[%parallel_loop3A_1306, %parallel_loop3A_1307] {strides = array<i32>} : memref<512x128xf32, #tpu.memory_space<vmem>>, vector<16xf32>,
        tpu.vector_store %arg9[%parallel_loop3A_1306, %parallel_loop3A_1307], %parallel_loop3A_1301 {strides = array<i32>} : memref<512x128xf32, #tpu.memory_space<vmem>>, vector<16xf32>,
        %parallel_loop3A_1309 = arith.constant 2 : i32
        %parallel_loop3A_1310 = vector.broadcast %parallel_loop3A_1309 : i32 to vector<16xi32>
        %parallel_loop3A_1311 = arith.addi %parallel_loop3A_1252, %parallel_loop3A_1310 : vector<16xi32>
        %parallel_loop3A_1312 = tpu.vector_load_idx %arg6[%parallel_loop3A_1311] : memref<32768xf32, #tpu.memory_space<vmem>>[vector<16xi32>], vector<16xf32>,
        %parallel_loop3A_1313 = arith.constant 2 : i32
        %parallel_loop3A_1314 = vector.broadcast %parallel_loop3A_1313 : i32 to vector<16xi32>
        %parallel_loop3A_1315 = arith.addi %parallel_loop3A_1263, %parallel_loop3A_1314 : vector<16xi32>
        %parallel_loop3A_1316 = tpu.vector_load_idx %arg6[%parallel_loop3A_1315] : memref<32768xf32, #tpu.memory_space<vmem>>[vector<16xi32>], vector<16xf32>,
        %parallel_loop3A_1317 = arith.addf %parallel_loop3A_1312, %parallel_loop3A_1316 : vector<16xf32>
        %parallel_loop3A_1318 = arith.mulf %parallel_loop3A_1317, %parallel_loop3A_1274 : vector<16xf32>
        %parallel_loop3A_1319 = arith.constant 8 : i32
        %parallel_loop3A_1320 = arith.muli %parallel_loop3A_82, %parallel_loop3A_1319 : i32
        %parallel_loop3A_1321 = arith.constant 2 : i32
        %parallel_loop3A_1322 = arith.addi %parallel_loop3A_1320, %parallel_loop3A_1321 : i32
        %parallel_loop3A_1323 = arith.index_cast %parallel_loop3A_1322 : i32 to index
        %parallel_loop3A_1324 = arith.constant 112 : index
        %parallel_loop3A_1325 = tpu.vector_load %arg9[%parallel_loop3A_1323, %parallel_loop3A_1324] {strides = array<i32>} : memref<512x128xf32, #tpu.memory_space<vmem>>, vector<16xf32>,
        tpu.vector_store %arg9[%parallel_loop3A_1323, %parallel_loop3A_1324], %parallel_loop3A_1318 {strides = array<i32>} : memref<512x128xf32, #tpu.memory_space<vmem>>, vector<16xf32>,
        %parallel_loop3A_1326 = arith.constant 3 : i32
        %parallel_loop3A_1327 = vector.broadcast %parallel_loop3A_1326 : i32 to vector<16xi32>
        %parallel_loop3A_1328 = arith.addi %parallel_loop3A_1252, %parallel_loop3A_1327 : vector<16xi32>
        %parallel_loop3A_1329 = tpu.vector_load_idx %arg6[%parallel_loop3A_1328] : memref<32768xf32, #tpu.memory_space<vmem>>[vector<16xi32>], vector<16xf32>,
        %parallel_loop3A_1330 = arith.constant 3 : i32
        %parallel_loop3A_1331 = vector.broadcast %parallel_loop3A_1330 : i32 to vector<16xi32>
        %parallel_loop3A_1332 = arith.addi %parallel_loop3A_1263, %parallel_loop3A_1331 : vector<16xi32>
        %parallel_loop3A_1333 = tpu.vector_load_idx %arg6[%parallel_loop3A_1332] : memref<32768xf32, #tpu.memory_space<vmem>>[vector<16xi32>], vector<16xf32>,
        %parallel_loop3A_1334 = arith.addf %parallel_loop3A_1329, %parallel_loop3A_1333 : vector<16xf32>
        %parallel_loop3A_1335 = arith.mulf %parallel_loop3A_1334, %parallel_loop3A_1274 : vector<16xf32>
        %parallel_loop3A_1336 = arith.constant 8 : i32
        %parallel_loop3A_1337 = arith.muli %parallel_loop3A_82, %parallel_loop3A_1336 : i32
        %parallel_loop3A_1338 = arith.constant 3 : i32
        %parallel_loop3A_1339 = arith.addi %parallel_loop3A_1337, %parallel_loop3A_1338 : i32
        %parallel_loop3A_1340 = arith.index_cast %parallel_loop3A_1339 : i32 to index
        %parallel_loop3A_1341 = arith.constant 112 : index
        %parallel_loop3A_1342 = tpu.vector_load %arg9[%parallel_loop3A_1340, %parallel_loop3A_1341] {strides = array<i32>} : memref<512x128xf32, #tpu.memory_space<vmem>>, vector<16xf32>,
        tpu.vector_store %arg9[%parallel_loop3A_1340, %parallel_loop3A_1341], %parallel_loop3A_1335 {strides = array<i32>} : memref<512x128xf32, #tpu.memory_space<vmem>>, vector<16xf32>,
        %parallel_loop3A_1343 = arith.constant 4 : i32
        %parallel_loop3A_1344 = vector.broadcast %parallel_loop3A_1343 : i32 to vector<16xi32>
        %parallel_loop3A_1345 = arith.addi %parallel_loop3A_1252, %parallel_loop3A_1344 : vector<16xi32>
        %parallel_loop3A_1346 = tpu.vector_load_idx %arg6[%parallel_loop3A_1345] : memref<32768xf32, #tpu.memory_space<vmem>>[vector<16xi32>], vector<16xf32>,
        %parallel_loop3A_1347 = arith.constant 4 : i32
        %parallel_loop3A_1348 = vector.broadcast %parallel_loop3A_1347 : i32 to vector<16xi32>
        %parallel_loop3A_1349 = arith.addi %parallel_loop3A_1263, %parallel_loop3A_1348 : vector<16xi32>
        %parallel_loop3A_1350 = tpu.vector_load_idx %arg6[%parallel_loop3A_1349] : memref<32768xf32, #tpu.memory_space<vmem>>[vector<16xi32>], vector<16xf32>,
        %parallel_loop3A_1351 = arith.addf %parallel_loop3A_1346, %parallel_loop3A_1350 : vector<16xf32>
        %parallel_loop3A_1352 = arith.mulf %parallel_loop3A_1351, %parallel_loop3A_1274 : vector<16xf32>
        %parallel_loop3A_1353 = arith.constant 8 : i32
        %parallel_loop3A_1354 = arith.muli %parallel_loop3A_82, %parallel_loop3A_1353 : i32
        %parallel_loop3A_1355 = arith.constant 4 : i32
        %parallel_loop3A_1356 = arith.addi %parallel_loop3A_1354, %parallel_loop3A_1355 : i32
        %parallel_loop3A_1357 = arith.index_cast %parallel_loop3A_1356 : i32 to index
        %parallel_loop3A_1358 = arith.constant 112 : index
        %parallel_loop3A_1359 = tpu.vector_load %arg9[%parallel_loop3A_1357, %parallel_loop3A_1358] {strides = array<i32>} : memref<512x128xf32, #tpu.memory_space<vmem>>, vector<16xf32>,
        tpu.vector_store %arg9[%parallel_loop3A_1357, %parallel_loop3A_1358], %parallel_loop3A_1352 {strides = array<i32>} : memref<512x128xf32, #tpu.memory_space<vmem>>, vector<16xf32>,
        %parallel_loop3A_1360 = arith.constant 5 : i32
        %parallel_loop3A_1361 = vector.broadcast %parallel_loop3A_1360 : i32 to vector<16xi32>
        %parallel_loop3A_1362 = arith.addi %parallel_loop3A_1252, %parallel_loop3A_1361 : vector<16xi32>
        %parallel_loop3A_1363 = tpu.vector_load_idx %arg6[%parallel_loop3A_1362] : memref<32768xf32, #tpu.memory_space<vmem>>[vector<16xi32>], vector<16xf32>,
        %parallel_loop3A_1364 = arith.constant 5 : i32
        %parallel_loop3A_1365 = vector.broadcast %parallel_loop3A_1364 : i32 to vector<16xi32>
        %parallel_loop3A_1366 = arith.addi %parallel_loop3A_1263, %parallel_loop3A_1365 : vector<16xi32>
        %parallel_loop3A_1367 = tpu.vector_load_idx %arg6[%parallel_loop3A_1366] : memref<32768xf32, #tpu.memory_space<vmem>>[vector<16xi32>], vector<16xf32>,
        %parallel_loop3A_1368 = arith.addf %parallel_loop3A_1363, %parallel_loop3A_1367 : vector<16xf32>
        %parallel_loop3A_1369 = arith.mulf %parallel_loop3A_1368, %parallel_loop3A_1274 : vector<16xf32>
        %parallel_loop3A_1370 = arith.constant 8 : i32
        %parallel_loop3A_1371 = arith.muli %parallel_loop3A_82, %parallel_loop3A_1370 : i32
        %parallel_loop3A_1372 = arith.constant 5 : i32
        %parallel_loop3A_1373 = arith.addi %parallel_loop3A_1371, %parallel_loop3A_1372 : i32
        %parallel_loop3A_1374 = arith.index_cast %parallel_loop3A_1373 : i32 to index
        %parallel_loop3A_1375 = arith.constant 112 : index
        %parallel_loop3A_1376 = tpu.vector_load %arg9[%parallel_loop3A_1374, %parallel_loop3A_1375] {strides = array<i32>} : memref<512x128xf32, #tpu.memory_space<vmem>>, vector<16xf32>,
        tpu.vector_store %arg9[%parallel_loop3A_1374, %parallel_loop3A_1375], %parallel_loop3A_1369 {strides = array<i32>} : memref<512x128xf32, #tpu.memory_space<vmem>>, vector<16xf32>,
        %parallel_loop3A_1377 = arith.constant 6 : i32
        %parallel_loop3A_1378 = vector.broadcast %parallel_loop3A_1377 : i32 to vector<16xi32>
        %parallel_loop3A_1379 = arith.addi %parallel_loop3A_1252, %parallel_loop3A_1378 : vector<16xi32>
        %parallel_loop3A_1380 = tpu.vector_load_idx %arg6[%parallel_loop3A_1379] : memref<32768xf32, #tpu.memory_space<vmem>>[vector<16xi32>], vector<16xf32>,
        %parallel_loop3A_1381 = arith.constant 6 : i32
        %parallel_loop3A_1382 = vector.broadcast %parallel_loop3A_1381 : i32 to vector<16xi32>
        %parallel_loop3A_1383 = arith.addi %parallel_loop3A_1263, %parallel_loop3A_1382 : vector<16xi32>
        %parallel_loop3A_1384 = tpu.vector_load_idx %arg6[%parallel_loop3A_1383] : memref<32768xf32, #tpu.memory_space<vmem>>[vector<16xi32>], vector<16xf32>,
        %parallel_loop3A_1385 = arith.addf %parallel_loop3A_1380, %parallel_loop3A_1384 : vector<16xf32>
        %parallel_loop3A_1386 = arith.mulf %parallel_loop3A_1385, %parallel_loop3A_1274 : vector<16xf32>
        %parallel_loop3A_1387 = arith.constant 8 : i32
        %parallel_loop3A_1388 = arith.muli %parallel_loop3A_82, %parallel_loop3A_1387 : i32
        %parallel_loop3A_1389 = arith.constant 6 : i32
        %parallel_loop3A_1390 = arith.addi %parallel_loop3A_1388, %parallel_loop3A_1389 : i32
        %parallel_loop3A_1391 = arith.index_cast %parallel_loop3A_1390 : i32 to index
        %parallel_loop3A_1392 = arith.constant 112 : index
        %parallel_loop3A_1393 = tpu.vector_load %arg9[%parallel_loop3A_1391, %parallel_loop3A_1392] {strides = array<i32>} : memref<512x128xf32, #tpu.memory_space<vmem>>, vector<16xf32>,
        tpu.vector_store %arg9[%parallel_loop3A_1391, %parallel_loop3A_1392], %parallel_loop3A_1386 {strides = array<i32>} : memref<512x128xf32, #tpu.memory_space<vmem>>, vector<16xf32>,
        %parallel_loop3A_1394 = arith.constant 7 : i32
        %parallel_loop3A_1395 = vector.broadcast %parallel_loop3A_1394 : i32 to vector<16xi32>
        %parallel_loop3A_1396 = arith.addi %parallel_loop3A_1252, %parallel_loop3A_1395 : vector<16xi32>
        %parallel_loop3A_1397 = tpu.vector_load_idx %arg6[%parallel_loop3A_1396] : memref<32768xf32, #tpu.memory_space<vmem>>[vector<16xi32>], vector<16xf32>,
        %parallel_loop3A_1398 = arith.constant 7 : i32
        %parallel_loop3A_1399 = vector.broadcast %parallel_loop3A_1398 : i32 to vector<16xi32>
        %parallel_loop3A_1400 = arith.addi %parallel_loop3A_1263, %parallel_loop3A_1399 : vector<16xi32>
        %parallel_loop3A_1401 = tpu.vector_load_idx %arg6[%parallel_loop3A_1400] : memref<32768xf32, #tpu.memory_space<vmem>>[vector<16xi32>], vector<16xf32>,
        %parallel_loop3A_1402 = arith.addf %parallel_loop3A_1397, %parallel_loop3A_1401 : vector<16xf32>
        %parallel_loop3A_1403 = arith.mulf %parallel_loop3A_1402, %parallel_loop3A_1274 : vector<16xf32>
        %parallel_loop3A_1404 = arith.constant 8 : i32
        %parallel_loop3A_1405 = arith.muli %parallel_loop3A_82, %parallel_loop3A_1404 : i32
        %parallel_loop3A_1406 = arith.constant 7 : i32
        %parallel_loop3A_1407 = arith.addi %parallel_loop3A_1405, %parallel_loop3A_1406 : i32
        %parallel_loop3A_1408 = arith.index_cast %parallel_loop3A_1407 : i32 to index
        %parallel_loop3A_1409 = arith.constant 112 : index
        %parallel_loop3A_1410 = tpu.vector_load %arg9[%parallel_loop3A_1408, %parallel_loop3A_1409] {strides = array<i32>} : memref<512x128xf32, #tpu.memory_space<vmem>>, vector<16xf32>,
        tpu.vector_store %arg9[%parallel_loop3A_1408, %parallel_loop3A_1409], %parallel_loop3A_1403 {strides = array<i32>} : memref<512x128xf32, #tpu.memory_space<vmem>>, vector<16xf32>,
      } {sc.loop_unroll_factor = 4 : i64, sc.parallel_access}
      %mul3A_76 = arith.constant 128 : i32
      %mul3A_77 = arith.muli %select_n3A, %mul3A_76 : i32
      %add3A_78 = arith.addi %mul3A_77, %mul3A_41 : i32
      %mul3A_79 = arith.constant 8 : i32
      %mul3A_80 = arith.muli %add3A_78, %mul3A_79 : i32
      %multiple_of3A_81 = tpu.assume_multiple %mul3A_80, 8 : i32
      "tpu.region"() ({
        %run_scoped3A = tpu.sem_alloc : memref<!tpu.dma_semaphore, #tpu.memory_space<semaphore_mem>>
        %dma_start3A_82 = arith.constant 0 : i32
        %dma_start3A_83 = tpu.memref_slice %arg5[%multiple_of3A_81, %dma_start3A_82] : memref<16384x128xf32, #tpu.memory_space<hbm>> -> memref<512x128xf32, #tpu.memory_space<hbm>>
        %dma_start3A_84 = arith.constant 0 : i32
        %dma_start3A_85 = tpu.memref_slice %arg5[%multiple_of3A_81, %dma_start3A_84] : memref<16384x128xf32, #tpu.memory_space<hbm>> -> memref<512x128xf32, #tpu.memory_space<hbm>>
        tpu.enqueue_dma source(%arg9 : memref<512x128xf32, #tpu.memory_space<vmem>>) target(%dma_start3A_85 : memref<512x128xf32, #tpu.memory_space<hbm>>) target_semaphore(%run_scoped3A : memref<!tpu.dma_semaphore, #tpu.memory_space<semaphore_mem>>)
        %dma_wait3A_86 = arith.constant 0 : i32
        %dma_wait3A_87 = tpu.memref_slice %arg5[%multiple_of3A_81, %dma_wait3A_86] : memref<16384x128xf32, #tpu.memory_space<hbm>> -> memref<512x128xf32, #tpu.memory_space<hbm>>
        %dma_wait3A_88 = arith.constant 0 : i32
        %dma_wait3A_89 = tpu.memref_slice %arg5[%multiple_of3A_81, %dma_wait3A_88] : memref<16384x128xf32, #tpu.memory_space<hbm>> -> memref<512x128xf32, #tpu.memory_space<hbm>>
        tpu.wait_dma2 semaphore(%run_scoped3A : memref<!tpu.dma_semaphore, #tpu.memory_space<semaphore_mem>>) src(%arg9 : memref<512x128xf32, #tpu.memory_space<vmem>>) dst(%dma_wait3A_89 : memref<512x128xf32, #tpu.memory_space<hbm>>)
        tpu.yield
      }) : () -> ()
    } else {
    }
    %ge3A = arith.constant 30 : i32
    %ge3A_3 = arith.cmpi sge, %add3A, %ge3A : i32
    %convert_element_type3A_4 = arith.extui %ge3A_3 : i1 to i32
    %cond3A_5 = arith.constant 0 : i32
    %cond3A_6 = arith.cmpi ne, %convert_element_type3A_4, %cond3A_5 : i32
    scf.if %cond3A_6 {
      %sub3A = arith.constant 30 : i32
      %sub3A_7 = arith.subi %add3A, %sub3A : i32
      %broadcast_in_dim3A = arith.constant -1.000000e+03 : f32
      %broadcast_in_dim3A_8 = vector.broadcast %broadcast_in_dim3A : f32 to vector<16xf32>
      %scan3A = arith.constant 0 : i32
      %scan3A_9 = arith.constant 512 : i32
      %scan3A_10 = arith.addi %scan3A, %scan3A_9 : i32
      %scan3A_11 = arith.constant 1 : i32
      scf.for %scan3A_19 = %scan3A to %scan3A_10 step %scan3A_11  : i32 {
        %swap3A = arith.index_cast %scan3A_19 : i32 to index
        %swap3A_20 = arith.constant 0 : index
        %swap3A_21 = tpu.vector_load %arg9[%swap3A, %swap3A_20] {strides = array<i32>} : memref<512x128xf32, #tpu.memory_space<vmem>>, vector<16xf32>,
        tpu.vector_store %arg9[%swap3A, %swap3A_20], %broadcast_in_dim3A_8 {strides = array<i32>} : memref<512x128xf32, #tpu.memory_space<vmem>>, vector<16xf32>,
        %swap3A_22 = arith.index_cast %scan3A_19 : i32 to index
        %swap3A_23 = arith.constant 16 : index
        %swap3A_24 = tpu.vector_load %arg9[%swap3A_22, %swap3A_23] {strides = array<i32>} : memref<512x128xf32, #tpu.memory_space<vmem>>, vector<16xf32>,
        tpu.vector_store %arg9[%swap3A_22, %swap3A_23], %broadcast_in_dim3A_8 {strides = array<i32>} : memref<512x128xf32, #tpu.memory_space<vmem>>, vector<16xf32>,
        %swap3A_25 = arith.index_cast %scan3A_19 : i32 to index
        %swap3A_26 = arith.constant 32 : index
        %swap3A_27 = tpu.vector_load %arg9[%swap3A_25, %swap3A_26] {strides = array<i32>} : memref<512x128xf32, #tpu.memory_space<vmem>>, vector<16xf32>,
        tpu.vector_store %arg9[%swap3A_25, %swap3A_26], %broadcast_in_dim3A_8 {strides = array<i32>} : memref<512x128xf32, #tpu.memory_space<vmem>>, vector<16xf32>,
        %swap3A_28 = arith.index_cast %scan3A_19 : i32 to index
        %swap3A_29 = arith.constant 48 : index
        %swap3A_30 = tpu.vector_load %arg9[%swap3A_28, %swap3A_29] {strides = array<i32>} : memref<512x128xf32, #tpu.memory_space<vmem>>, vector<16xf32>,
        tpu.vector_store %arg9[%swap3A_28, %swap3A_29], %broadcast_in_dim3A_8 {strides = array<i32>} : memref<512x128xf32, #tpu.memory_space<vmem>>, vector<16xf32>,
        %swap3A_31 = arith.index_cast %scan3A_19 : i32 to index
        %swap3A_32 = arith.constant 64 : index
        %swap3A_33 = tpu.vector_load %arg9[%swap3A_31, %swap3A_32] {strides = array<i32>} : memref<512x128xf32, #tpu.memory_space<vmem>>, vector<16xf32>,
        tpu.vector_store %arg9[%swap3A_31, %swap3A_32], %broadcast_in_dim3A_8 {strides = array<i32>} : memref<512x128xf32, #tpu.memory_space<vmem>>, vector<16xf32>,
        %swap3A_34 = arith.index_cast %scan3A_19 : i32 to index
        %swap3A_35 = arith.constant 80 : index
        %swap3A_36 = tpu.vector_load %arg9[%swap3A_34, %swap3A_35] {strides = array<i32>} : memref<512x128xf32, #tpu.memory_space<vmem>>, vector<16xf32>,
        tpu.vector_store %arg9[%swap3A_34, %swap3A_35], %broadcast_in_dim3A_8 {strides = array<i32>} : memref<512x128xf32, #tpu.memory_space<vmem>>, vector<16xf32>,
        %swap3A_37 = arith.index_cast %scan3A_19 : i32 to index
        %swap3A_38 = arith.constant 96 : index
        %swap3A_39 = tpu.vector_load %arg9[%swap3A_37, %swap3A_38] {strides = array<i32>} : memref<512x128xf32, #tpu.memory_space<vmem>>, vector<16xf32>,
        tpu.vector_store %arg9[%swap3A_37, %swap3A_38], %broadcast_in_dim3A_8 {strides = array<i32>} : memref<512x128xf32, #tpu.memory_space<vmem>>, vector<16xf32>,
        %swap3A_40 = arith.index_cast %scan3A_19 : i32 to index
        %swap3A_41 = arith.constant 112 : index
        %swap3A_42 = tpu.vector_load %arg9[%swap3A_40, %swap3A_41] {strides = array<i32>} : memref<512x128xf32, #tpu.memory_space<vmem>>, vector<16xf32>,
        tpu.vector_store %arg9[%swap3A_40, %swap3A_41], %broadcast_in_dim3A_8 {strides = array<i32>} : memref<512x128xf32, #tpu.memory_space<vmem>>, vector<16xf32>,
      }
      %scan3A_12 = arith.constant 512 : i32
      %mul3A_13 = arith.constant 64 : i32
      %mul3A_14 = arith.muli %sub3A_7, %mul3A_13 : i32
      %add3A_15 = arith.constant 1920 : i32
      %add3A_16 = arith.addi %add3A_15, %mul3A_14 : i32
      %mul3A_17 = arith.constant 8 : i32
      %mul3A_18 = arith.muli %add3A_16, %mul3A_17 : i32
      %multiple_of3A = tpu.assume_multiple %mul3A_18, 8 : i32
      "tpu.region"() ({
        %run_scoped3A = tpu.sem_alloc : memref<!tpu.dma_semaphore, #tpu.memory_space<semaphore_mem>>
        %dma_start3A = arith.constant 0 : i32
        %dma_start3A_19 = tpu.memref_slice %arg5[%multiple_of3A, %dma_start3A] : memref<16384x128xf32, #tpu.memory_space<hbm>> -> memref<512x128xf32, #tpu.memory_space<hbm>>
        %dma_start3A_20 = arith.constant 0 : i32
        %dma_start3A_21 = tpu.memref_slice %arg5[%multiple_of3A, %dma_start3A_20] : memref<16384x128xf32, #tpu.memory_space<hbm>> -> memref<512x128xf32, #tpu.memory_space<hbm>>
        tpu.enqueue_dma source(%arg9 : memref<512x128xf32, #tpu.memory_space<vmem>>) target(%dma_start3A_21 : memref<512x128xf32, #tpu.memory_space<hbm>>) target_semaphore(%run_scoped3A : memref<!tpu.dma_semaphore, #tpu.memory_space<semaphore_mem>>)
        %dma_wait3A = arith.constant 0 : i32
        %dma_wait3A_22 = tpu.memref_slice %arg5[%multiple_of3A, %dma_wait3A] : memref<16384x128xf32, #tpu.memory_space<hbm>> -> memref<512x128xf32, #tpu.memory_space<hbm>>
        %dma_wait3A_23 = arith.constant 0 : i32
        %dma_wait3A_24 = tpu.memref_slice %arg5[%multiple_of3A, %dma_wait3A_23] : memref<16384x128xf32, #tpu.memory_space<hbm>> -> memref<512x128xf32, #tpu.memory_space<hbm>>
        tpu.wait_dma2 semaphore(%run_scoped3A : memref<!tpu.dma_semaphore, #tpu.memory_space<semaphore_mem>>) src(%arg9 : memref<512x128xf32, #tpu.memory_space<vmem>>) dst(%dma_wait3A_24 : memref<512x128xf32, #tpu.memory_space<hbm>>)
        tpu.yield
      }) : () -> ()
    } else {
    }
    return
  }
}

module attributes {stable_mosaic.version = 14 : i64} {
  func.func @body(%arg0: i32, %arg1: memref<512x8x128xf32, #tpu.memory_space<vmem>>, %arg2: memref<8x128x128xf32, #tpu.memory_space<vmem>>, %arg3: memref<512x128xf32, #tpu.memory_space<vmem>>) attributes {dimension_semantics = [#tpu.dimension_semantics<arbitrary>], iteration_bounds = array<i64: 8>, scalar_prefetch = 0 : i64, scratch_operands = 0 : i64, tpu.core_type = #tpu.core_type<tc>, window_params = [{transform_indices = @transform_0, window_bounds = array<i64: 512, 8, 128>}, {pipeline_mode = #tpu.pipeline_mode<synchronous>, transform_indices = @transform_1, window_bounds = array<i64: 8, 128, 128>}, {transform_indices = @transform_2, window_bounds = array<i64: 512, 128>}]} {
    %get3A = arith.constant 0 : index
    %get3A_0 = arith.constant 0 : index
    %get3A_1 = arith.constant 0 : index
    %get3A_2 = vector.load %arg1[%get3A, %get3A_0, %get3A_1] : memref<512x8x128xf32, #tpu.memory_space<vmem>>, vector<512x1x128xf32>
    %get3A_3 = vector.shape_cast %get3A_2 : vector<512x1x128xf32> to vector<512x128xf32>
    %get3A_4 = arith.constant 0 : index
    %get3A_5 = arith.constant 0 : index
    %get3A_6 = arith.constant 0 : index
    %get3A_7 = vector.load %arg2[%get3A_4, %get3A_5, %get3A_6] : memref<8x128x128xf32, #tpu.memory_space<vmem>>, vector<1x128x128xf32>
    %get3A_8 = vector.shape_cast %get3A_7 : vector<1x128x128xf32> to vector<128x128xf32>
    %dot_general3A = arith.constant dense<0.000000e+00> : vector<512x128xf32>
    %dot_general3A_9 = tpu.matmul %get3A_3, %get3A_8, %dot_general3A {dimension_numbers = #tpu.dot_dimension_numbers<[1], [0], [0], [1], [0, 0, 1, 1], [], []>, transpose_lhs_hint = false} : vector<512x128xf32>, vector<128x128xf32>, vector<512x128xf32> -> vector<512x128xf32>
    %get3A_10 = arith.constant 0 : index
    %get3A_11 = arith.constant 1 : index
    %get3A_12 = arith.constant 0 : index
    %get3A_13 = vector.load %arg1[%get3A_10, %get3A_11, %get3A_12] : memref<512x8x128xf32, #tpu.memory_space<vmem>>, vector<512x1x128xf32>
    %get3A_14 = vector.shape_cast %get3A_13 : vector<512x1x128xf32> to vector<512x128xf32>
    %get3A_15 = arith.constant 1 : index
    %get3A_16 = arith.constant 0 : index
    %get3A_17 = arith.constant 0 : index
    %get3A_18 = vector.load %arg2[%get3A_15, %get3A_16, %get3A_17] : memref<8x128x128xf32, #tpu.memory_space<vmem>>, vector<1x128x128xf32>
    %get3A_19 = vector.shape_cast %get3A_18 : vector<1x128x128xf32> to vector<128x128xf32>
    %dot_general3A_20 = arith.constant dense<0.000000e+00> : vector<512x128xf32>
    %dot_general3A_21 = tpu.matmul %get3A_14, %get3A_19, %dot_general3A_20 {dimension_numbers = #tpu.dot_dimension_numbers<[1], [0], [0], [1], [0, 0, 1, 1], [], []>, transpose_lhs_hint = false} : vector<512x128xf32>, vector<128x128xf32>, vector<512x128xf32> -> vector<512x128xf32>
    %add3A = arith.addf %dot_general3A_9, %dot_general3A_21 : vector<512x128xf32>
    %get3A_22 = arith.constant 0 : index
    %get3A_23 = arith.constant 2 : index
    %get3A_24 = arith.constant 0 : index
    %get3A_25 = vector.load %arg1[%get3A_22, %get3A_23, %get3A_24] : memref<512x8x128xf32, #tpu.memory_space<vmem>>, vector<512x1x128xf32>
    %get3A_26 = vector.shape_cast %get3A_25 : vector<512x1x128xf32> to vector<512x128xf32>
    %get3A_27 = arith.constant 2 : index
    %get3A_28 = arith.constant 0 : index
    %get3A_29 = arith.constant 0 : index
    %get3A_30 = vector.load %arg2[%get3A_27, %get3A_28, %get3A_29] : memref<8x128x128xf32, #tpu.memory_space<vmem>>, vector<1x128x128xf32>
    %get3A_31 = vector.shape_cast %get3A_30 : vector<1x128x128xf32> to vector<128x128xf32>
    %dot_general3A_32 = arith.constant dense<0.000000e+00> : vector<512x128xf32>
    %dot_general3A_33 = tpu.matmul %get3A_26, %get3A_31, %dot_general3A_32 {dimension_numbers = #tpu.dot_dimension_numbers<[1], [0], [0], [1], [0, 0, 1, 1], [], []>, transpose_lhs_hint = false} : vector<512x128xf32>, vector<128x128xf32>, vector<512x128xf32> -> vector<512x128xf32>
    %add3A_34 = arith.addf %add3A, %dot_general3A_33 : vector<512x128xf32>
    %get3A_35 = arith.constant 0 : index
    %get3A_36 = arith.constant 3 : index
    %get3A_37 = arith.constant 0 : index
    %get3A_38 = vector.load %arg1[%get3A_35, %get3A_36, %get3A_37] : memref<512x8x128xf32, #tpu.memory_space<vmem>>, vector<512x1x128xf32>
    %get3A_39 = vector.shape_cast %get3A_38 : vector<512x1x128xf32> to vector<512x128xf32>
    %get3A_40 = arith.constant 3 : index
    %get3A_41 = arith.constant 0 : index
    %get3A_42 = arith.constant 0 : index
    %get3A_43 = vector.load %arg2[%get3A_40, %get3A_41, %get3A_42] : memref<8x128x128xf32, #tpu.memory_space<vmem>>, vector<1x128x128xf32>
    %get3A_44 = vector.shape_cast %get3A_43 : vector<1x128x128xf32> to vector<128x128xf32>
    %dot_general3A_45 = arith.constant dense<0.000000e+00> : vector<512x128xf32>
    %dot_general3A_46 = tpu.matmul %get3A_39, %get3A_44, %dot_general3A_45 {dimension_numbers = #tpu.dot_dimension_numbers<[1], [0], [0], [1], [0, 0, 1, 1], [], []>, transpose_lhs_hint = false} : vector<512x128xf32>, vector<128x128xf32>, vector<512x128xf32> -> vector<512x128xf32>
    %add3A_47 = arith.addf %add3A_34, %dot_general3A_46 : vector<512x128xf32>
    %get3A_48 = arith.constant 0 : index
    %get3A_49 = arith.constant 4 : index
    %get3A_50 = arith.constant 0 : index
    %get3A_51 = vector.load %arg1[%get3A_48, %get3A_49, %get3A_50] : memref<512x8x128xf32, #tpu.memory_space<vmem>>, vector<512x1x128xf32>
    %get3A_52 = vector.shape_cast %get3A_51 : vector<512x1x128xf32> to vector<512x128xf32>
    %get3A_53 = arith.constant 4 : index
    %get3A_54 = arith.constant 0 : index
    %get3A_55 = arith.constant 0 : index
    %get3A_56 = vector.load %arg2[%get3A_53, %get3A_54, %get3A_55] : memref<8x128x128xf32, #tpu.memory_space<vmem>>, vector<1x128x128xf32>
    %get3A_57 = vector.shape_cast %get3A_56 : vector<1x128x128xf32> to vector<128x128xf32>
    %dot_general3A_58 = arith.constant dense<0.000000e+00> : vector<512x128xf32>
    %dot_general3A_59 = tpu.matmul %get3A_52, %get3A_57, %dot_general3A_58 {dimension_numbers = #tpu.dot_dimension_numbers<[1], [0], [0], [1], [0, 0, 1, 1], [], []>, transpose_lhs_hint = false} : vector<512x128xf32>, vector<128x128xf32>, vector<512x128xf32> -> vector<512x128xf32>
    %add3A_60 = arith.addf %add3A_47, %dot_general3A_59 : vector<512x128xf32>
    %get3A_61 = arith.constant 0 : index
    %get3A_62 = arith.constant 5 : index
    %get3A_63 = arith.constant 0 : index
    %get3A_64 = vector.load %arg1[%get3A_61, %get3A_62, %get3A_63] : memref<512x8x128xf32, #tpu.memory_space<vmem>>, vector<512x1x128xf32>
    %get3A_65 = vector.shape_cast %get3A_64 : vector<512x1x128xf32> to vector<512x128xf32>
    %get3A_66 = arith.constant 5 : index
    %get3A_67 = arith.constant 0 : index
    %get3A_68 = arith.constant 0 : index
    %get3A_69 = vector.load %arg2[%get3A_66, %get3A_67, %get3A_68] : memref<8x128x128xf32, #tpu.memory_space<vmem>>, vector<1x128x128xf32>
    %get3A_70 = vector.shape_cast %get3A_69 : vector<1x128x128xf32> to vector<128x128xf32>
    %dot_general3A_71 = arith.constant dense<0.000000e+00> : vector<512x128xf32>
    %dot_general3A_72 = tpu.matmul %get3A_65, %get3A_70, %dot_general3A_71 {dimension_numbers = #tpu.dot_dimension_numbers<[1], [0], [0], [1], [0, 0, 1, 1], [], []>, transpose_lhs_hint = false} : vector<512x128xf32>, vector<128x128xf32>, vector<512x128xf32> -> vector<512x128xf32>
    %add3A_73 = arith.addf %add3A_60, %dot_general3A_72 : vector<512x128xf32>
    %get3A_74 = arith.constant 0 : index
    %get3A_75 = arith.constant 6 : index
    %get3A_76 = arith.constant 0 : index
    %get3A_77 = vector.load %arg1[%get3A_74, %get3A_75, %get3A_76] : memref<512x8x128xf32, #tpu.memory_space<vmem>>, vector<512x1x128xf32>
    %get3A_78 = vector.shape_cast %get3A_77 : vector<512x1x128xf32> to vector<512x128xf32>
    %get3A_79 = arith.constant 6 : index
    %get3A_80 = arith.constant 0 : index
    %get3A_81 = arith.constant 0 : index
    %get3A_82 = vector.load %arg2[%get3A_79, %get3A_80, %get3A_81] : memref<8x128x128xf32, #tpu.memory_space<vmem>>, vector<1x128x128xf32>
    %get3A_83 = vector.shape_cast %get3A_82 : vector<1x128x128xf32> to vector<128x128xf32>
    %dot_general3A_84 = arith.constant dense<0.000000e+00> : vector<512x128xf32>
    %dot_general3A_85 = tpu.matmul %get3A_78, %get3A_83, %dot_general3A_84 {dimension_numbers = #tpu.dot_dimension_numbers<[1], [0], [0], [1], [0, 0, 1, 1], [], []>, transpose_lhs_hint = false} : vector<512x128xf32>, vector<128x128xf32>, vector<512x128xf32> -> vector<512x128xf32>
    %add3A_86 = arith.addf %add3A_73, %dot_general3A_85 : vector<512x128xf32>
    %get3A_87 = arith.constant 0 : index
    %get3A_88 = arith.constant 7 : index
    %get3A_89 = arith.constant 0 : index
    %get3A_90 = vector.load %arg1[%get3A_87, %get3A_88, %get3A_89] : memref<512x8x128xf32, #tpu.memory_space<vmem>>, vector<512x1x128xf32>
    %get3A_91 = vector.shape_cast %get3A_90 : vector<512x1x128xf32> to vector<512x128xf32>
    %get3A_92 = arith.constant 7 : index
    %get3A_93 = arith.constant 0 : index
    %get3A_94 = arith.constant 0 : index
    %get3A_95 = vector.load %arg2[%get3A_92, %get3A_93, %get3A_94] : memref<8x128x128xf32, #tpu.memory_space<vmem>>, vector<1x128x128xf32>
    %get3A_96 = vector.shape_cast %get3A_95 : vector<1x128x128xf32> to vector<128x128xf32>
    %dot_general3A_97 = arith.constant dense<0.000000e+00> : vector<512x128xf32>
    %dot_general3A_98 = tpu.matmul %get3A_91, %get3A_96, %dot_general3A_97 {dimension_numbers = #tpu.dot_dimension_numbers<[1], [0], [0], [1], [0, 0, 1, 1], [], []>, transpose_lhs_hint = false} : vector<512x128xf32>, vector<128x128xf32>, vector<512x128xf32> -> vector<512x128xf32>
    %add3A_99 = arith.addf %add3A_86, %dot_general3A_98 : vector<512x128xf32>
    %swap3A = arith.constant 0 : index
    %swap3A_100 = arith.constant 0 : index
    %swap3A_101 = vector.load %arg3[%swap3A, %swap3A_100] : memref<512x128xf32, #tpu.memory_space<vmem>>, vector<512x128xf32>
    tpu.vector_store %arg3[%swap3A, %swap3A_100], %add3A_99 {strides = array<i32>} : memref<512x128xf32, #tpu.memory_space<vmem>>, vector<512x128xf32>,
    return
  }
  func.func @transform_0(%arg0: i32) -> (i32, i32, i32) {
    %c0_i32 = arith.constant 0 : i32
    %c0_i32_0 = arith.constant 0 : i32
    %c0_i32_1 = arith.constant 0 : i32
    return %arg0, %c0_i32, %c0_i32_0 : i32, i32, i32
  }
  func.func @transform_1(%arg0: i32) -> (i32, i32, i32) {
    %c0_i32 = arith.constant 0 : i32
    %c0_i32_0 = arith.constant 0 : i32
    %c0_i32_1 = arith.constant 0 : i32
    %c0_i32_2 = arith.constant 0 : i32
    return %c0_i32, %c0_i32_0, %c0_i32_1 : i32, i32, i32
  }
  func.func @transform_2(%arg0: i32) -> (i32, i32) {
    %c0_i32 = arith.constant 0 : i32
    %c0_i32_0 = arith.constant 0 : i32
    return %arg0, %c0_i32 : i32, i32
  }
}

</mosaic_0001>

<sc_bundles>
// kernel: kernel.4.cloned.1.call-start
scs
__scs_entry_jumppad:
0x0: {  	(pc) =	sbr.rel $0x88, $3  }
0x1: {  	(tag) =	ssettag $0x0;
	lr =	simm.s32 $0x1  }
0x2: {  	[smem:$0x3F9D] =	sst lr;
	_ =	strace $0xD0000000  }
0x3: {  	_ = 	snop  }
0x4: {  	_ = 	snop  }
0x5: {  	_ = 	snop  }
0x6: {  	_ = 	snop  }
0x7: {  	_ = 	snop  }
__scs_overlays_trampoline_lowered:
0x8: {  	[smem:$0x3FAC] =	sst s0  }
0x9: {  	[smem:$0x3FAD] =	sst s1  }
0xa: {  	[smem:$0x3FAE] =	sst s2  }
0xb: {  	[smem:$0x3FAF] =	sst s3  }
0xc: {  	[smem:$0x3FB0] =	sst s4  }
0xd: {  	[smem:$0x3FB1] =	sst s5  }
0xe: {  	[smem:$0x3FB2] =	sst s6  }
0xf: {  	[smem:$0x3FB3] =	sst s7  }
0x10: {  	[smem:$0x3FB4] =	sst s8  }
0x11: {  	[smem:$0x3FB5] =	sst s9;
	s0 =	simm.s32 @!p0 $0x0  }
0x12: {  	s1 =	sld [smem:$0x3F9B];
	s0 =	simm.s32 @p0 $0x1  }
0x13: {  	[smem:$0x3FB6] =	sst s0;
	s0 =	simm.s32 @!p1 $0x0  }
0x14: {  	s2 =	sld [smem:$0x3F9A];
	s0 =	simm.s32 @p1 $0x1  }
0x15: {  	[smem:$0x3FB7] =	sst s0;
	s0 =	simm.s32 @!p2 $0x0  }
0x16: {  	s3 =	sld [smem:$0x3FDB];
	s0 =	simm.s32 @p2 $0x1  }
0x17: {  	s4 =	simm.s32 $0x1BF5;
	[smem:$0x3FB9] =	sst s0  }
0x18: {  	s0 =	sld [smem:$0x3F9C];
	_ =	swait.ge [sflag:s4], $0x0  }
0x19: {  	s7 =	sld [smem:$0x3F9D]  }
0x1a: {  	s8 =	sadd.s32 $0xFFFFE003, lr  }
0x1b: {  	s9 =	sadd.s32 $0xFFFFFEF7, lr;
	s5 =	simm.s32 $0xFFFFFFFF;
	p2 =	slt.u32 s8, $0xFFFFF086  }
0x1c: {  	p1 =	slt.u32 s9, $0xF7A;
	s5 =	simm.s32 @!p2 $0x0  }
0x1d: {  	s5 =	simm.s32 @p1 $0x1;
	p0 =	seq.s32 s7, s2  }
0x1e: {  	s7 =	smul.u32 @!p0 $0xF7A, s2;
	p2 =	seq.s32 @!p0 s5, $0x0  }
0x1f: {  	s9 =	smul.u32 $0xF7A, s1;
	s8 =	simm.s32 @!p0 $0x1BF5;
	p2 =	por !p2, p0  }
0x20: {  	[sflag:s8] =	ssyncset.s32 @!p0 $0xFFFFF086;
	s6 =	sadd.s32 @!p0 s3, s7;
	s7 =	simm.s32 @!p0 $0x108  }
0x21: {  	s3 =	sadd.s32 s3, s9;
	s6 =	sadd.s32 @!p0 $0x88, s6;
	s7 =	simm.s32 @p2 $0x1082  }
0x22: {  	[simem:s7], [sflag:s8] =	dma.local @!p0 [hbm:s6], $0xF7A  }
0x23: {  	s9 =	sor.u32 $0xD0000000, s2;
	s6 =	simm.s32 $0x108;
	_ =	swait.ge @!p0 [sflag:s8], $0x0  }
0x24: {  	s3 =	sadd.s32 $0x88, s3;
	s6 =	simm.s32 @!p1 $0x1082;
	[sflag:s4] =	ssyncset.s32 $0xFFFFF086  }
0x25: {  	[simem:s6], [sflag:s4] =	dma.local [hbm:s3], $0xF7A  }
0x26: {  	[smem:$0x3F9D] =	sst s1;
	(tag) =	ssettag s2;
	_ =	strace s9  }
0x27: {  	s1 =	sld [smem:$0x3FAD]  }
0x28: {  	s2 =	sld [smem:$0x3FAE]  }
0x29: {  	s4 =	sld [smem:$0x3FB0]  }
0x2a: {  	p0 =	seq.s32 s5, $0x0;
	s5 =	sld [smem:$0x3FB1]  }
0x2b: {  	s6 =	sld [smem:$0x3FB2]  }
0x2c: {  	s7 =	sld [smem:$0x3FB3]  }
0x2d: {  	s3 =	simm.s32 $0x108;
	s8 =	sld [smem:$0x3FB4]  }
0x2e: {  	s3 =	simm.s32 @!p0 $0x1082;
	s9 =	sld [smem:$0x3FB5]  }
0x2f: {  	lr =	sadd.s32 s0, s3;
	s0 =	sld [smem:$0x3FAC]  }
0x30: {  	s3 =	sld [smem:$0x3FAF]  }
0x31: {  	[smem:$0x3FB8] =	sst s10  }
0x32: {  	s10 =	sld [smem:$0x3FB6];
	_ =	sdelay $0x3  }
0x33: {  	p0 =	seq.s32 s10, $0x1;
	s10 =	sld [smem:$0x3FB8];
	_ =	sdelay $0x3  }
0x34: {  	[smem:$0x3FB8] =	sst s10  }
0x35: {  	s10 =	sld [smem:$0x3FB7];
	_ =	sdelay $0x3  }
0x36: {  	p1 =	seq.s32 s10, $0x1;
	s10 =	sld [smem:$0x3FB8];
	_ =	sdelay $0x3  }
0x37: {  	[smem:$0x3FB8] =	sst s10  }
0x38: {  	s10 =	sld [smem:$0x3FB9]  }
0x39: {  	_ = 	snop;
	(pc) =	sbr.ind lr, $3  }
0x3a: {  	_ = 	snop  }
0x3b: {  	_ = 	snop  }
0x3c: {  	p2 =	seq.s32 s10, $0x1;
	s10 =	sld [smem:$0x3FB8]  }
0x3d: {  	_ =	shalt  }
0x3e: {  	_ =	shalt  }
0x3f: {  	_ =	shalt  }
0x40: {  	_ =	shalt  }
0x41: {  	_ =	shalt  }
0x42: {  	_ =	shalt  }
0x43: {  	_ =	shalt  }
0x44: {  	_ =	shalt  }
0x45: {  	_ =	shalt  }
0x46: {  	_ =	shalt  }
0x47: {  	_ =	shalt  }
0x48: {  	_ =	shalt  }
0x49: {  	_ =	shalt  }
0x4a: {  	_ =	shalt  }
0x4b: {  	_ =	shalt  }
0x4c: {  	_ =	shalt  }
0x4d: {  	_ =	shalt  }
0x4e: {  	_ =	shalt  }
0x4f: {  	_ =	shalt  }
0x50: {  	_ =	shalt  }
0x51: {  	_ =	shalt  }
0x52: {  	_ =	shalt  }
0x53: {  	_ =	shalt  }
0x54: {  	_ =	shalt  }
0x55: {  	_ =	shalt  }
0x56: {  	_ =	shalt  }
0x57: {  	_ =	shalt  }
0x58: {  	_ =	shalt  }
0x59: {  	_ =	shalt  }
0x5a: {  	_ =	shalt  }
0x5b: {  	_ =	shalt  }
0x5c: {  	_ =	shalt  }
0x5d: {  	_ =	shalt  }
0x5e: {  	_ =	shalt  }
0x5f: {  	_ =	shalt  }
0x60: {  	_ =	shalt  }
0x61: {  	_ =	shalt  }
0x62: {  	_ =	shalt  }
0x63: {  	_ =	shalt  }
0x64: {  	_ =	shalt  }
0x65: {  	_ =	shalt  }
0x66: {  	_ =	shalt  }
0x67: {  	_ =	shalt  }
0x68: {  	_ =	shalt  }
0x69: {  	_ =	shalt  }
0x6a: {  	_ =	shalt  }
0x6b: {  	_ =	shalt  }
0x6c: {  	_ =	shalt  }
0x6d: {  	_ =	shalt  }
0x6e: {  	_ =	shalt  }
0x6f: {  	_ =	shalt  }
0x70: {  	_ =	shalt  }
0x71: {  	_ =	shalt  }
0x72: {  	_ =	shalt  }
0x73: {  	_ =	shalt  }
0x74: {  	_ =	shalt  }
0x75: {  	_ =	shalt  }
0x76: {  	_ =	shalt  }
0x77: {  	_ =	shalt  }
0x78: {  	_ =	shalt  }
0x79: {  	_ =	shalt  }
0x7a: {  	_ =	shalt  }
0x7b: {  	_ =	shalt  }
0x7c: {  	_ =	shalt  }
0x7d: {  	_ =	shalt  }
0x7e: {  	_ =	shalt  }
0x7f: {  	_ =	shalt  }
0x80: {  	_ =	shalt  }
0x81: {  	_ =	shalt  }
0x82: {  	_ =	shalt  }
0x83: {  	_ =	shalt  }
0x84: {  	_ =	shalt  }
0x85: {  	_ =	shalt  }
0x86: {  	_ =	shalt  }
0x87: {  	_ =	shalt  }
.Lfunc_end0:
.L_simem_size_0:
called_computation_lowered:
.L_overlay_start_0:
0x88: {  	s2 =	sld [smem:$0x3FD9]  }
0x89: {  	s3 =	sld [smem:$0x3FFE];
	_ =	sdelay $0x1  }
0x8a: {  	s1 =	srdreg.scid  }
0x8b: {  	s0 =	sand.u32 $0x1, s1  }
0x8c: {  	s17 =	sshll.u32 s0, $0xA;
	s2 =	sadd.s32 s3, s2  }
0x8d: {  	s2 =	sadd.s32 s2, s17  }
0x8e: {  	[smem:$0x3FC4] =	sst s2  }
0x8f: {  	_ = 	snop  }
0x90: {  	s2 =	sld [smem:$0x3FC8]  }
0x91: {  	s18 =	sld [smem:$0x3FC7]  }
0x92: {  	s4 =	sld [smem:$0x3FD0];
	(tm) =	ssettm $0x1  }
0x93: {  	s5 =	sld [smem:$0x3FFB];
	_ =	sdelay $0x3  }
0x94: {  	_ =	strace s5  }
0x95: {  	s5 =	sld [smem:$0x3FFC];
	_ =	sdelay $0x3  }
0x96: {  	_ =	strace s5  }
0x97: {  	s5 =	sld [smem:$0x3FFD];
	_ =	sdelay $0x3  }
0x98: {  	_ =	strace s5  }
0x99: {  	_ =	strace $0x8FFFFFFF  }
0x9a: {  	s19 =	sld [smem:$0x3FDB];
	_ =	sdelay $0x1  }
0x9b: {  	s6 =	simm.s32 $_scs_section_size  }
0x9c: {  	s7 =	simm.s32 $_size__tile_overlayer_lowered;
	s8 =	simm.s32 $_tile_overlayer_lowered  }
0x9d: {  	s22 =	simm.s32 $0x1BFF;
	s21 =	sshll.u32 s8, $0x1;
	s5 =	sadd.s32 s6, s19  }
0x9e: {  	s9 =	simm.s32 $0x0;
	s20 =	sshll.u32 s7, $0x1;
	s7 =	sadd.s32 s21, s5  }
0x9f: {  	[timem:s9], [sflag:s22] =	dma.local [hbm:s7], s20  }
0xa0: {  	_ =	swait.ge [sflag:s22], s20  }
0xa1: {  	s6 =	ssub.s32 $0x0, s20;
	[sflag:s22] =	ssyncset.done $0x0  }
0xa2: {  	[sflag:s22] =	ssyncadd.s32 s6;
	_ =	sdelay $0x1  }
0xa3: {  	s23 =	simm.s32 $0x1B8B  }
0xa4: {  	_ =	swait.ge [sflag:s23], $0x1  }
0xa5: {  	[sflag:s23] =	ssyncset.done $0x0  }
0xa6: {  	s25 =	simm.s32 $0x1B8E;
	s24 =	sld [smem:$0x3FFE];
	[sflag:s23] =	ssyncadd.s32 $0xFFFFFFFF  }
0xa7: {  	s26 =	simm.s32 $execute0_lowered;
	[smem:$0x3FD2] =	sst s25  }
0xa8: {  	s7 =	sshll.u32 s26, $0x1;
	_ =	strace $0x80000046;
	[dreg:$0x1] =	wrdreg $0xFFFFFFFF  }
0xa9: {  	s28 =	simm.s32 $_size_execute0_lowered;
	s5 =	sadd.s32 s5, s7;
	[dreg:$0x0] =	wrdreg $0x0  }
0xaa: {  	s7 =	sshll.u32 s28, $0x1;
	[dreg:$0x2] =	wrdreg s5  }
0xab: {  	[dreg:$0x3] =	wrdreg s7  }
0xac: {  	[dreg:$0x4] =	wrdreg $0xC0  }
0xad: {  	_ =	task [dreg:s9], $0x5FFFF  }
0xae: {  	[dreg:$0x1] =	wrdreg $0xFFFFFFFF  }
0xaf: {  	[dreg:$0x0] =	wrdreg $0x60  }
0xb0: {  	[dreg:$0x2] =	wrdreg s24  }
0xb1: {  	[dreg:$0x3] =	wrdreg s18  }
0xb2: {  	[dreg:$0x4] =	wrdreg s2  }
0xb3: {  	[dreg:$0x5] =	wrdreg s4  }
0xb4: {  	[dreg:$0x6] =	wrdreg $0x9  }
0xb5: {  	_ =	task.clear_ibuf [dreg:s9], $0x7FFFF;
	_ =	strace $0x90000046  }
0xb6: {  	s29 =	simm.s32 $0x9;
	_ =	strace $0x80000048  }
0xb7: {  	_ =	swait.ge [sflag:s29], $0x1  }
0xb8: {  	[sflag:s29] =	ssyncadd.s32 $0xFFFFFFFF  }
0xb9: {  	_ =	strace $0x90000048  }
0xba: {  	_ =	sfence  }
0xbb: {  	s30 =	sld [smem:$0x0];
	_ =	sdelay $0x2  }
0xbc: {  	s31 =	sshll.u32 s1, $0xD;
	s1 =	sshrl.u32 s1, $0x2  }
0xbd: {  	s3 =	sand.u32 $0x4000, s31;
	s1 =	sadd.s32 s1, s30  }
0xbe: {  	s0 =	sor.u32 s3, s0;
	s1 =	sshll.u32 s1, $0x11  }
0xbf: {  	s0 =	sor.u32 s1, s0  }
0xc0: {  	s0 =	sadd.s32 $0x8F2B, s0  }
0xc1: {  	[sflag:s0] =	ssyncadd.remote.s32 $0x1  }
0xc2: {  	_ =	sfence.sel $0xFFFF  }
0xc3: {  	[dreg:$0x0] =	wrdreg $0xFFFFFFFF;
	(pc) =	sbr.abs _section_cstart, $3  }
0xc4: {  	[dreg:$0x1] =	wrdreg $0xFFFFFFFF  }
0xc5: {  	_ =	task.clear_ibuf [dreg:s9], $0x2FFFF;
	_ =	strace $0x9FFFFFFF  }
0xc6: {  	(tm) =	ssettm $0x7FFFFFFF  }
0xc7: {  	_ =	shalt  }
tec
execute0_lowered:
.L_overlay_start_1:
0x0: {  	(tag) =	ssettag $0x1  }
0x1: {  	s5 =	rddreg [dreg:$0x0]  }
0x2: {  	s7 =	rddreg [dreg:$0x1]  }
0x3: {  	s1 =	srdreg.scid;
	s8 =	rddreg [dreg:$0x2]  }
0x4: {  	s0 =	stileid.u32;
	s9 =	rddreg [dreg:$0x3];
	s3 =	simm.s32 $0x1  }
0x5: {  	s2 =	simm.s32 $0x0;
	s4 =	sand.u32 $0x1, s1;
	s22 =	sshll.u32 s0, $0x1  }
0x6: {  	s15 =	simm.s32 $0x3;
	s16 =	simm.s32 $0x0;
	s6 =	sor.u32 s4, s22  }
0x7: {  	[smem:$0x7FF] =	sst s2;
	p1 =	seq.s32 s4, $0x1;
	p0 =	seq.s32 s6, $0x0  }
0x8: {  	s1 =	rddreg [dreg:$0x4];
	_ =	strace $0x80000047;
	p0 =	por !p0, !p1  }
0x9: {  	s12 =	ssub.s32 $0x2, s4;
	s24 =	sshll.u32 s4, $0xE;
	p0 =	por !p0, !p0  }
0xa: {  	s25 =	sshll.u32 s4, $0xD;
	s23 =	sshrl.u32 s12, $0x1;
	s3 =	simm.s32 @!p0 $0x0  }
0xb: {  	s30 =	sadd.s32 s9, s25;
	s31 =	sshll.u32 s6, $0xD;
	s10 =	ssub.s32 s0, s3  }
0xc: {  	p0 =	seq.s32 s0, $0xF;
	s3 =	simm.s32 $0x1;
	s11 =	sshll.u32 s10, $0xC  }
0xd: {  	s13 =	sadd.s32 $0x1, s10;
	s10 =	sshll.u32 s10, $0xE;
	s11 =	sand.u32 $0x1FFFF000, s11  }
0xe: {  	s14 =	sshll.u32 s13, $0xF;
	s13 =	sshll.u32 s13, $0xE;
	s10 =	sand.u32 $0x1FFFC000, s10  }
0xf: {  	s5 =	sadd.s32 s11, s5;
	s11 =	ssub.s32 s12, s23;
	s12 =	sor.u32 s24, s14  }
.Ltmp0:
0x10: {  	s28 =	sor.u32 s25, s13;
	s13 =	simm.s32 $0xC000;
	(pc) =	sbr.rel .LBB2_1-.Ltmp0, $4  }
0x11: {  	s14 =	simm.s32 $0x2;
	s4 =	sadd.s32 $0x800, s5;
	s26 =	sshrl.u32 s12, $0x3  }
0x12: {  	s29 =	sshrl.u32 s28, $0x3;
	s12 =	simm.s32 $0x8000;
	s5 =	sadd.s32 s7, s26  }
0x13: {  	s6 =	sadd.s32 s8, s29;
	s7 =	sadd.s32 s10, s30;
	s8 =	sadd.s32 s9, s31  }
0x14: {  	v0 =	vimm.f32 $-1.000000000e+03;
	v1 =	vimm.f32 $1.000000000e+00;
	s9 =	smax.u32 s11, $0x1;
	s10 =	simm.s32 $0xE000;
	s11 =	simm.s32 $0x4  }
.LBB2_7:
0x15: {  	[tilespmem:s17+$0xE070] =	vst v0  }
0x16: {  	[tilespmem:s17+$0xE000] =	vst v0  }
0x17: {  	[tilespmem:s17+$0xE010] =	vst v0  }
0x18: {  	[tilespmem:s17+$0xE020] =	vst v0  }
0x19: {  	[tilespmem:s17+$0xE030] =	vst v0  }
0x1a: {  	[tilespmem:s17+$0xE040] =	vst v0  }
0x1b: {  	[tilespmem:s17+$0xE050] =	vst v0  }
0x1c: {  	[tilespmem:s17+$0xE060] =	vst v0;
	s17 =	smov.u32 s8  }
.LBB2_8:
0x1d: {  	s16 =	sadd.s32 $0x1, s16  }
0x1e: {  	p1 =	sne.s32 s16, s9  }
.Ltmp1:
0x1f: {  	_ = 	snop;
	(pc) =	sbr.rel @!p1 .LBB2_9-.Ltmp1, $4  }
0x20: {  	[hbm4b:s17+s2] =	stream.linear.scatter [tilespmem:s10], [sflag:$0x4], $0x10000, $0x38;
	[tilespmem:$0x1E000] =	vst v63  }
0x21: {  	_ =	swait.ge [sflag:s11], $0x10000  }
0x22: {  	[sflag:s11] =	ssyncset.done $0x0  }
0x23: {  	[sflag:s11] =	ssyncadd.s32 $0xFFFF0000  }
.LBB2_1:
.Ltmp2:
0x24: {  	(pc) =	sbr.rel @!p0 .LBB2_2-.Ltmp2, $1  }
0x25: {  	_ =	sdelay $0x3  }
0x26: {  	s17 =	sshra.s32 s2, $0x2;
	s18 =	sadd.s32 $0x200, s2  }
.LBB2_6:
0x27: {  	p1 =	sne.s32 s18, $0x3FE00;
	[tilespmem:s17+$0xE070] =	vst v0  }
0x28: {  	[tilespmem:s17+$0xE000] =	vst v0  }
0x29: {  	[tilespmem:s17+$0xE010] =	vst v0  }
.Ltmp3:
0x2a: {  	[tilespmem:s17+$0xE020] =	vst v0;
	(pc) =	sbr.rel @p1 .LBB2_6-.Ltmp3, $4  }
0x2b: {  	[tilespmem:s17+$0xE030] =	vst v0  }
0x2c: {  	[tilespmem:s17+$0xE040] =	vst v0  }
0x2d: {  	[tilespmem:s17+$0xE050] =	vst v0  }
0x2e: {  	[tilespmem:s17+$0xE060] =	vst v0;
	s17 =	sshra.s32 s18, $0x2;
	s18 =	sadd.s32 $0x200, s18  }
.Ltmp4:
0x2f: {  	_ = 	snop;
	(pc) =	sbr.rel .LBB2_7-.Ltmp4, $1  }
0x30: {  	_ =	sdelay $0x3  }
.LBB2_2:
0x31: {  	s17 =	simm.s32 $0x0  }
0x32: {  	[tilespmem:s17], [sflag:$0x1] =	stream.linear.gather [hbm4b:s4+s17], $0x8000, $0x38;
	[tilespmem:$0x1E000] =	vst v63  }
0x33: {  	_ = 	snop  }
0x34: {  	[tilespmem:s12], [sflag:$0x2] =	stream.linear.gather [hbm4b:s5+s17], $0x4000, $0x38;
	[tilespmem:$0x1E000] =	vst v63  }
0x35: {  	_ = 	snop  }
0x36: {  	[tilespmem:s13], [sflag:$0x3] =	stream.linear.gather [hbm4b:s6+s17], $0x2000, $0x38;
	[tilespmem:$0x1E000] =	vst v63  }
0x37: {  	_ =	swait.ge [sflag:s3], $0x8000  }
0x38: {  	[sflag:s3] =	ssyncset.done $0x0  }
0x39: {  	[sflag:s3] =	ssyncadd.s32 $0xFFFF8000  }
0x3a: {  	_ =	swait.ge [sflag:s14], $0x4000  }
0x3b: {  	[sflag:s14] =	ssyncset.done $0x0  }
0x3c: {  	[sflag:s14] =	ssyncadd.s32 $0xFFFFC000  }
0x3d: {  	_ =	swait.ge [sflag:s15], $0x2000  }
0x3e: {  	[sflag:s15] =	ssyncset.done $0x0  }
0x3f: {  	[sflag:s15] =	ssyncadd.s32 $0xFFFFE000  }
.LBB2_3:
0x40: {  	s18 =	sshll.u32 s17, $0xA  }
0x41: {  	s23 =	sshra.s32 s18, $0x2  }
0x42: {  	v2 =	vld [tilespmem:s23+$0x8000]  }
0x43: {  	v3 =	vld [tilespmem:s23+$0x8080];
	_ =	sdelay $0x4  }
0x44: {  	v2 =	vshll.u32 v2, $0x4;
	v3 =	vshll.u32 v3, $0x4  }
0x45: {  	v4 =	vor.u32 $0x8, v3  }
0x46: {  	s19 =	sshll.u32 s17, $0x7  }
0x47: {  	s22 =	sand.u32 $0x3FFFFF80, s19  }
0x48: {  	v5 =	vld [tilespmem:s22+$0xC000]  }
0x49: {  	v6 =	vld.idx.msk [tilespmem:v2+s2+$0x0], $0xffff  }
0x4a: {  	v4 =	vld.idx.msk [tilespmem:v4+s2+$0x0], $0xffff;
	_ =	sdelay $0x4  }
0x4b: {  	vm0 =	vgt.s32 v5, $0x1;
	v56 =	vor.u32 $0x1, v2;
	v4 =	vadd.f32 v4, v6  }
0x4c: {  	v57 =	vsel vm0, $0x3F000000, v1;
	v7 =	vor.u32 $0x9, v3  }
0x4d: {  	v4 =	vmul.f32 v4, v57  }
0x4e: {  	s21 =	sand.u32 $0x3FFFFC00, s18  }
0x4f: {  	[tilespmem:s21+$0xE000] =	vst v4  }
0x50: {  	v4 =	vld.idx.msk [tilespmem:v56+s2+$0x0], $0xffff  }
0x51: {  	v58 =	vld.idx.msk [tilespmem:v7+s2+$0x0], $0xffff;
	_ =	sdelay $0x4  }
0x52: {  	v59 =	vor.u32 $0x2, v2;
	v4 =	vadd.f32 v58, v4  }
0x53: {  	v60 =	vor.u32 $0xA, v3  }
0x54: {  	v4 =	vmul.f32 v4, v57;
	_ =	sdelay $0x1  }
0x55: {  	[tilespmem:s21+$0xE080] =	vst v4  }
0x56: {  	v4 =	vld.idx.msk [tilespmem:v59+s2+$0x0], $0xffff  }
0x57: {  	v61 =	vld.idx.msk [tilespmem:v60+s2+$0x0], $0xffff;
	_ =	sdelay $0x4  }
0x58: {  	v62 =	vor.u32 $0x3, v2;
	v4 =	vadd.f32 v61, v4  }
0x59: {  	v63 =	vor.u32 $0xB, v3  }
0x5a: {  	v4 =	vmul.f32 v4, v57;
	_ =	sdelay $0x1  }
0x5b: {  	[tilespmem:s21+$0xE100] =	vst v4  }
0x5c: {  	v4 =	vld.idx.msk [tilespmem:v62+s2+$0x0], $0xffff  }
0x5d: {  	v9 =	vld.idx.msk [tilespmem:v63+s2+$0x0], $0xffff;
	_ =	sdelay $0x4  }
0x5e: {  	v10 =	vor.u32 $0x4, v2;
	v4 =	vadd.f32 v9, v4  }
0x5f: {  	v11 =	vor.u32 $0xC, v3  }
0x60: {  	v4 =	vmul.f32 v4, v57;
	_ =	sdelay $0x1  }
0x61: {  	[tilespmem:s21+$0xE180] =	vst v4  }
0x62: {  	v4 =	vld.idx.msk [tilespmem:v10+s2+$0x0], $0xffff  }
0x63: {  	v12 =	vld.idx.msk [tilespmem:v11+s2+$0x0], $0xffff;
	_ =	sdelay $0x4  }
0x64: {  	v13 =	vor.u32 $0x5, v2;
	v4 =	vadd.f32 v12, v4  }
0x65: {  	v14 =	vor.u32 $0xD, v3  }
0x66: {  	v4 =	vmul.f32 v4, v57;
	_ =	sdelay $0x1  }
0x67: {  	[tilespmem:s21+$0xE200] =	vst v4  }
0x68: {  	v4 =	vld.idx.msk [tilespmem:v13+s2+$0x0], $0xffff  }
0x69: {  	v15 =	vld.idx.msk [tilespmem:v14+s2+$0x0], $0xffff;
	_ =	sdelay $0x4  }
0x6a: {  	v16 =	vor.u32 $0x6, v2;
	v4 =	vadd.f32 v15, v4  }
0x6b: {  	v17 =	vor.u32 $0xE, v3  }
0x6c: {  	v4 =	vmul.f32 v4, v57;
	_ =	sdelay $0x1  }
0x6d: {  	[tilespmem:s21+$0xE280] =	vst v4  }
0x6e: {  	v4 =	vld.idx.msk [tilespmem:v16+s2+$0x0], $0xffff  }
0x6f: {  	v18 =	vld.idx.msk [tilespmem:v17+s2+$0x0], $0xffff;
	_ =	sdelay $0x4  }
0x70: {  	v2 =	vor.u32 $0x7, v2;
	v4 =	vadd.f32 v18, v4  }
0x71: {  	v3 =	vor.u32 $0xF, v3  }
0x72: {  	v4 =	vmul.f32 v4, v57;
	_ =	sdelay $0x1  }
0x73: {  	[tilespmem:s21+$0xE300] =	vst v4  }
0x74: {  	v2 =	vld.idx.msk [tilespmem:v2+s2+$0x0], $0xffff  }
0x75: {  	v3 =	vld.idx.msk [tilespmem:v3+s2+$0x0], $0xffff;
	_ =	sdelay $0x4  }
0x76: {  	v2 =	vadd.f32 v3, v2;
	_ =	sdelay $0x1  }
0x77: {  	v2 =	vmul.f32 v2, v57;
	_ =	sdelay $0x1  }
0x78: {  	[tilespmem:s21+$0xE380] =	vst v2  }
0x79: {  	v2 =	vld [tilespmem:s23+$0x8010]  }
0x7a: {  	v3 =	vld [tilespmem:s23+$0x8090];
	_ =	sdelay $0x4  }
0x7b: {  	v2 =	vshll.u32 v2, $0x4;
	v3 =	vshll.u32 v3, $0x4  }
0x7c: {  	v19 =	vor.u32 $0x8, v3;
	_ =	sdelay $0x2  }
0x7d: {  	v20 =	vld [tilespmem:s22+$0xC010]  }
0x7e: {  	v21 =	vld.idx.msk [tilespmem:v2+s2+$0x0], $0xffff  }
0x7f: {  	v4 =	vld.idx.msk [tilespmem:v19+s2+$0x0], $0xffff;
	_ =	sdelay $0x4  }
0x80: {  	vm9 =	vgt.s32 v20, $0x1;
	v22 =	vor.u32 $0x1, v2;
	v4 =	vadd.f32 v4, v21  }
0x81: {  	v23 =	vsel vm9, $0x3F000000, v1;
	v24 =	vor.u32 $0x9, v3  }
0x82: {  	v4 =	vmul.f32 v4, v23;
	_ =	sdelay $0x1  }
0x83: {  	[tilespmem:s21+$0xE010] =	vst v4  }
0x84: {  	v4 =	vld.idx.msk [tilespmem:v22+s2+$0x0], $0xffff  }
0x85: {  	v25 =	vld.idx.msk [tilespmem:v24+s2+$0x0], $0xffff;
	_ =	sdelay $0x4  }
0x86: {  	v26 =	vor.u32 $0x2, v2;
	v4 =	vadd.f32 v25, v4  }
0x87: {  	v27 =	vor.u32 $0xA, v3  }
0x88: {  	v4 =	vmul.f32 v4, v23;
	_ =	sdelay $0x1  }
0x89: {  	[tilespmem:s21+$0xE090] =	vst v4  }
0x8a: {  	v4 =	vld.idx.msk [tilespmem:v26+s2+$0x0], $0xffff  }
0x8b: {  	v28 =	vld.idx.msk [tilespmem:v27+s2+$0x0], $0xffff;
	_ =	sdelay $0x4  }
0x8c: {  	v29 =	vor.u32 $0x3, v2;
	v4 =	vadd.f32 v28, v4  }
0x8d: {  	v30 =	vor.u32 $0xB, v3  }
0x8e: {  	v4 =	vmul.f32 v4, v23;
	_ =	sdelay $0x1  }
0x8f: {  	[tilespmem:s21+$0xE110] =	vst v4  }
0x90: {  	v4 =	vld.idx.msk [tilespmem:v29+s2+$0x0], $0xffff  }
0x91: {  	v31 =	vld.idx.msk [tilespmem:v30+s2+$0x0], $0xffff;
	_ =	sdelay $0x4  }
0x92: {  	v32 =	vor.u32 $0x4, v2;
	v4 =	vadd.f32 v31, v4  }
0x93: {  	v33 =	vor.u32 $0xC, v3  }
0x94: {  	v4 =	vmul.f32 v4, v23;
	_ =	sdelay $0x1  }
0x95: {  	[tilespmem:s21+$0xE190] =	vst v4  }
0x96: {  	v4 =	vld.idx.msk [tilespmem:v32+s2+$0x0], $0xffff  }
0x97: {  	v34 =	vld.idx.msk [tilespmem:v33+s2+$0x0], $0xffff;
	_ =	sdelay $0x4  }
0x98: {  	v35 =	vor.u32 $0x5, v2;
	v4 =	vadd.f32 v34, v4  }
0x99: {  	v36 =	vor.u32 $0xD, v3  }
0x9a: {  	v4 =	vmul.f32 v4, v23;
	_ =	sdelay $0x1  }
0x9b: {  	[tilespmem:s21+$0xE210] =	vst v4  }
0x9c: {  	v4 =	vld.idx.msk [tilespmem:v35+s2+$0x0], $0xffff  }
0x9d: {  	v37 =	vld.idx.msk [tilespmem:v36+s2+$0x0], $0xffff;
	_ =	sdelay $0x4  }
0x9e: {  	v38 =	vor.u32 $0x6, v2;
	v4 =	vadd.f32 v37, v4  }
0x9f: {  	v39 =	vor.u32 $0xE, v3  }
0xa0: {  	v4 =	vmul.f32 v4, v23;
	_ =	sdelay $0x1  }
0xa1: {  	[tilespmem:s21+$0xE290] =	vst v4  }
0xa2: {  	v4 =	vld.idx.msk [tilespmem:v38+s2+$0x0], $0xffff  }
0xa3: {  	v40 =	vld.idx.msk [tilespmem:v39+s2+$0x0], $0xffff;
	_ =	sdelay $0x4  }
0xa4: {  	v2 =	vor.u32 $0x7, v2;
	v4 =	vadd.f32 v40, v4  }
0xa5: {  	v3 =	vor.u32 $0xF, v3  }
0xa6: {  	v4 =	vmul.f32 v4, v23;
	_ =	sdelay $0x1  }
0xa7: {  	[tilespmem:s21+$0xE310] =	vst v4  }
0xa8: {  	v2 =	vld.idx.msk [tilespmem:v2+s2+$0x0], $0xffff  }
0xa9: {  	v3 =	vld.idx.msk [tilespmem:v3+s2+$0x0], $0xffff;
	_ =	sdelay $0x4  }
0xaa: {  	v2 =	vadd.f32 v3, v2;
	_ =	sdelay $0x1  }
0xab: {  	v2 =	vmul.f32 v2, v23;
	_ =	sdelay $0x1  }
0xac: {  	[tilespmem:s21+$0xE390] =	vst v2  }
0xad: {  	v2 =	vld [tilespmem:s23+$0x8020]  }
0xae: {  	v3 =	vld [tilespmem:s23+$0x80A0];
	_ =	sdelay $0x4  }
0xaf: {  	v2 =	vshll.u32 v2, $0x4;
	v3 =	vshll.u32 v3, $0x4  }
0xb0: {  	v41 =	vor.u32 $0x8, v3;
	_ =	sdelay $0x2  }
0xb1: {  	v42 =	vld [tilespmem:s22+$0xC020]  }
0xb2: {  	v43 =	vld.idx.msk [tilespmem:v2+s2+$0x0], $0xffff  }
0xb3: {  	v4 =	vld.idx.msk [tilespmem:v41+s2+$0x0], $0xffff;
	_ =	sdelay $0x4  }
0xb4: {  	vm10 =	vgt.s32 v42, $0x1;
	v44 =	vor.u32 $0x1, v2;
	v4 =	vadd.f32 v4, v43  }
0xb5: {  	v45 =	vsel vm10, $0x3F000000, v1;
	v46 =	vor.u32 $0x9, v3  }
0xb6: {  	v4 =	vmul.f32 v4, v45;
	_ =	sdelay $0x1  }
0xb7: {  	[tilespmem:s21+$0xE020] =	vst v4  }
0xb8: {  	v4 =	vld.idx.msk [tilespmem:v44+s2+$0x0], $0xffff  }
0xb9: {  	v47 =	vld.idx.msk [tilespmem:v46+s2+$0x0], $0xffff;
	_ =	sdelay $0x4  }
0xba: {  	v48 =	vor.u32 $0x2, v2;
	v4 =	vadd.f32 v47, v4  }
0xbb: {  	v49 =	vor.u32 $0xA, v3  }
0xbc: {  	v4 =	vmul.f32 v4, v45;
	_ =	sdelay $0x1  }
0xbd: {  	[tilespmem:s21+$0xE0A0] =	vst v4  }
0xbe: {  	v4 =	vld.idx.msk [tilespmem:v48+s2+$0x0], $0xffff  }
0xbf: {  	v50 =	vld.idx.msk [tilespmem:v49+s2+$0x0], $0xffff;
	_ =	sdelay $0x4  }
0xc0: {  	v51 =	vor.u32 $0x3, v2;
	v4 =	vadd.f32 v50, v4  }
0xc1: {  	v52 =	vor.u32 $0xB, v3  }
0xc2: {  	v4 =	vmul.f32 v4, v45;
	_ =	sdelay $0x1  }
0xc3: {  	[tilespmem:s21+$0xE120] =	vst v4  }
0xc4: {  	v4 =	vld.idx.msk [tilespmem:v51+s2+$0x0], $0xffff  }
0xc5: {  	v53 =	vld.idx.msk [tilespmem:v52+s2+$0x0], $0xffff;
	_ =	sdelay $0x4  }
0xc6: {  	v54 =	vor.u32 $0x4, v2;
	v4 =	vadd.f32 v53, v4  }
0xc7: {  	v55 =	vor.u32 $0xC, v3  }
0xc8: {  	v4 =	vmul.f32 v4, v45;
	_ =	sdelay $0x1  }
0xc9: {  	[tilespmem:s21+$0xE1A0] =	vst v4  }
0xca: {  	s30 =	sor.u32 $0x1, s17;
	v4 =	vld.idx.msk [tilespmem:v54+s2+$0x0], $0xffff  }
0xcb: {  	s24 =	sshll.u32 s30, $0xA;
	v56 =	vld.idx.msk [tilespmem:v55+s2+$0x0], $0xffff  }
0xcc: {  	s19 =	sshra.s32 s24, $0x2  }
0xcd: {  	v8 =	vld [tilespmem:s19+$0x8080]  }
0xce: {  	v57 =	vld [tilespmem:s19+$0x8000];
	_ =	sdelay $0x1  }
0xcf: {  	v58 =	vor.u32 $0x5, v2;
	v4 =	vadd.f32 v56, v4  }
0xd0: {  	v9 =	vor.u32 $0xD, v3  }
0xd1: {  	v4 =	vmul.f32 v4, v45  }
0xd2: {  	v8 =	vshll.u32 v8, $0x4;
	v7 =	vshll.u32 v57, $0x4  }
0xd3: {  	v59 =	vor.u32 $0x8, v8;
	[tilespmem:s21+$0xE220] =	vst v4  }
0xd4: {  	s18 =	sshll.u32 s30, $0x7;
	v5 =	vld.idx.msk [tilespmem:v58+s2+$0x0], $0xffff  }
0xd5: {  	s20 =	sand.u32 $0x3FFFFF80, s18;
	v9 =	vld.idx.msk [tilespmem:v9+s2+$0x0], $0xffff  }
0xd6: {  	v10 =	vld [tilespmem:s20+$0xC000]  }
0xd7: {  	v11 =	vld.idx.msk [tilespmem:v7+s2+$0x0], $0xffff  }
0xd8: {  	v4 =	vld.idx.msk [tilespmem:v59+s2+$0x0], $0xffff;
	_ =	sdelay $0x1  }
0xd9: {  	v60 =	vor.u32 $0x6, v2;
	v5 =	vadd.f32 v9, v5  }
0xda: {  	v12 =	vor.u32 $0xE, v3  }
0xdb: {  	v5 =	vmul.f32 v5, v45  }
0xdc: {  	vm11 =	vgt.s32 v10, $0x1;
	v61 =	vor.u32 $0x1, v7;
	v4 =	vadd.f32 v4, v11  }
0xdd: {  	v63 =	vor.u32 $0x9, v8;
	v62 =	vsel vm11, $0x3F000000, v1;
	[tilespmem:s21+$0xE2A0] =	vst v5  }
0xde: {  	v4 =	vmul.f32 v4, v62;
	v9 =	vld.idx.msk [tilespmem:v60+s2+$0x0], $0xffff  }
0xdf: {  	s18 =	sand.u32 $0x3FFFFC00, s24;
	v12 =	vld.idx.msk [tilespmem:v12+s2+$0x0], $0xffff  }
0xe0: {  	[tilespmem:s18+$0xE000] =	vst v4  }
0xe1: {  	v4 =	vld.idx.msk [tilespmem:v61+s2+$0x0], $0xffff  }
0xe2: {  	v15 =	vld.idx.msk [tilespmem:v63+s2+$0x0], $0xffff;
	_ =	sdelay $0x1  }
0xe3: {  	v2 =	vor.u32 $0x7, v2;
	v9 =	vadd.f32 v12, v9  }
0xe4: {  	v3 =	vor.u32 $0xF, v3  }
0xe5: {  	v9 =	vmul.f32 v9, v45  }
0xe6: {  	v16 =	vor.u32 $0x2, v7;
	v4 =	vadd.f32 v15, v4  }
0xe7: {  	v17 =	vor.u32 $0xA, v8;
	[tilespmem:s21+$0xE320] =	vst v9  }
0xe8: {  	v4 =	vmul.f32 v4, v62;
	v2 =	vld.idx.msk [tilespmem:v2+s2+$0x0], $0xffff  }
0xe9: {  	v3 =	vld.idx.msk [tilespmem:v3+s2+$0x0], $0xffff  }
0xea: {  	[tilespmem:s18+$0xE080] =	vst v4  }
0xeb: {  	v4 =	vld.idx.msk [tilespmem:v16+s2+$0x0], $0xffff  }
0xec: {  	v9 =	vld.idx.msk [tilespmem:v17+s2+$0x0], $0xffff;
	_ =	sdelay $0x1  }
0xed: {  	v2 =	vadd.f32 v3, v2;
	_ =	sdelay $0x1  }
0xee: {  	v2 =	vmul.f32 v2, v45  }
0xef: {  	v18 =	vor.u32 $0x3, v7;
	v3 =	vadd.f32 v9, v4  }
0xf0: {  	[tilespmem:s21+$0xE3A0] =	vst v2;
	v2 =	vor.u32 $0xB, v8  }
0xf1: {  	v3 =	vmul.f32 v3, v62;
	v19 =	vld [tilespmem:s23+$0x8030]  }
0xf2: {  	v20 =	vld [tilespmem:s23+$0x80B0]  }
0xf3: {  	[tilespmem:s18+$0xE100] =	vst v3  }
0xf4: {  	v3 =	vld.idx.msk [tilespmem:v18+s2+$0x0], $0xffff  }
0xf5: {  	v2 =	vld.idx.msk [tilespmem:v2+s2+$0x0], $0xffff;
	_ =	sdelay $0x1  }
0xf6: {  	v21 =	vshll.u32 v19, $0x4;
	v22 =	vshll.u32 v20, $0x4  }
0xf7: {  	v9 =	vor.u32 $0x8, v22;
	_ =	sdelay $0x1  }
0xf8: {  	v2 =	vadd.f32 v2, v3;
	v3 =	vor.u32 $0x4, v7  }
0xf9: {  	v24 =	vor.u32 $0xC, v8;
	v23 =	vld [tilespmem:s22+$0xC030]  }
0xfa: {  	v25 =	vld.idx.msk [tilespmem:v21+s2+$0x0], $0xffff;
	v2 =	vmul.f32 v2, v62  }
0xfb: {  	v9 =	vld.idx.msk [tilespmem:v9+s2+$0x0], $0xffff  }
0xfc: {  	[tilespmem:s18+$0xE180] =	vst v2  }
0xfd: {  	v2 =	vld.idx.msk [tilespmem:v3+s2+$0x0], $0xffff  }
0xfe: {  	v3 =	vld.idx.msk [tilespmem:v24+s2+$0x0], $0xffff;
	_ =	sdelay $0x1  }
0xff: {  	vm12 =	vgt.s32 v23, $0x1;
	v26 =	vor.u32 $0x1, v21;
	v9 =	vadd.f32 v9, v25  }
0x100: {  	v27 =	vsel vm12, $0x3F000000, v1;
	v28 =	vor.u32 $0x9, v22  }
0x101: {  	v9 =	vmul.f32 v9, v27  }
0x102: {  	v2 =	vadd.f32 v3, v2;
	v3 =	vor.u32 $0x5, v7  }
0x103: {  	v29 =	vor.u32 $0xD, v8;
	[tilespmem:s21+$0xE030] =	vst v9  }
0x104: {  	v10 =	vld.idx.msk [tilespmem:v26+s2+$0x0], $0xffff;
	v2 =	vmul.f32 v2, v62  }
0x105: {  	v12 =	vld.idx.msk [tilespmem:v28+s2+$0x0], $0xffff  }
0x106: {  	[tilespmem:s18+$0xE200] =	vst v2  }
0x107: {  	v2 =	vld.idx.msk [tilespmem:v3+s2+$0x0], $0xffff  }
0x108: {  	v3 =	vld.idx.msk [tilespmem:v29+s2+$0x0], $0xffff;
	_ =	sdelay $0x1  }
0x109: {  	v31 =	vor.u32 $0x2, v21;
	v30 =	vadd.f32 v12, v10  }
0x10a: {  	v32 =	vor.u32 $0xA, v22  }
0x10b: {  	v9 =	vmul.f32 v30, v27  }
0x10c: {  	v2 =	vadd.f32 v3, v2;
	v3 =	vor.u32 $0x6, v7  }
0x10d: {  	v33 =	vor.u32 $0xE, v8;
	[tilespmem:s21+$0xE0B0] =	vst v9  }
0x10e: {  	v10 =	vld.idx.msk [tilespmem:v31+s2+$0x0], $0xffff;
	v2 =	vmul.f32 v2, v62  }
0x10f: {  	v12 =	vld.idx.msk [tilespmem:v32+s2+$0x0], $0xffff  }
0x110: {  	[tilespmem:s18+$0xE280] =	vst v2  }
0x111: {  	v2 =	vld.idx.msk [tilespmem:v3+s2+$0x0], $0xffff  }
0x112: {  	v3 =	vld.idx.msk [tilespmem:v33+s2+$0x0], $0xffff;
	_ =	sdelay $0x1  }
0x113: {  	v35 =	vor.u32 $0x3, v21;
	v34 =	vadd.f32 v12, v10  }
0x114: {  	v36 =	vor.u32 $0xB, v22  }
0x115: {  	v9 =	vmul.f32 v34, v27  }
0x116: {  	v2 =	vadd.f32 v3, v2;
	v3 =	vor.u32 $0x7, v7  }
0x117: {  	v37 =	vor.u32 $0xF, v8;
	[tilespmem:s21+$0xE130] =	vst v9  }
0x118: {  	v38 =	vld.idx.msk [tilespmem:v35+s2+$0x0], $0xffff;
	v2 =	vmul.f32 v2, v62  }
0x119: {  	v9 =	vld.idx.msk [tilespmem:v36+s2+$0x0], $0xffff  }
0x11a: {  	[tilespmem:s18+$0xE300] =	vst v2  }
0x11b: {  	v2 =	vld.idx.msk [tilespmem:v3+s2+$0x0], $0xffff  }
0x11c: {  	v3 =	vld.idx.msk [tilespmem:v37+s2+$0x0], $0xffff;
	_ =	sdelay $0x1  }
0x11d: {  	v40 =	vor.u32 $0x4, v21;
	v39 =	vadd.f32 v9, v38  }
0x11e: {  	v41 =	vor.u32 $0xC, v22  }
0x11f: {  	v7 =	vmul.f32 v39, v27  }
0x120: {  	v2 =	vadd.f32 v3, v2  }
0x121: {  	[tilespmem:s21+$0xE1B0] =	vst v7  }
0x122: {  	v3 =	vld.idx.msk [tilespmem:v40+s2+$0x0], $0xffff;
	v2 =	vmul.f32 v2, v62  }
0x123: {  	v42 =	vld.idx.msk [tilespmem:v41+s2+$0x0], $0xffff  }
0x124: {  	[tilespmem:s18+$0xE380] =	vst v2  }
0x125: {  	v2 =	vld [tilespmem:s19+$0x8010]  }
0x126: {  	v43 =	vld [tilespmem:s19+$0x8090];
	_ =	sdelay $0x1  }
0x127: {  	v44 =	vor.u32 $0x5, v21;
	v3 =	vadd.f32 v42, v3  }
0x128: {  	v45 =	vor.u32 $0xD, v22  }
0x129: {  	v3 =	vmul.f32 v3, v27  }
0x12a: {  	v2 =	vshll.u32 v2, $0x4;
	v7 =	vshll.u32 v43, $0x4  }
0x12b: {  	[tilespmem:s21+$0xE230] =	vst v3;
	v3 =	vor.u32 $0x8, v7  }
0x12c: {  	v5 =	vld.idx.msk [tilespmem:v44+s2+$0x0], $0xffff  }
0x12d: {  	v8 =	vld.idx.msk [tilespmem:v45+s2+$0x0], $0xffff  }
0x12e: {  	v46 =	vld [tilespmem:s20+$0xC010]  }
0x12f: {  	v47 =	vld.idx.msk [tilespmem:v2+s2+$0x0], $0xffff  }
0x130: {  	v3 =	vld.idx.msk [tilespmem:v3+s2+$0x0], $0xffff;
	_ =	sdelay $0x1  }
0x131: {  	v48 =	vor.u32 $0x6, v21;
	v5 =	vadd.f32 v8, v5  }
0x132: {  	v49 =	vor.u32 $0xE, v22  }
0x133: {  	v5 =	vmul.f32 v5, v27  }
0x134: {  	vm13 =	vgt.s32 v46, $0x1;
	v50 =	vor.u32 $0x1, v2;
	v3 =	vadd.f32 v3, v47  }
0x135: {  	v51 =	vsel vm13, $0x3F000000, v1;
	v52 =	vor.u32 $0x9, v7;
	[tilespmem:s21+$0xE2B0] =	vst v5  }
0x136: {  	v8 =	vld.idx.msk [tilespmem:v48+s2+$0x0], $0xffff;
	v3 =	vmul.f32 v3, v51  }
0x137: {  	v12 =	vld.idx.msk [tilespmem:v49+s2+$0x0], $0xffff  }
0x138: {  	[tilespmem:s18+$0xE010] =	vst v3  }
0x139: {  	v3 =	vld.idx.msk [tilespmem:v50+s2+$0x0], $0xffff  }
0x13a: {  	v53 =	vld.idx.msk [tilespmem:v52+s2+$0x0], $0xffff;
	_ =	sdelay $0x1  }
0x13b: {  	v4 =	vor.u32 $0x7, v21;
	v8 =	vadd.f32 v12, v8  }
0x13c: {  	v6 =	vor.u32 $0xF, v22  }
0x13d: {  	v8 =	vmul.f32 v8, v27  }
0x13e: {  	v54 =	vor.u32 $0x2, v2;
	v3 =	vadd.f32 v53, v3  }
0x13f: {  	v55 =	vor.u32 $0xA, v7;
	[tilespmem:s21+$0xE330] =	vst v8  }
0x140: {  	v4 =	vld.idx.msk [tilespmem:v4+s2+$0x0], $0xffff;
	v3 =	vmul.f32 v3, v51  }
0x141: {  	v6 =	vld.idx.msk [tilespmem:v6+s2+$0x0], $0xffff  }
0x142: {  	[tilespmem:s18+$0xE090] =	vst v3  }
0x143: {  	v3 =	vld.idx.msk [tilespmem:v54+s2+$0x0], $0xffff  }
0x144: {  	v8 =	vld.idx.msk [tilespmem:v55+s2+$0x0], $0xffff;
	_ =	sdelay $0x1  }
0x145: {  	v4 =	vadd.f32 v6, v4;
	_ =	sdelay $0x1  }
0x146: {  	v4 =	vmul.f32 v4, v27  }
0x147: {  	v56 =	vor.u32 $0x3, v2;
	v3 =	vadd.f32 v8, v3  }
0x148: {  	v57 =	vor.u32 $0xB, v7;
	[tilespmem:s21+$0xE3B0] =	vst v4  }
0x149: {  	v58 =	vld [tilespmem:s23+$0x8040];
	v3 =	vmul.f32 v3, v51  }
0x14a: {  	v59 =	vld [tilespmem:s23+$0x80C0]  }
0x14b: {  	[tilespmem:s18+$0xE110] =	vst v3  }
0x14c: {  	v3 =	vld.idx.msk [tilespmem:v56+s2+$0x0], $0xffff  }
0x14d: {  	v4 =	vld.idx.msk [tilespmem:v57+s2+$0x0], $0xffff;
	_ =	sdelay $0x1  }
0x14e: {  	v60 =	vshll.u32 v58, $0x4;
	v61 =	vshll.u32 v59, $0x4  }
0x14f: {  	v9 =	vor.u32 $0x8, v61;
	_ =	sdelay $0x1  }
0x150: {  	v62 =	vor.u32 $0x4, v2;
	v3 =	vadd.f32 v4, v3  }
0x151: {  	v16 =	vor.u32 $0xC, v7;
	v63 =	vld [tilespmem:s22+$0xC040]  }
0x152: {  	v17 =	vld.idx.msk [tilespmem:v60+s2+$0x0], $0xffff;
	v3 =	vmul.f32 v3, v51  }
0x153: {  	v9 =	vld.idx.msk [tilespmem:v9+s2+$0x0], $0xffff  }
0x154: {  	[tilespmem:s18+$0xE190] =	vst v3  }
0x155: {  	v3 =	vld.idx.msk [tilespmem:v62+s2+$0x0], $0xffff  }
0x156: {  	v18 =	vld.idx.msk [tilespmem:v16+s2+$0x0], $0xffff;
	_ =	sdelay $0x1  }
0x157: {  	vm14 =	vgt.s32 v63, $0x1;
	v19 =	vor.u32 $0x1, v60;
	v9 =	vadd.f32 v9, v17  }
0x158: {  	v20 =	vsel vm14, $0x3F000000, v1;
	v21 =	vor.u32 $0x9, v61  }
0x159: {  	v9 =	vmul.f32 v9, v20  }
0x15a: {  	v22 =	vor.u32 $0x5, v2;
	v3 =	vadd.f32 v18, v3  }
0x15b: {  	v23 =	vor.u32 $0xD, v7;
	[tilespmem:s21+$0xE040] =	vst v9  }
0x15c: {  	v10 =	vld.idx.msk [tilespmem:v19+s2+$0x0], $0xffff;
	v3 =	vmul.f32 v3, v51  }
0x15d: {  	v12 =	vld.idx.msk [tilespmem:v21+s2+$0x0], $0xffff  }
0x15e: {  	[tilespmem:s18+$0xE210] =	vst v3  }
0x15f: {  	v3 =	vld.idx.msk [tilespmem:v22+s2+$0x0], $0xffff  }
0x160: {  	v24 =	vld.idx.msk [tilespmem:v23+s2+$0x0], $0xffff;
	_ =	sdelay $0x1  }
0x161: {  	v26 =	vor.u32 $0x2, v60;
	v25 =	vadd.f32 v12, v10  }
0x162: {  	v27 =	vor.u32 $0xA, v61  }
0x163: {  	v9 =	vmul.f32 v25, v20  }
0x164: {  	v28 =	vor.u32 $0x6, v2;
	v3 =	vadd.f32 v24, v3  }
0x165: {  	v29 =	vor.u32 $0xE, v7;
	[tilespmem:s21+$0xE0C0] =	vst v9  }
0x166: {  	v10 =	vld.idx.msk [tilespmem:v26+s2+$0x0], $0xffff;
	v3 =	vmul.f32 v3, v51  }
0x167: {  	v12 =	vld.idx.msk [tilespmem:v27+s2+$0x0], $0xffff  }
0x168: {  	[tilespmem:s18+$0xE290] =	vst v3  }
0x169: {  	v3 =	vld.idx.msk [tilespmem:v28+s2+$0x0], $0xffff  }
0x16a: {  	v30 =	vld.idx.msk [tilespmem:v29+s2+$0x0], $0xffff;
	_ =	sdelay $0x1  }
0x16b: {  	v32 =	vor.u32 $0x3, v60;
	v31 =	vadd.f32 v12, v10  }
0x16c: {  	v33 =	vor.u32 $0xB, v61  }
0x16d: {  	v9 =	vmul.f32 v31, v20  }
0x16e: {  	v2 =	vor.u32 $0x7, v2;
	v3 =	vadd.f32 v30, v3  }
0x16f: {  	v34 =	vor.u32 $0xF, v7;
	[tilespmem:s21+$0xE140] =	vst v9  }
0x170: {  	v35 =	vld.idx.msk [tilespmem:v32+s2+$0x0], $0xffff;
	v3 =	vmul.f32 v3, v51  }
0x171: {  	v9 =	vld.idx.msk [tilespmem:v33+s2+$0x0], $0xffff  }
0x172: {  	[tilespmem:s18+$0xE310] =	vst v3  }
0x173: {  	v2 =	vld.idx.msk [tilespmem:v2+s2+$0x0], $0xffff  }
0x174: {  	v3 =	vld.idx.msk [tilespmem:v34+s2+$0x0], $0xffff;
	_ =	sdelay $0x1  }
0x175: {  	v37 =	vor.u32 $0x4, v60;
	v36 =	vadd.f32 v9, v35  }
0x176: {  	v38 =	vor.u32 $0xC, v61  }
0x177: {  	v4 =	vmul.f32 v36, v20  }
0x178: {  	v2 =	vadd.f32 v3, v2  }
0x179: {  	[tilespmem:s21+$0xE1C0] =	vst v4  }
0x17a: {  	v3 =	vld.idx.msk [tilespmem:v37+s2+$0x0], $0xffff;
	v2 =	vmul.f32 v2, v51  }
0x17b: {  	v4 =	vld.idx.msk [tilespmem:v38+s2+$0x0], $0xffff  }
0x17c: {  	[tilespmem:s18+$0xE390] =	vst v2  }
0x17d: {  	v2 =	vld [tilespmem:s19+$0x8020]  }
0x17e: {  	v39 =	vld [tilespmem:s19+$0x80A0];
	_ =	sdelay $0x1  }
0x17f: {  	v40 =	vor.u32 $0x5, v60;
	v3 =	vadd.f32 v4, v3  }
0x180: {  	v41 =	vor.u32 $0xD, v61  }
0x181: {  	v3 =	vmul.f32 v3, v20  }
0x182: {  	v2 =	vshll.u32 v2, $0x4;
	v5 =	vshll.u32 v39, $0x4  }
0x183: {  	[tilespmem:s21+$0xE240] =	vst v3;
	v3 =	vor.u32 $0x8, v5  }
0x184: {  	v4 =	vld.idx.msk [tilespmem:v40+s2+$0x0], $0xffff  }
0x185: {  	v7 =	vld.idx.msk [tilespmem:v41+s2+$0x0], $0xffff  }
0x186: {  	v42 =	vld [tilespmem:s20+$0xC020]  }
0x187: {  	v43 =	vld.idx.msk [tilespmem:v2+s2+$0x0], $0xffff  }
0x188: {  	v3 =	vld.idx.msk [tilespmem:v3+s2+$0x0], $0xffff;
	_ =	sdelay $0x1  }
0x189: {  	v44 =	vor.u32 $0x6, v60;
	v4 =	vadd.f32 v7, v4  }
0x18a: {  	v45 =	vor.u32 $0xE, v61  }
0x18b: {  	v4 =	vmul.f32 v4, v20  }
0x18c: {  	vm15 =	vgt.s32 v42, $0x1;
	v46 =	vor.u32 $0x1, v2;
	v3 =	vadd.f32 v3, v43  }
0x18d: {  	v47 =	vsel vm15, $0x3F000000, v1;
	v48 =	vor.u32 $0x9, v5;
	[tilespmem:s21+$0xE2C0] =	vst v4  }
0x18e: {  	v7 =	vld.idx.msk [tilespmem:v44+s2+$0x0], $0xffff;
	v3 =	vmul.f32 v3, v47  }
0x18f: {  	v12 =	vld.idx.msk [tilespmem:v45+s2+$0x0], $0xffff  }
0x190: {  	[tilespmem:s18+$0xE020] =	vst v3  }
0x191: {  	v3 =	vld.idx.msk [tilespmem:v46+s2+$0x0], $0xffff  }
0x192: {  	v49 =	vld.idx.msk [tilespmem:v48+s2+$0x0], $0xffff;
	_ =	sdelay $0x1  }
0x193: {  	v6 =	vor.u32 $0x7, v60;
	v7 =	vadd.f32 v12, v7  }
0x194: {  	v8 =	vor.u32 $0xF, v61  }
0x195: {  	v7 =	vmul.f32 v7, v20  }
0x196: {  	v50 =	vor.u32 $0x2, v2;
	v3 =	vadd.f32 v49, v3  }
0x197: {  	v51 =	vor.u32 $0xA, v5;
	[tilespmem:s21+$0xE340] =	vst v7  }
0x198: {  	v6 =	vld.idx.msk [tilespmem:v6+s2+$0x0], $0xffff;
	v3 =	vmul.f32 v3, v47  }
0x199: {  	v8 =	vld.idx.msk [tilespmem:v8+s2+$0x0], $0xffff  }
0x19a: {  	[tilespmem:s18+$0xE0A0] =	vst v3  }
0x19b: {  	v3 =	vld.idx.msk [tilespmem:v50+s2+$0x0], $0xffff  }
0x19c: {  	v7 =	vld.idx.msk [tilespmem:v51+s2+$0x0], $0xffff;
	_ =	sdelay $0x1  }
0x19d: {  	v6 =	vadd.f32 v8, v6;
	_ =	sdelay $0x1  }
0x19e: {  	v6 =	vmul.f32 v6, v20  }
0x19f: {  	v52 =	vor.u32 $0x3, v2;
	v3 =	vadd.f32 v7, v3  }
0x1a0: {  	v53 =	vor.u32 $0xB, v5;
	[tilespmem:s21+$0xE3C0] =	vst v6  }
0x1a1: {  	v54 =	vld [tilespmem:s23+$0x8050];
	v3 =	vmul.f32 v3, v47  }
0x1a2: {  	v55 =	vld [tilespmem:s23+$0x80D0]  }
0x1a3: {  	[tilespmem:s18+$0xE120] =	vst v3  }
0x1a4: {  	v3 =	vld.idx.msk [tilespmem:v52+s2+$0x0], $0xffff  }
0x1a5: {  	v6 =	vld.idx.msk [tilespmem:v53+s2+$0x0], $0xffff;
	_ =	sdelay $0x1  }
0x1a6: {  	v56 =	vshll.u32 v54, $0x4;
	v57 =	vshll.u32 v55, $0x4  }
0x1a7: {  	v9 =	vor.u32 $0x8, v57;
	_ =	sdelay $0x1  }
0x1a8: {  	v58 =	vor.u32 $0x4, v2;
	v3 =	vadd.f32 v6, v3  }
0x1a9: {  	v60 =	vor.u32 $0xC, v5;
	v59 =	vld [tilespmem:s22+$0xC050]  }
0x1aa: {  	v61 =	vld.idx.msk [tilespmem:v56+s2+$0x0], $0xffff;
	v3 =	vmul.f32 v3, v47  }
0x1ab: {  	v9 =	vld.idx.msk [tilespmem:v9+s2+$0x0], $0xffff  }
0x1ac: {  	[tilespmem:s18+$0xE1A0] =	vst v3  }
0x1ad: {  	v3 =	vld.idx.msk [tilespmem:v58+s2+$0x0], $0xffff  }
0x1ae: {  	v62 =	vld.idx.msk [tilespmem:v60+s2+$0x0], $0xffff;
	_ =	sdelay $0x1  }
0x1af: {  	vm4 =	vgt.s32 v59, $0x1;
	v63 =	vor.u32 $0x1, v56;
	v9 =	vadd.f32 v9, v61  }
0x1b0: {  	v16 =	vsel vm4, $0x3F000000, v1;
	v17 =	vor.u32 $0x9, v57  }
0x1b1: {  	v9 =	vmul.f32 v9, v16  }
0x1b2: {  	v18 =	vor.u32 $0x5, v2;
	v3 =	vadd.f32 v62, v3  }
0x1b3: {  	v19 =	vor.u32 $0xD, v5;
	[tilespmem:s21+$0xE050] =	vst v9  }
0x1b4: {  	v10 =	vld.idx.msk [tilespmem:v63+s2+$0x0], $0xffff;
	v3 =	vmul.f32 v3, v47  }
0x1b5: {  	v12 =	vld.idx.msk [tilespmem:v17+s2+$0x0], $0xffff  }
0x1b6: {  	[tilespmem:s18+$0xE220] =	vst v3  }
0x1b7: {  	v3 =	vld.idx.msk [tilespmem:v18+s2+$0x0], $0xffff  }
0x1b8: {  	v20 =	vld.idx.msk [tilespmem:v19+s2+$0x0], $0xffff;
	_ =	sdelay $0x1  }
0x1b9: {  	v22 =	vor.u32 $0x2, v56;
	v21 =	vadd.f32 v12, v10  }
0x1ba: {  	v23 =	vor.u32 $0xA, v57  }
0x1bb: {  	v9 =	vmul.f32 v21, v16  }
0x1bc: {  	v24 =	vor.u32 $0x6, v2;
	v3 =	vadd.f32 v20, v3  }
0x1bd: {  	v25 =	vor.u32 $0xE, v5;
	[tilespmem:s21+$0xE0D0] =	vst v9  }
0x1be: {  	v10 =	vld.idx.msk [tilespmem:v22+s2+$0x0], $0xffff;
	v3 =	vmul.f32 v3, v47  }
0x1bf: {  	v12 =	vld.idx.msk [tilespmem:v23+s2+$0x0], $0xffff  }
0x1c0: {  	[tilespmem:s18+$0xE2A0] =	vst v3  }
0x1c1: {  	v3 =	vld.idx.msk [tilespmem:v24+s2+$0x0], $0xffff  }
0x1c2: {  	v26 =	vld.idx.msk [tilespmem:v25+s2+$0x0], $0xffff;
	_ =	sdelay $0x1  }
0x1c3: {  	v28 =	vor.u32 $0x3, v56;
	v27 =	vadd.f32 v12, v10  }
0x1c4: {  	v29 =	vor.u32 $0xB, v57  }
0x1c5: {  	v9 =	vmul.f32 v27, v16  }
0x1c6: {  	v2 =	vor.u32 $0x7, v2;
	v3 =	vadd.f32 v26, v3  }
0x1c7: {  	v5 =	vor.u32 $0xF, v5;
	[tilespmem:s21+$0xE150] =	vst v9  }
0x1c8: {  	v30 =	vld.idx.msk [tilespmem:v28+s2+$0x0], $0xffff;
	v3 =	vmul.f32 v3, v47  }
0x1c9: {  	v9 =	vld.idx.msk [tilespmem:v29+s2+$0x0], $0xffff  }
0x1ca: {  	[tilespmem:s18+$0xE320] =	vst v3  }
0x1cb: {  	v2 =	vld.idx.msk [tilespmem:v2+s2+$0x0], $0xffff  }
0x1cc: {  	v3 =	vld.idx.msk [tilespmem:v5+s2+$0x0], $0xffff;
	_ =	sdelay $0x1  }
0x1cd: {  	v32 =	vor.u32 $0x4, v56;
	v31 =	vadd.f32 v9, v30  }
0x1ce: {  	v33 =	vor.u32 $0xC, v57  }
0x1cf: {  	v5 =	vmul.f32 v31, v16  }
0x1d0: {  	v2 =	vadd.f32 v3, v2  }
0x1d1: {  	[tilespmem:s21+$0xE1D0] =	vst v5  }
0x1d2: {  	v3 =	vld.idx.msk [tilespmem:v32+s2+$0x0], $0xffff;
	v2 =	vmul.f32 v2, v47  }
0x1d3: {  	v34 =	vld.idx.msk [tilespmem:v33+s2+$0x0], $0xffff  }
0x1d4: {  	[tilespmem:s18+$0xE3A0] =	vst v2  }
0x1d5: {  	v2 =	vld [tilespmem:s19+$0x8030]  }
0x1d6: {  	v35 =	vld [tilespmem:s19+$0x80B0];
	_ =	sdelay $0x1  }
0x1d7: {  	v36 =	vor.u32 $0x5, v56;
	v3 =	vadd.f32 v34, v3  }
0x1d8: {  	v37 =	vor.u32 $0xD, v57  }
0x1d9: {  	v3 =	vmul.f32 v3, v16  }
0x1da: {  	v2 =	vshll.u32 v2, $0x4;
	v5 =	vshll.u32 v35, $0x4  }
0x1db: {  	[tilespmem:s21+$0xE250] =	vst v3;
	v3 =	vor.u32 $0x8, v5  }
0x1dc: {  	v4 =	vld.idx.msk [tilespmem:v36+s2+$0x0], $0xffff  }
0x1dd: {  	v6 =	vld.idx.msk [tilespmem:v37+s2+$0x0], $0xffff  }
0x1de: {  	v38 =	vld [tilespmem:s20+$0xC030]  }
0x1df: {  	v39 =	vld.idx.msk [tilespmem:v2+s2+$0x0], $0xffff  }
0x1e0: {  	v3 =	vld.idx.msk [tilespmem:v3+s2+$0x0], $0xffff;
	_ =	sdelay $0x1  }
0x1e1: {  	v40 =	vor.u32 $0x6, v56;
	v4 =	vadd.f32 v6, v4  }
0x1e2: {  	v41 =	vor.u32 $0xE, v57  }
0x1e3: {  	v4 =	vmul.f32 v4, v16  }
0x1e4: {  	vm5 =	vgt.s32 v38, $0x1;
	v42 =	vor.u32 $0x1, v2;
	v3 =	vadd.f32 v3, v39  }
0x1e5: {  	v43 =	vsel vm5, $0x3F000000, v1;
	v44 =	vor.u32 $0x9, v5;
	[tilespmem:s21+$0xE2D0] =	vst v4  }
0x1e6: {  	v6 =	vld.idx.msk [tilespmem:v40+s2+$0x0], $0xffff;
	v3 =	vmul.f32 v3, v43  }
0x1e7: {  	v12 =	vld.idx.msk [tilespmem:v41+s2+$0x0], $0xffff  }
0x1e8: {  	[tilespmem:s18+$0xE030] =	vst v3  }
0x1e9: {  	v3 =	vld.idx.msk [tilespmem:v42+s2+$0x0], $0xffff  }
0x1ea: {  	v45 =	vld.idx.msk [tilespmem:v44+s2+$0x0], $0xffff;
	_ =	sdelay $0x1  }
0x1eb: {  	v7 =	vor.u32 $0x7, v56;
	v6 =	vadd.f32 v12, v6  }
0x1ec: {  	v8 =	vor.u32 $0xF, v57  }
0x1ed: {  	v6 =	vmul.f32 v6, v16  }
0x1ee: {  	v46 =	vor.u32 $0x2, v2;
	v3 =	vadd.f32 v45, v3  }
0x1ef: {  	v47 =	vor.u32 $0xA, v5;
	[tilespmem:s21+$0xE350] =	vst v6  }
0x1f0: {  	v7 =	vld.idx.msk [tilespmem:v7+s2+$0x0], $0xffff;
	v3 =	vmul.f32 v3, v43  }
0x1f1: {  	v8 =	vld.idx.msk [tilespmem:v8+s2+$0x0], $0xffff  }
0x1f2: {  	[tilespmem:s18+$0xE0B0] =	vst v3  }
0x1f3: {  	v3 =	vld.idx.msk [tilespmem:v46+s2+$0x0], $0xffff  }
0x1f4: {  	v6 =	vld.idx.msk [tilespmem:v47+s2+$0x0], $0xffff;
	_ =	sdelay $0x1  }
0x1f5: {  	v7 =	vadd.f32 v8, v7;
	_ =	sdelay $0x1  }
0x1f6: {  	v7 =	vmul.f32 v7, v16  }
0x1f7: {  	v48 =	vor.u32 $0x3, v2;
	v3 =	vadd.f32 v6, v3  }
0x1f8: {  	v49 =	vor.u32 $0xB, v5;
	[tilespmem:s21+$0xE3D0] =	vst v7  }
0x1f9: {  	v50 =	vld [tilespmem:s23+$0x8060];
	v3 =	vmul.f32 v3, v43  }
0x1fa: {  	v51 =	vld [tilespmem:s23+$0x80E0]  }
0x1fb: {  	[tilespmem:s18+$0xE130] =	vst v3  }
0x1fc: {  	v3 =	vld.idx.msk [tilespmem:v48+s2+$0x0], $0xffff  }
0x1fd: {  	v52 =	vld.idx.msk [tilespmem:v49+s2+$0x0], $0xffff;
	_ =	sdelay $0x1  }
0x1fe: {  	v53 =	vshll.u32 v50, $0x4;
	v54 =	vshll.u32 v51, $0x4  }
0x1ff: {  	v9 =	vor.u32 $0x8, v54;
	_ =	sdelay $0x1  }
0x200: {  	v55 =	vor.u32 $0x4, v2;
	v3 =	vadd.f32 v52, v3  }
0x201: {  	v57 =	vor.u32 $0xC, v5;
	v56 =	vld [tilespmem:s22+$0xC060]  }
0x202: {  	v58 =	vld.idx.msk [tilespmem:v53+s2+$0x0], $0xffff;
	v3 =	vmul.f32 v3, v43  }
0x203: {  	v9 =	vld.idx.msk [tilespmem:v9+s2+$0x0], $0xffff  }
0x204: {  	[tilespmem:s18+$0xE1B0] =	vst v3  }
0x205: {  	v3 =	vld.idx.msk [tilespmem:v55+s2+$0x0], $0xffff  }
0x206: {  	v59 =	vld.idx.msk [tilespmem:v57+s2+$0x0], $0xffff;
	_ =	sdelay $0x1  }
0x207: {  	vm6 =	vgt.s32 v56, $0x1;
	v60 =	vor.u32 $0x1, v53;
	v9 =	vadd.f32 v9, v58  }
0x208: {  	v61 =	vsel vm6, $0x3F000000, v1;
	v62 =	vor.u32 $0x9, v54  }
0x209: {  	v9 =	vmul.f32 v9, v61  }
0x20a: {  	v63 =	vor.u32 $0x5, v2;
	v3 =	vadd.f32 v59, v3  }
0x20b: {  	v16 =	vor.u32 $0xD, v5;
	[tilespmem:s21+$0xE060] =	vst v9  }
0x20c: {  	v10 =	vld.idx.msk [tilespmem:v60+s2+$0x0], $0xffff;
	v3 =	vmul.f32 v3, v43  }
0x20d: {  	v12 =	vld.idx.msk [tilespmem:v62+s2+$0x0], $0xffff  }
0x20e: {  	[tilespmem:s18+$0xE230] =	vst v3  }
0x20f: {  	v3 =	vld.idx.msk [tilespmem:v63+s2+$0x0], $0xffff  }
0x210: {  	v17 =	vld.idx.msk [tilespmem:v16+s2+$0x0], $0xffff;
	_ =	sdelay $0x1  }
0x211: {  	v19 =	vor.u32 $0x2, v53;
	v18 =	vadd.f32 v12, v10  }
0x212: {  	v20 =	vor.u32 $0xA, v54  }
0x213: {  	v9 =	vmul.f32 v18, v61  }
0x214: {  	v21 =	vor.u32 $0x6, v2;
	v3 =	vadd.f32 v17, v3  }
0x215: {  	v22 =	vor.u32 $0xE, v5;
	[tilespmem:s21+$0xE0E0] =	vst v9  }
0x216: {  	v10 =	vld.idx.msk [tilespmem:v19+s2+$0x0], $0xffff;
	v3 =	vmul.f32 v3, v43  }
0x217: {  	v12 =	vld.idx.msk [tilespmem:v20+s2+$0x0], $0xffff  }
0x218: {  	[tilespmem:s18+$0xE2B0] =	vst v3  }
0x219: {  	v3 =	vld.idx.msk [tilespmem:v21+s2+$0x0], $0xffff  }
0x21a: {  	v23 =	vld.idx.msk [tilespmem:v22+s2+$0x0], $0xffff;
	_ =	sdelay $0x1  }
0x21b: {  	v25 =	vor.u32 $0x3, v53;
	v24 =	vadd.f32 v12, v10  }
0x21c: {  	v26 =	vor.u32 $0xB, v54  }
0x21d: {  	v9 =	vmul.f32 v24, v61  }
0x21e: {  	v2 =	vor.u32 $0x7, v2;
	v3 =	vadd.f32 v23, v3  }
0x21f: {  	v5 =	vor.u32 $0xF, v5;
	[tilespmem:s21+$0xE160] =	vst v9  }
0x220: {  	v27 =	vld.idx.msk [tilespmem:v25+s2+$0x0], $0xffff;
	v3 =	vmul.f32 v3, v43  }
0x221: {  	v9 =	vld.idx.msk [tilespmem:v26+s2+$0x0], $0xffff  }
0x222: {  	[tilespmem:s18+$0xE330] =	vst v3  }
0x223: {  	v2 =	vld.idx.msk [tilespmem:v2+s2+$0x0], $0xffff  }
0x224: {  	v3 =	vld.idx.msk [tilespmem:v5+s2+$0x0], $0xffff;
	_ =	sdelay $0x1  }
0x225: {  	v29 =	vor.u32 $0x4, v53;
	v28 =	vadd.f32 v9, v27  }
0x226: {  	v30 =	vor.u32 $0xC, v54  }
0x227: {  	v5 =	vmul.f32 v28, v61  }
0x228: {  	v2 =	vadd.f32 v3, v2  }
0x229: {  	[tilespmem:s21+$0xE1E0] =	vst v5  }
0x22a: {  	v3 =	vld.idx.msk [tilespmem:v29+s2+$0x0], $0xffff;
	v2 =	vmul.f32 v2, v43  }
0x22b: {  	v31 =	vld.idx.msk [tilespmem:v30+s2+$0x0], $0xffff  }
0x22c: {  	[tilespmem:s18+$0xE3B0] =	vst v2  }
0x22d: {  	v2 =	vld [tilespmem:s19+$0x8040]  }
0x22e: {  	v32 =	vld [tilespmem:s19+$0x80C0];
	_ =	sdelay $0x1  }
0x22f: {  	v3 =	vadd.f32 v31, v3  }
0x230: {  	v33 =	vor.u32 $0x5, v53  }
0x231: {  	v34 =	vor.u32 $0xD, v54;
	v3 =	vmul.f32 v3, v61  }
0x232: {  	v2 =	vshll.u32 v2, $0x4;
	v5 =	vshll.u32 v32, $0x4  }
0x233: {  	[tilespmem:s21+$0xE260] =	vst v3;
	v3 =	vor.u32 $0x8, v5  }
0x234: {  	v35 =	vld [tilespmem:s20+$0xC040]  }
0x235: {  	v4 =	vld.idx.msk [tilespmem:v33+s2+$0x0], $0xffff  }
0x236: {  	v6 =	vld.idx.msk [tilespmem:v34+s2+$0x0], $0xffff  }
0x237: {  	v36 =	vld.idx.msk [tilespmem:v2+s2+$0x0], $0xffff  }
0x238: {  	v3 =	vld.idx.msk [tilespmem:v3+s2+$0x0], $0xffff;
	_ =	sdelay $0x2  }
0x239: {  	v37 =	vor.u32 $0x6, v53;
	v4 =	vadd.f32 v6, v4  }
0x23a: {  	v38 =	vor.u32 $0xE, v54;
	vm7 =	vgt.s32 v35, $0x1  }
0x23b: {  	v39 =	vor.u32 $0x1, v2;
	v4 =	vmul.f32 v4, v61;
	v3 =	vadd.f32 v3, v36  }
0x23c: {  	v40 =	vsel vm7, $0x3F000000, v1;
	v41 =	vor.u32 $0x9, v5  }
0x23d: {  	[tilespmem:s21+$0xE2E0] =	vst v4;
	v3 =	vmul.f32 v3, v40  }
0x23e: {  	v6 =	vld.idx.msk [tilespmem:v37+s2+$0x0], $0xffff  }
0x23f: {  	v12 =	vld.idx.msk [tilespmem:v38+s2+$0x0], $0xffff;
	[tilespmem:s18+$0xE040] =	vst v3  }
0x240: {  	v3 =	vld.idx.msk [tilespmem:v39+s2+$0x0], $0xffff  }
0x241: {  	v42 =	vld.idx.msk [tilespmem:v41+s2+$0x0], $0xffff;
	_ =	sdelay $0x2  }
0x242: {  	v7 =	vor.u32 $0x7, v53;
	v6 =	vadd.f32 v12, v6  }
0x243: {  	v8 =	vor.u32 $0xF, v54  }
0x244: {  	v43 =	vor.u32 $0x2, v2;
	v6 =	vmul.f32 v6, v61;
	v3 =	vadd.f32 v42, v3  }
0x245: {  	v44 =	vor.u32 $0xA, v5  }
0x246: {  	[tilespmem:s21+$0xE360] =	vst v6;
	v3 =	vmul.f32 v3, v40  }
0x247: {  	v7 =	vld.idx.msk [tilespmem:v7+s2+$0x0], $0xffff  }
0x248: {  	v8 =	vld.idx.msk [tilespmem:v8+s2+$0x0], $0xffff;
	[tilespmem:s18+$0xE0C0] =	vst v3  }
0x249: {  	v3 =	vld.idx.msk [tilespmem:v43+s2+$0x0], $0xffff  }
0x24a: {  	v6 =	vld.idx.msk [tilespmem:v44+s2+$0x0], $0xffff;
	_ =	sdelay $0x2  }
0x24b: {  	v7 =	vadd.f32 v8, v7;
	_ =	sdelay $0x1  }
0x24c: {  	v45 =	vor.u32 $0x3, v2;
	v7 =	vmul.f32 v7, v61;
	v3 =	vadd.f32 v6, v3  }
0x24d: {  	v46 =	vor.u32 $0xB, v5  }
0x24e: {  	[tilespmem:s21+$0xE3E0] =	vst v7;
	v3 =	vmul.f32 v3, v40  }
0x24f: {  	v47 =	vld [tilespmem:s23+$0x8070]  }
0x250: {  	v48 =	vld [tilespmem:s23+$0x80F0];
	[tilespmem:s18+$0xE140] =	vst v3  }
0x251: {  	v3 =	vld.idx.msk [tilespmem:v45+s2+$0x0], $0xffff  }
0x252: {  	v49 =	vld.idx.msk [tilespmem:v46+s2+$0x0], $0xffff;
	_ =	sdelay $0x2  }
0x253: {  	v50 =	vshll.u32 v47, $0x4;
	v51 =	vshll.u32 v48, $0x4  }
0x254: {  	v9 =	vor.u32 $0x8, v51  }
0x255: {  	v52 =	vor.u32 $0x4, v2;
	v3 =	vadd.f32 v49, v3  }
0x256: {  	v54 =	vor.u32 $0xC, v5  }
0x257: {  	v53 =	vld [tilespmem:s22+$0xC070];
	v3 =	vmul.f32 v3, v40  }
0x258: {  	v55 =	vld.idx.msk [tilespmem:v50+s2+$0x0], $0xffff  }
0x259: {  	v9 =	vld.idx.msk [tilespmem:v9+s2+$0x0], $0xffff;
	[tilespmem:s18+$0xE1C0] =	vst v3  }
0x25a: {  	v3 =	vld.idx.msk [tilespmem:v52+s2+$0x0], $0xffff  }
0x25b: {  	v56 =	vld.idx.msk [tilespmem:v54+s2+$0x0], $0xffff;
	_ =	sdelay $0x2  }
0x25c: {  	vm8 =	vgt.s32 v53, $0x1;
	v57 =	vor.u32 $0x1, v50;
	v9 =	vadd.f32 v9, v55  }
0x25d: {  	v58 =	vsel vm8, $0x3F000000, v1;
	v59 =	vor.u32 $0x9, v51  }
0x25e: {  	v60 =	vor.u32 $0x5, v2;
	v9 =	vmul.f32 v9, v58;
	v3 =	vadd.f32 v56, v3  }
0x25f: {  	v61 =	vor.u32 $0xD, v5  }
0x260: {  	[tilespmem:s21+$0xE070] =	vst v9;
	v3 =	vmul.f32 v3, v40  }
0x261: {  	v10 =	vld.idx.msk [tilespmem:v57+s2+$0x0], $0xffff  }
0x262: {  	v12 =	vld.idx.msk [tilespmem:v59+s2+$0x0], $0xffff;
	[tilespmem:s18+$0xE240] =	vst v3  }
0x263: {  	v3 =	vld.idx.msk [tilespmem:v60+s2+$0x0], $0xffff  }
0x264: {  	v62 =	vld.idx.msk [tilespmem:v61+s2+$0x0], $0xffff;
	_ =	sdelay $0x2  }
0x265: {  	v16 =	vor.u32 $0x2, v50;
	v63 =	vadd.f32 v12, v10  }
0x266: {  	v17 =	vor.u32 $0xA, v51  }
0x267: {  	v18 =	vor.u32 $0x6, v2;
	v9 =	vmul.f32 v63, v58;
	v3 =	vadd.f32 v62, v3  }
0x268: {  	v19 =	vor.u32 $0xE, v5  }
0x269: {  	[tilespmem:s21+$0xE0F0] =	vst v9;
	v3 =	vmul.f32 v3, v40  }
0x26a: {  	v10 =	vld.idx.msk [tilespmem:v16+s2+$0x0], $0xffff  }
0x26b: {  	v12 =	vld.idx.msk [tilespmem:v17+s2+$0x0], $0xffff;
	[tilespmem:s18+$0xE2C0] =	vst v3  }
0x26c: {  	v3 =	vld.idx.msk [tilespmem:v18+s2+$0x0], $0xffff  }
0x26d: {  	v20 =	vld.idx.msk [tilespmem:v19+s2+$0x0], $0xffff;
	_ =	sdelay $0x2  }
0x26e: {  	v22 =	vor.u32 $0x3, v50;
	v21 =	vadd.f32 v12, v10  }
0x26f: {  	v23 =	vor.u32 $0xB, v51  }
0x270: {  	v2 =	vor.u32 $0x7, v2;
	v9 =	vmul.f32 v21, v58;
	v3 =	vadd.f32 v20, v3  }
0x271: {  	v5 =	vor.u32 $0xF, v5  }
0x272: {  	[tilespmem:s21+$0xE170] =	vst v9;
	v3 =	vmul.f32 v3, v40  }
0x273: {  	v24 =	vld.idx.msk [tilespmem:v22+s2+$0x0], $0xffff  }
0x274: {  	v9 =	vld.idx.msk [tilespmem:v23+s2+$0x0], $0xffff;
	[tilespmem:s18+$0xE340] =	vst v3  }
0x275: {  	v2 =	vld.idx.msk [tilespmem:v2+s2+$0x0], $0xffff  }
0x276: {  	v3 =	vld.idx.msk [tilespmem:v5+s2+$0x0], $0xffff;
	_ =	sdelay $0x2  }
0x277: {  	v26 =	vor.u32 $0x4, v50;
	v25 =	vadd.f32 v9, v24  }
0x278: {  	v27 =	vor.u32 $0xC, v51  }
0x279: {  	v5 =	vmul.f32 v25, v58;
	v2 =	vadd.f32 v3, v2;
	_ =	sdelay $0x1  }
0x27a: {  	[tilespmem:s21+$0xE1F0] =	vst v5;
	v2 =	vmul.f32 v2, v40  }
0x27b: {  	v3 =	vld.idx.msk [tilespmem:v26+s2+$0x0], $0xffff  }
0x27c: {  	v28 =	vld.idx.msk [tilespmem:v27+s2+$0x0], $0xffff;
	[tilespmem:s18+$0xE3C0] =	vst v2  }
0x27d: {  	v2 =	vld [tilespmem:s19+$0x8050]  }
0x27e: {  	v29 =	vld [tilespmem:s19+$0x80D0];
	_ =	sdelay $0x2  }
0x27f: {  	v30 =	vor.u32 $0x5, v50;
	v3 =	vadd.f32 v28, v3  }
0x280: {  	v31 =	vor.u32 $0xD, v51  }
0x281: {  	v32 =	vmul.f32 v3, v58;
	v4 =	vshll.u32 v2, $0x4;
	v3 =	vshll.u32 v29, $0x4  }
0x282: {  	v2 =	vor.u32 $0x8, v3  }
0x283: {  	v35 =	vld [tilespmem:s20+$0xC050];
	[tilespmem:s21+$0xE270] =	vst v32  }
0x284: {  	v33 =	vld.idx.msk [tilespmem:v30+s2+$0x0], $0xffff  }
0x285: {  	v34 =	vld.idx.msk [tilespmem:v31+s2+$0x0], $0xffff  }
0x286: {  	v36 =	vld.idx.msk [tilespmem:v4+s2+$0x0], $0xffff  }
0x287: {  	v2 =	vld.idx.msk [tilespmem:v2+s2+$0x0], $0xffff;
	_ =	sdelay $0x2  }
0x288: {  	v37 =	vor.u32 $0x6, v50;
	v5 =	vadd.f32 v34, v33  }
0x289: {  	v38 =	vor.u32 $0xE, v51;
	vm9 =	vgt.s32 v35, $0x1  }
0x28a: {  	v40 =	vor.u32 $0x1, v4;
	v5 =	vmul.f32 v5, v58;
	v39 =	vadd.f32 v2, v36  }
0x28b: {  	v13 =	vor.u32 $0x9, v3;
	v2 =	vsel vm9, $0x3F000000, v1  }
0x28c: {  	[tilespmem:s21+$0xE2F0] =	vst v5;
	v41 =	vmul.f32 v39, v2  }
0x28d: {  	v6 =	vld.idx.msk [tilespmem:v37+s2+$0x0], $0xffff  }
0x28e: {  	v42 =	vld.idx.msk [tilespmem:v38+s2+$0x0], $0xffff;
	[tilespmem:s18+$0xE050] =	vst v41  }
0x28f: {  	v5 =	vld.idx.msk [tilespmem:v40+s2+$0x0], $0xffff  }
0x290: {  	v43 =	vld.idx.msk [tilespmem:v13+s2+$0x0], $0xffff;
	_ =	sdelay $0x3  }
0x291: {  	v7 =	vor.u32 $0x7, v50;
	v6 =	vadd.f32 v42, v6  }
0x292: {  	v44 =	vor.u32 $0x2, v4;
	v5 =	vadd.f32 v43, v5  }
0x293: {  	v45 =	vor.u32 $0xA, v3;
	v6 =	vmul.f32 v6, v58  }
0x294: {  	v8 =	vor.u32 $0xF, v51;
	v5 =	vmul.f32 v5, v2  }
0x295: {  	[tilespmem:s21+$0xE370] =	vst v6  }
0x296: {  	v6 =	vld.idx.msk [tilespmem:v7+s2+$0x0], $0xffff;
	[tilespmem:s18+$0xE0D0] =	vst v5  }
0x297: {  	v5 =	vld.idx.msk [tilespmem:v44+s2+$0x0], $0xffff  }
0x298: {  	v46 =	vld.idx.msk [tilespmem:v45+s2+$0x0], $0xffff  }
0x299: {  	v8 =	vld.idx.msk [tilespmem:v8+s2+$0x0], $0xffff;
	_ =	sdelay $0x3  }
0x29a: {  	v47 =	vor.u32 $0x3, v4;
	v5 =	vadd.f32 v46, v5  }
0x29b: {  	v48 =	vor.u32 $0xB, v3;
	v6 =	vadd.f32 v8, v6  }
0x29c: {  	v5 =	vmul.f32 v5, v2  }
0x29d: {  	v6 =	vmul.f32 v6, v58  }
0x29e: {  	s31 =	sor.u32 $0x2, s17;
	[tilespmem:s18+$0xE150] =	vst v5  }
0x29f: {  	s23 =	sshll.u32 s31, $0xA;
	[tilespmem:s21+$0xE3F0] =	vst v6;
	v5 =	vld.idx.msk [tilespmem:v47+s2+$0x0], $0xffff  }
0x2a0: {  	s24 =	sshra.s32 s23, $0x2;
	v6 =	vld.idx.msk [tilespmem:v48+s2+$0x0], $0xffff  }
0x2a1: {  	s25 =	sor.u32 $0x3, s17;
	v49 =	vld [tilespmem:s24+$0x8000]  }
0x2a2: {  	s28 =	sshll.u32 s25, $0xA;
	v8 =	vld [tilespmem:s24+$0x8080]  }
0x2a3: {  	s26 =	sshra.s32 s28, $0x2  }
0x2a4: {  	v50 =	vld [tilespmem:s26+$0x8000]  }
0x2a5: {  	v51 =	vld [tilespmem:s26+$0x8080];
	_ =	sdelay $0x1  }
0x2a6: {  	v7 =	vshll.u32 v49, $0x4;
	v8 =	vshll.u32 v8, $0x4  }
0x2a7: {  	v52 =	vor.u32 $0x8, v8  }
0x2a8: {  	s22 =	sshll.u32 s31, $0x7  }
0x2a9: {  	s31 =	sand.u32 $0x3FFFFF80, s22;
	v9 =	vshll.u32 v50, $0x4;
	v10 =	vshll.u32 v51, $0x4  }
0x2aa: {  	v53 =	vld [tilespmem:s31+$0xC000];
	v54 =	vor.u32 $0x8, v10  }
0x2ab: {  	s29 =	sshll.u32 s25, $0x7;
	v14 =	vld.idx.msk [tilespmem:v7+s2+$0x0], $0xffff  }
0x2ac: {  	s25 =	sand.u32 $0x3FFFFF80, s29;
	v11 =	vld.idx.msk [tilespmem:v52+s2+$0x0], $0xffff  }
0x2ad: {  	v15 =	vld [tilespmem:s25+$0xC000]  }
0x2ae: {  	v16 =	vld.idx.msk [tilespmem:v9+s2+$0x0], $0xffff  }
0x2af: {  	v13 =	vld.idx.msk [tilespmem:v54+s2+$0x0], $0xffff;
	_ =	sdelay $0x1  }
0x2b0: {  	vm10 =	vgt.s32 v53, $0x1;
	v55 =	vor.u32 $0x1, v7;
	v11 =	vadd.f32 v11, v14  }
0x2b1: {  	v56 =	vsel vm10, $0x3F000000, v1;
	v17 =	vor.u32 $0x9, v8  }
0x2b2: {  	v11 =	vmul.f32 v11, v56  }
0x2b3: {  	s21 =	sand.u32 $0x3FFFFC00, s23;
	vm11 =	vgt.s32 v15, $0x1;
	v57 =	vor.u32 $0x1, v9;
	v13 =	vadd.f32 v13, v16  }
0x2b4: {  	v58 =	vsel vm11, $0x3F000000, v1;
	v59 =	vor.u32 $0x9, v10;
	[tilespmem:s21+$0xE000] =	vst v11  }
0x2b5: {  	v13 =	vmul.f32 v13, v58;
	v12 =	vld.idx.msk [tilespmem:v55+s2+$0x0], $0xffff  }
0x2b6: {  	s30 =	sand.u32 $0x3FFFFC00, s28;
	v17 =	vld.idx.msk [tilespmem:v17+s2+$0x0], $0xffff  }
0x2b7: {  	[tilespmem:s30+$0xE000] =	vst v13  }
0x2b8: {  	v13 =	vld.idx.msk [tilespmem:v57+s2+$0x0], $0xffff  }
0x2b9: {  	v60 =	vld.idx.msk [tilespmem:v59+s2+$0x0], $0xffff;
	_ =	sdelay $0x1  }
0x2ba: {  	v61 =	vor.u32 $0x2, v7;
	v12 =	vadd.f32 v17, v12  }
0x2bb: {  	v62 =	vor.u32 $0xA, v8  }
0x2bc: {  	v12 =	vmul.f32 v12, v56  }
0x2bd: {  	v63 =	vor.u32 $0x2, v9;
	v13 =	vadd.f32 v60, v13  }
0x2be: {  	v20 =	vor.u32 $0xA, v10;
	[tilespmem:s21+$0xE080] =	vst v12  }
0x2bf: {  	v13 =	vmul.f32 v13, v58;
	v16 =	vld.idx.msk [tilespmem:v61+s2+$0x0], $0xffff  }
0x2c0: {  	v17 =	vld.idx.msk [tilespmem:v62+s2+$0x0], $0xffff  }
0x2c1: {  	[tilespmem:s30+$0xE080] =	vst v13  }
0x2c2: {  	v13 =	vld.idx.msk [tilespmem:v63+s2+$0x0], $0xffff  }
0x2c3: {  	v12 =	vld.idx.msk [tilespmem:v20+s2+$0x0], $0xffff;
	_ =	sdelay $0x1  }
0x2c4: {  	v22 =	vor.u32 $0x3, v7;
	v21 =	vadd.f32 v17, v16  }
0x2c5: {  	v23 =	vor.u32 $0xB, v8  }
0x2c6: {  	v15 =	vmul.f32 v21, v56  }
0x2c7: {  	v24 =	vor.u32 $0x3, v9;
	v12 =	vadd.f32 v12, v13  }
0x2c8: {  	v25 =	vor.u32 $0xB, v10;
	[tilespmem:s21+$0xE100] =	vst v15  }
0x2c9: {  	v12 =	vmul.f32 v12, v58;
	v16 =	vld.idx.msk [tilespmem:v22+s2+$0x0], $0xffff  }
0x2ca: {  	v17 =	vld.idx.msk [tilespmem:v23+s2+$0x0], $0xffff  }
0x2cb: {  	[tilespmem:s30+$0xE100] =	vst v12  }
0x2cc: {  	v12 =	vld.idx.msk [tilespmem:v24+s2+$0x0], $0xffff  }
0x2cd: {  	v26 =	vld.idx.msk [tilespmem:v25+s2+$0x0], $0xffff;
	_ =	sdelay $0x1  }
0x2ce: {  	v28 =	vor.u32 $0x4, v7;
	v27 =	vadd.f32 v17, v16  }
0x2cf: {  	v29 =	vor.u32 $0xC, v8  }
0x2d0: {  	v15 =	vmul.f32 v27, v56  }
0x2d1: {  	v30 =	vor.u32 $0x4, v9;
	v12 =	vadd.f32 v26, v12  }
0x2d2: {  	v31 =	vor.u32 $0xC, v10;
	[tilespmem:s21+$0xE180] =	vst v15  }
0x2d3: {  	v12 =	vmul.f32 v12, v58;
	v16 =	vld.idx.msk [tilespmem:v28+s2+$0x0], $0xffff  }
0x2d4: {  	v17 =	vld.idx.msk [tilespmem:v29+s2+$0x0], $0xffff  }
0x2d5: {  	[tilespmem:s30+$0xE180] =	vst v12  }
0x2d6: {  	v12 =	vld.idx.msk [tilespmem:v30+s2+$0x0], $0xffff  }
0x2d7: {  	v32 =	vld.idx.msk [tilespmem:v31+s2+$0x0], $0xffff;
	_ =	sdelay $0x1  }
0x2d8: {  	v34 =	vor.u32 $0x5, v7;
	v33 =	vadd.f32 v17, v16  }
0x2d9: {  	v35 =	vor.u32 $0xD, v8  }
0x2da: {  	v15 =	vmul.f32 v33, v56  }
0x2db: {  	v36 =	vor.u32 $0x5, v9;
	v12 =	vadd.f32 v32, v12  }
0x2dc: {  	v37 =	vor.u32 $0xD, v10;
	[tilespmem:s21+$0xE200] =	vst v15  }
0x2dd: {  	v12 =	vmul.f32 v12, v58;
	v16 =	vld.idx.msk [tilespmem:v34+s2+$0x0], $0xffff  }
0x2de: {  	v17 =	vld.idx.msk [tilespmem:v35+s2+$0x0], $0xffff  }
0x2df: {  	[tilespmem:s30+$0xE200] =	vst v12  }
0x2e0: {  	v12 =	vld.idx.msk [tilespmem:v36+s2+$0x0], $0xffff  }
0x2e1: {  	v38 =	vld.idx.msk [tilespmem:v37+s2+$0x0], $0xffff;
	_ =	sdelay $0x1  }
0x2e2: {  	v40 =	vor.u32 $0x6, v7;
	v39 =	vadd.f32 v17, v16  }
0x2e3: {  	v41 =	vor.u32 $0xE, v8  }
0x2e4: {  	v15 =	vmul.f32 v39, v56  }
0x2e5: {  	v42 =	vor.u32 $0x6, v9;
	v12 =	vadd.f32 v38, v12  }
0x2e6: {  	v43 =	vor.u32 $0xE, v10;
	[tilespmem:s21+$0xE280] =	vst v15  }
0x2e7: {  	v12 =	vmul.f32 v12, v58;
	v16 =	vld.idx.msk [tilespmem:v40+s2+$0x0], $0xffff  }
0x2e8: {  	v17 =	vld.idx.msk [tilespmem:v41+s2+$0x0], $0xffff  }
0x2e9: {  	[tilespmem:s30+$0xE280] =	vst v12  }
0x2ea: {  	v12 =	vld.idx.msk [tilespmem:v42+s2+$0x0], $0xffff  }
0x2eb: {  	v44 =	vld.idx.msk [tilespmem:v43+s2+$0x0], $0xffff;
	_ =	sdelay $0x1  }
0x2ec: {  	v7 =	vor.u32 $0x7, v7;
	v45 =	vadd.f32 v17, v16  }
0x2ed: {  	v8 =	vor.u32 $0xF, v8  }
0x2ee: {  	v15 =	vmul.f32 v45, v56  }
0x2ef: {  	v9 =	vor.u32 $0x7, v9;
	v12 =	vadd.f32 v44, v12  }
0x2f0: {  	v10 =	vor.u32 $0xF, v10;
	[tilespmem:s21+$0xE300] =	vst v15  }
0x2f1: {  	v12 =	vmul.f32 v12, v58;
	v7 =	vld.idx.msk [tilespmem:v7+s2+$0x0], $0xffff  }
0x2f2: {  	v8 =	vld.idx.msk [tilespmem:v8+s2+$0x0], $0xffff  }
0x2f3: {  	[tilespmem:s30+$0xE300] =	vst v12  }
0x2f4: {  	v9 =	vld.idx.msk [tilespmem:v9+s2+$0x0], $0xffff  }
0x2f5: {  	v10 =	vld.idx.msk [tilespmem:v10+s2+$0x0], $0xffff;
	_ =	sdelay $0x1  }
0x2f6: {  	v7 =	vadd.f32 v8, v7;
	_ =	sdelay $0x1  }
0x2f7: {  	v7 =	vmul.f32 v7, v56  }
0x2f8: {  	v46 =	vadd.f32 v10, v9  }
0x2f9: {  	[tilespmem:s21+$0xE380] =	vst v7  }
0x2fa: {  	v8 =	vmul.f32 v46, v58;
	v7 =	vld [tilespmem:s24+$0x8010]  }
0x2fb: {  	v47 =	vld [tilespmem:s24+$0x8090]  }
0x2fc: {  	[tilespmem:s30+$0xE380] =	vst v8  }
0x2fd: {  	v8 =	vld [tilespmem:s26+$0x8010]  }
0x2fe: {  	v48 =	vld [tilespmem:s26+$0x8090];
	_ =	sdelay $0x1  }
0x2ff: {  	v7 =	vshll.u32 v7, $0x4;
	v9 =	vshll.u32 v47, $0x4  }
0x300: {  	v49 =	vor.u32 $0x8, v9;
	_ =	sdelay $0x1  }
0x301: {  	v8 =	vshll.u32 v8, $0x4;
	v10 =	vshll.u32 v48, $0x4  }
0x302: {  	v50 =	vld [tilespmem:s31+$0xC010];
	v51 =	vor.u32 $0x8, v10  }
0x303: {  	v52 =	vld.idx.msk [tilespmem:v7+s2+$0x0], $0xffff  }
0x304: {  	v11 =	vld.idx.msk [tilespmem:v49+s2+$0x0], $0xffff  }
0x305: {  	v53 =	vld [tilespmem:s25+$0xC010]  }
0x306: {  	v54 =	vld.idx.msk [tilespmem:v8+s2+$0x0], $0xffff  }
0x307: {  	v13 =	vld.idx.msk [tilespmem:v51+s2+$0x0], $0xffff;
	_ =	sdelay $0x1  }
0x308: {  	vm12 =	vgt.s32 v50, $0x1;
	v55 =	vor.u32 $0x1, v7;
	v11 =	vadd.f32 v11, v52  }
0x309: {  	v56 =	vsel vm12, $0x3F000000, v1;
	v57 =	vor.u32 $0x9, v9  }
0x30a: {  	v11 =	vmul.f32 v11, v56  }
0x30b: {  	vm13 =	vgt.s32 v53, $0x1;
	v58 =	vor.u32 $0x1, v8;
	v13 =	vadd.f32 v13, v54  }
0x30c: {  	v59 =	vsel vm13, $0x3F000000, v1;
	v60 =	vor.u32 $0x9, v10;
	[tilespmem:s21+$0xE010] =	vst v11  }
0x30d: {  	v13 =	vmul.f32 v13, v59;
	v12 =	vld.idx.msk [tilespmem:v55+s2+$0x0], $0xffff  }
0x30e: {  	v17 =	vld.idx.msk [tilespmem:v57+s2+$0x0], $0xffff  }
0x30f: {  	[tilespmem:s30+$0xE010] =	vst v13  }
0x310: {  	v13 =	vld.idx.msk [tilespmem:v58+s2+$0x0], $0xffff  }
0x311: {  	v61 =	vld.idx.msk [tilespmem:v60+s2+$0x0], $0xffff;
	_ =	sdelay $0x1  }
0x312: {  	v62 =	vor.u32 $0x2, v7;
	v12 =	vadd.f32 v17, v12  }
0x313: {  	v63 =	vor.u32 $0xA, v9  }
0x314: {  	v12 =	vmul.f32 v12, v56  }
0x315: {  	v20 =	vor.u32 $0x2, v8;
	v13 =	vadd.f32 v61, v13  }
0x316: {  	v21 =	vor.u32 $0xA, v10;
	[tilespmem:s21+$0xE090] =	vst v12  }
0x317: {  	v13 =	vmul.f32 v13, v59;
	v16 =	vld.idx.msk [tilespmem:v62+s2+$0x0], $0xffff  }
0x318: {  	v17 =	vld.idx.msk [tilespmem:v63+s2+$0x0], $0xffff  }
0x319: {  	[tilespmem:s30+$0xE090] =	vst v13  }
0x31a: {  	v13 =	vld.idx.msk [tilespmem:v20+s2+$0x0], $0xffff  }
0x31b: {  	v12 =	vld.idx.msk [tilespmem:v21+s2+$0x0], $0xffff;
	_ =	sdelay $0x1  }
0x31c: {  	v23 =	vor.u32 $0x3, v7;
	v22 =	vadd.f32 v17, v16  }
0x31d: {  	v24 =	vor.u32 $0xB, v9  }
0x31e: {  	v15 =	vmul.f32 v22, v56  }
0x31f: {  	v25 =	vor.u32 $0x3, v8;
	v12 =	vadd.f32 v12, v13  }
0x320: {  	v26 =	vor.u32 $0xB, v10;
	[tilespmem:s21+$0xE110] =	vst v15  }
0x321: {  	v12 =	vmul.f32 v12, v59;
	v16 =	vld.idx.msk [tilespmem:v23+s2+$0x0], $0xffff  }
0x322: {  	v17 =	vld.idx.msk [tilespmem:v24+s2+$0x0], $0xffff  }
0x323: {  	[tilespmem:s30+$0xE110] =	vst v12  }
0x324: {  	v12 =	vld.idx.msk [tilespmem:v25+s2+$0x0], $0xffff  }
0x325: {  	v27 =	vld.idx.msk [tilespmem:v26+s2+$0x0], $0xffff;
	_ =	sdelay $0x1  }
0x326: {  	v29 =	vor.u32 $0x4, v7;
	v28 =	vadd.f32 v17, v16  }
0x327: {  	v30 =	vor.u32 $0xC, v9  }
0x328: {  	v15 =	vmul.f32 v28, v56  }
0x329: {  	v31 =	vor.u32 $0x4, v8;
	v12 =	vadd.f32 v27, v12  }
0x32a: {  	v32 =	vor.u32 $0xC, v10;
	[tilespmem:s21+$0xE190] =	vst v15  }
0x32b: {  	v12 =	vmul.f32 v12, v59;
	v16 =	vld.idx.msk [tilespmem:v29+s2+$0x0], $0xffff  }
0x32c: {  	v17 =	vld.idx.msk [tilespmem:v30+s2+$0x0], $0xffff  }
0x32d: {  	[tilespmem:s30+$0xE190] =	vst v12  }
0x32e: {  	v12 =	vld.idx.msk [tilespmem:v31+s2+$0x0], $0xffff  }
0x32f: {  	v33 =	vld.idx.msk [tilespmem:v32+s2+$0x0], $0xffff;
	_ =	sdelay $0x1  }
0x330: {  	v35 =	vor.u32 $0x5, v7;
	v34 =	vadd.f32 v17, v16  }
0x331: {  	v36 =	vor.u32 $0xD, v9  }
0x332: {  	v15 =	vmul.f32 v34, v56  }
0x333: {  	v37 =	vor.u32 $0x5, v8;
	v12 =	vadd.f32 v33, v12  }
0x334: {  	v38 =	vor.u32 $0xD, v10;
	[tilespmem:s21+$0xE210] =	vst v15  }
0x335: {  	v12 =	vmul.f32 v12, v59;
	v16 =	vld.idx.msk [tilespmem:v35+s2+$0x0], $0xffff  }
0x336: {  	v17 =	vld.idx.msk [tilespmem:v36+s2+$0x0], $0xffff  }
0x337: {  	[tilespmem:s30+$0xE210] =	vst v12  }
0x338: {  	v12 =	vld.idx.msk [tilespmem:v37+s2+$0x0], $0xffff  }
0x339: {  	v39 =	vld.idx.msk [tilespmem:v38+s2+$0x0], $0xffff;
	_ =	sdelay $0x1  }
0x33a: {  	v41 =	vor.u32 $0x6, v7;
	v40 =	vadd.f32 v17, v16  }
0x33b: {  	v42 =	vor.u32 $0xE, v9  }
0x33c: {  	v15 =	vmul.f32 v40, v56  }
0x33d: {  	v43 =	vor.u32 $0x6, v8;
	v12 =	vadd.f32 v39, v12  }
0x33e: {  	v44 =	vor.u32 $0xE, v10;
	[tilespmem:s21+$0xE290] =	vst v15  }
0x33f: {  	v12 =	vmul.f32 v12, v59;
	v16 =	vld.idx.msk [tilespmem:v41+s2+$0x0], $0xffff  }
0x340: {  	v17 =	vld.idx.msk [tilespmem:v42+s2+$0x0], $0xffff  }
0x341: {  	[tilespmem:s30+$0xE290] =	vst v12  }
0x342: {  	v12 =	vld.idx.msk [tilespmem:v43+s2+$0x0], $0xffff  }
0x343: {  	v45 =	vld.idx.msk [tilespmem:v44+s2+$0x0], $0xffff;
	_ =	sdelay $0x1  }
0x344: {  	v7 =	vor.u32 $0x7, v7;
	v46 =	vadd.f32 v17, v16  }
0x345: {  	v9 =	vor.u32 $0xF, v9  }
0x346: {  	v15 =	vmul.f32 v46, v56  }
0x347: {  	v8 =	vor.u32 $0x7, v8;
	v12 =	vadd.f32 v45, v12  }
0x348: {  	v10 =	vor.u32 $0xF, v10;
	[tilespmem:s21+$0xE310] =	vst v15  }
0x349: {  	v12 =	vmul.f32 v12, v59;
	v7 =	vld.idx.msk [tilespmem:v7+s2+$0x0], $0xffff  }
0x34a: {  	v9 =	vld.idx.msk [tilespmem:v9+s2+$0x0], $0xffff  }
0x34b: {  	[tilespmem:s30+$0xE310] =	vst v12  }
0x34c: {  	v8 =	vld.idx.msk [tilespmem:v8+s2+$0x0], $0xffff  }
0x34d: {  	v10 =	vld.idx.msk [tilespmem:v10+s2+$0x0], $0xffff;
	_ =	sdelay $0x1  }
0x34e: {  	v7 =	vadd.f32 v9, v7;
	_ =	sdelay $0x1  }
0x34f: {  	v7 =	vmul.f32 v7, v56  }
0x350: {  	v8 =	vadd.f32 v10, v8  }
0x351: {  	[tilespmem:s21+$0xE390] =	vst v7  }
0x352: {  	v8 =	vmul.f32 v8, v59;
	v7 =	vld [tilespmem:s24+$0x8020]  }
0x353: {  	v47 =	vld [tilespmem:s24+$0x80A0]  }
0x354: {  	[tilespmem:s30+$0xE390] =	vst v8  }
0x355: {  	v8 =	vld [tilespmem:s26+$0x8020]  }
0x356: {  	v48 =	vld [tilespmem:s26+$0x80A0];
	_ =	sdelay $0x1  }
0x357: {  	v7 =	vshll.u32 v7, $0x4;
	v9 =	vshll.u32 v47, $0x4  }
0x358: {  	v49 =	vor.u32 $0x8, v9;
	_ =	sdelay $0x1  }
0x359: {  	v8 =	vshll.u32 v8, $0x4;
	v10 =	vshll.u32 v48, $0x4  }
0x35a: {  	v50 =	vld [tilespmem:s31+$0xC020];
	v51 =	vor.u32 $0x8, v10  }
0x35b: {  	v52 =	vld.idx.msk [tilespmem:v7+s2+$0x0], $0xffff  }
0x35c: {  	v11 =	vld.idx.msk [tilespmem:v49+s2+$0x0], $0xffff  }
0x35d: {  	v53 =	vld [tilespmem:s25+$0xC020]  }
0x35e: {  	v54 =	vld.idx.msk [tilespmem:v8+s2+$0x0], $0xffff  }
0x35f: {  	v13 =	vld.idx.msk [tilespmem:v51+s2+$0x0], $0xffff;
	_ =	sdelay $0x1  }
0x360: {  	vm14 =	vgt.s32 v50, $0x1;
	v55 =	vor.u32 $0x1, v7;
	v11 =	vadd.f32 v11, v52  }
0x361: {  	v56 =	vsel vm14, $0x3F000000, v1;
	v57 =	vor.u32 $0x9, v9  }
0x362: {  	v11 =	vmul.f32 v11, v56  }
0x363: {  	vm15 =	vgt.s32 v53, $0x1;
	v58 =	vor.u32 $0x1, v8;
	v13 =	vadd.f32 v13, v54  }
0x364: {  	v59 =	vsel vm15, $0x3F000000, v1;
	v60 =	vor.u32 $0x9, v10;
	[tilespmem:s21+$0xE020] =	vst v11  }
0x365: {  	v13 =	vmul.f32 v13, v59;
	v12 =	vld.idx.msk [tilespmem:v55+s2+$0x0], $0xffff  }
0x366: {  	v17 =	vld.idx.msk [tilespmem:v57+s2+$0x0], $0xffff  }
0x367: {  	[tilespmem:s30+$0xE020] =	vst v13  }
0x368: {  	v13 =	vld.idx.msk [tilespmem:v58+s2+$0x0], $0xffff  }
0x369: {  	v61 =	vld.idx.msk [tilespmem:v60+s2+$0x0], $0xffff;
	_ =	sdelay $0x1  }
0x36a: {  	v62 =	vor.u32 $0x2, v7;
	v12 =	vadd.f32 v17, v12  }
0x36b: {  	v63 =	vor.u32 $0xA, v9  }
0x36c: {  	v12 =	vmul.f32 v12, v56  }
0x36d: {  	v20 =	vor.u32 $0x2, v8;
	v13 =	vadd.f32 v61, v13  }
0x36e: {  	v21 =	vor.u32 $0xA, v10;
	[tilespmem:s21+$0xE0A0] =	vst v12  }
0x36f: {  	v13 =	vmul.f32 v13, v59;
	v16 =	vld.idx.msk [tilespmem:v62+s2+$0x0], $0xffff  }
0x370: {  	v17 =	vld.idx.msk [tilespmem:v63+s2+$0x0], $0xffff  }
0x371: {  	[tilespmem:s30+$0xE0A0] =	vst v13  }
0x372: {  	v13 =	vld.idx.msk [tilespmem:v20+s2+$0x0], $0xffff  }
0x373: {  	v12 =	vld.idx.msk [tilespmem:v21+s2+$0x0], $0xffff;
	_ =	sdelay $0x1  }
0x374: {  	v23 =	vor.u32 $0x3, v7;
	v22 =	vadd.f32 v17, v16  }
0x375: {  	v24 =	vor.u32 $0xB, v9  }
0x376: {  	v15 =	vmul.f32 v22, v56  }
0x377: {  	v25 =	vor.u32 $0x3, v8;
	v12 =	vadd.f32 v12, v13  }
0x378: {  	v26 =	vor.u32 $0xB, v10;
	[tilespmem:s21+$0xE120] =	vst v15  }
0x379: {  	v12 =	vmul.f32 v12, v59;
	v16 =	vld.idx.msk [tilespmem:v23+s2+$0x0], $0xffff  }
0x37a: {  	v17 =	vld.idx.msk [tilespmem:v24+s2+$0x0], $0xffff  }
0x37b: {  	[tilespmem:s30+$0xE120] =	vst v12  }
0x37c: {  	v12 =	vld.idx.msk [tilespmem:v25+s2+$0x0], $0xffff  }
0x37d: {  	v27 =	vld.idx.msk [tilespmem:v26+s2+$0x0], $0xffff;
	_ =	sdelay $0x1  }
0x37e: {  	v29 =	vor.u32 $0x4, v7;
	v28 =	vadd.f32 v17, v16  }
0x37f: {  	v30 =	vor.u32 $0xC, v9  }
0x380: {  	v15 =	vmul.f32 v28, v56  }
0x381: {  	v31 =	vor.u32 $0x4, v8;
	v12 =	vadd.f32 v27, v12  }
0x382: {  	v32 =	vor.u32 $0xC, v10;
	[tilespmem:s21+$0xE1A0] =	vst v15  }
0x383: {  	v12 =	vmul.f32 v12, v59;
	v16 =	vld.idx.msk [tilespmem:v29+s2+$0x0], $0xffff  }
0x384: {  	v17 =	vld.idx.msk [tilespmem:v30+s2+$0x0], $0xffff  }
0x385: {  	[tilespmem:s30+$0xE1A0] =	vst v12  }
0x386: {  	v12 =	vld.idx.msk [tilespmem:v31+s2+$0x0], $0xffff  }
0x387: {  	v33 =	vld.idx.msk [tilespmem:v32+s2+$0x0], $0xffff;
	_ =	sdelay $0x1  }
0x388: {  	v35 =	vor.u32 $0x5, v7;
	v34 =	vadd.f32 v17, v16  }
0x389: {  	v36 =	vor.u32 $0xD, v9  }
0x38a: {  	v15 =	vmul.f32 v34, v56  }
0x38b: {  	v37 =	vor.u32 $0x5, v8;
	v12 =	vadd.f32 v33, v12  }
0x38c: {  	v38 =	vor.u32 $0xD, v10;
	[tilespmem:s21+$0xE220] =	vst v15  }
0x38d: {  	v12 =	vmul.f32 v12, v59;
	v16 =	vld.idx.msk [tilespmem:v35+s2+$0x0], $0xffff  }
0x38e: {  	v17 =	vld.idx.msk [tilespmem:v36+s2+$0x0], $0xffff  }
0x38f: {  	[tilespmem:s30+$0xE220] =	vst v12  }
0x390: {  	v12 =	vld.idx.msk [tilespmem:v37+s2+$0x0], $0xffff  }
0x391: {  	v39 =	vld.idx.msk [tilespmem:v38+s2+$0x0], $0xffff;
	_ =	sdelay $0x1  }
0x392: {  	v41 =	vor.u32 $0x6, v7;
	v40 =	vadd.f32 v17, v16  }
0x393: {  	v42 =	vor.u32 $0xE, v9  }
0x394: {  	v15 =	vmul.f32 v40, v56  }
0x395: {  	v43 =	vor.u32 $0x6, v8;
	v12 =	vadd.f32 v39, v12  }
0x396: {  	v44 =	vor.u32 $0xE, v10;
	[tilespmem:s21+$0xE2A0] =	vst v15  }
0x397: {  	v12 =	vmul.f32 v12, v59;
	v16 =	vld.idx.msk [tilespmem:v41+s2+$0x0], $0xffff  }
0x398: {  	v17 =	vld.idx.msk [tilespmem:v42+s2+$0x0], $0xffff  }
0x399: {  	[tilespmem:s30+$0xE2A0] =	vst v12  }
0x39a: {  	v12 =	vld.idx.msk [tilespmem:v43+s2+$0x0], $0xffff  }
0x39b: {  	v45 =	vld.idx.msk [tilespmem:v44+s2+$0x0], $0xffff;
	_ =	sdelay $0x1  }
0x39c: {  	v7 =	vor.u32 $0x7, v7;
	v46 =	vadd.f32 v17, v16  }
0x39d: {  	v9 =	vor.u32 $0xF, v9  }
0x39e: {  	v15 =	vmul.f32 v46, v56  }
0x39f: {  	v8 =	vor.u32 $0x7, v8;
	v12 =	vadd.f32 v45, v12  }
0x3a0: {  	v10 =	vor.u32 $0xF, v10;
	[tilespmem:s21+$0xE320] =	vst v15  }
0x3a1: {  	v12 =	vmul.f32 v12, v59;
	v7 =	vld.idx.msk [tilespmem:v7+s2+$0x0], $0xffff  }
0x3a2: {  	v9 =	vld.idx.msk [tilespmem:v9+s2+$0x0], $0xffff  }
0x3a3: {  	[tilespmem:s30+$0xE320] =	vst v12  }
0x3a4: {  	v8 =	vld.idx.msk [tilespmem:v8+s2+$0x0], $0xffff  }
0x3a5: {  	v10 =	vld.idx.msk [tilespmem:v10+s2+$0x0], $0xffff;
	_ =	sdelay $0x1  }
0x3a6: {  	v7 =	vadd.f32 v9, v7;
	_ =	sdelay $0x1  }
0x3a7: {  	v7 =	vmul.f32 v7, v56  }
0x3a8: {  	v8 =	vadd.f32 v10, v8  }
0x3a9: {  	[tilespmem:s21+$0xE3A0] =	vst v7  }
0x3aa: {  	v8 =	vmul.f32 v8, v59;
	v7 =	vld [tilespmem:s24+$0x8030]  }
0x3ab: {  	v47 =	vld [tilespmem:s24+$0x80B0]  }
0x3ac: {  	[tilespmem:s30+$0xE3A0] =	vst v8  }
0x3ad: {  	v8 =	vld [tilespmem:s26+$0x8030]  }
0x3ae: {  	v48 =	vld [tilespmem:s26+$0x80B0];
	_ =	sdelay $0x1  }
0x3af: {  	v7 =	vshll.u32 v7, $0x4;
	v9 =	vshll.u32 v47, $0x4  }
0x3b0: {  	v49 =	vor.u32 $0x8, v9;
	_ =	sdelay $0x1  }
0x3b1: {  	v8 =	vshll.u32 v8, $0x4;
	v10 =	vshll.u32 v48, $0x4  }
0x3b2: {  	v50 =	vld [tilespmem:s31+$0xC030];
	v51 =	vor.u32 $0x8, v10  }
0x3b3: {  	v52 =	vld.idx.msk [tilespmem:v7+s2+$0x0], $0xffff  }
0x3b4: {  	v11 =	vld.idx.msk [tilespmem:v49+s2+$0x0], $0xffff  }
0x3b5: {  	v53 =	vld [tilespmem:s25+$0xC030]  }
0x3b6: {  	v54 =	vld.idx.msk [tilespmem:v8+s2+$0x0], $0xffff  }
0x3b7: {  	v13 =	vld.idx.msk [tilespmem:v51+s2+$0x0], $0xffff;
	_ =	sdelay $0x1  }
0x3b8: {  	vm4 =	vgt.s32 v50, $0x1;
	v55 =	vor.u32 $0x1, v7;
	v11 =	vadd.f32 v11, v52  }
0x3b9: {  	v56 =	vsel vm4, $0x3F000000, v1;
	v57 =	vor.u32 $0x9, v9  }
0x3ba: {  	v11 =	vmul.f32 v11, v56  }
0x3bb: {  	vm5 =	vgt.s32 v53, $0x1;
	v58 =	vor.u32 $0x1, v8;
	v13 =	vadd.f32 v13, v54  }
0x3bc: {  	v59 =	vsel vm5, $0x3F000000, v1;
	v60 =	vor.u32 $0x9, v10;
	[tilespmem:s21+$0xE030] =	vst v11  }
0x3bd: {  	v13 =	vmul.f32 v13, v59;
	v12 =	vld.idx.msk [tilespmem:v55+s2+$0x0], $0xffff  }
0x3be: {  	v17 =	vld.idx.msk [tilespmem:v57+s2+$0x0], $0xffff  }
0x3bf: {  	[tilespmem:s30+$0xE030] =	vst v13  }
0x3c0: {  	v13 =	vld.idx.msk [tilespmem:v58+s2+$0x0], $0xffff  }
0x3c1: {  	v61 =	vld.idx.msk [tilespmem:v60+s2+$0x0], $0xffff;
	_ =	sdelay $0x1  }
0x3c2: {  	v62 =	vor.u32 $0x2, v7;
	v12 =	vadd.f32 v17, v12  }
0x3c3: {  	v63 =	vor.u32 $0xA, v9  }
0x3c4: {  	v12 =	vmul.f32 v12, v56  }
0x3c5: {  	v20 =	vor.u32 $0x2, v8;
	v13 =	vadd.f32 v61, v13  }
0x3c6: {  	v21 =	vor.u32 $0xA, v10;
	[tilespmem:s21+$0xE0B0] =	vst v12  }
0x3c7: {  	v13 =	vmul.f32 v13, v59;
	v16 =	vld.idx.msk [tilespmem:v62+s2+$0x0], $0xffff  }
0x3c8: {  	v17 =	vld.idx.msk [tilespmem:v63+s2+$0x0], $0xffff  }
0x3c9: {  	[tilespmem:s30+$0xE0B0] =	vst v13  }
0x3ca: {  	v13 =	vld.idx.msk [tilespmem:v20+s2+$0x0], $0xffff  }
0x3cb: {  	v12 =	vld.idx.msk [tilespmem:v21+s2+$0x0], $0xffff;
	_ =	sdelay $0x1  }
0x3cc: {  	v23 =	vor.u32 $0x3, v7;
	v22 =	vadd.f32 v17, v16  }
0x3cd: {  	v24 =	vor.u32 $0xB, v9  }
0x3ce: {  	v15 =	vmul.f32 v22, v56  }
0x3cf: {  	v25 =	vor.u32 $0x3, v8;
	v12 =	vadd.f32 v12, v13  }
0x3d0: {  	v26 =	vor.u32 $0xB, v10;
	[tilespmem:s21+$0xE130] =	vst v15  }
0x3d1: {  	v12 =	vmul.f32 v12, v59;
	v16 =	vld.idx.msk [tilespmem:v23+s2+$0x0], $0xffff  }
0x3d2: {  	v17 =	vld.idx.msk [tilespmem:v24+s2+$0x0], $0xffff  }
0x3d3: {  	[tilespmem:s30+$0xE130] =	vst v12  }
0x3d4: {  	v12 =	vld.idx.msk [tilespmem:v25+s2+$0x0], $0xffff  }
0x3d5: {  	v27 =	vld.idx.msk [tilespmem:v26+s2+$0x0], $0xffff;
	_ =	sdelay $0x1  }
0x3d6: {  	v29 =	vor.u32 $0x4, v7;
	v28 =	vadd.f32 v17, v16  }
0x3d7: {  	v30 =	vor.u32 $0xC, v9  }
0x3d8: {  	v15 =	vmul.f32 v28, v56  }
0x3d9: {  	v31 =	vor.u32 $0x4, v8;
	v12 =	vadd.f32 v27, v12  }
0x3da: {  	v32 =	vor.u32 $0xC, v10;
	[tilespmem:s21+$0xE1B0] =	vst v15  }
0x3db: {  	v12 =	vmul.f32 v12, v59;
	v16 =	vld.idx.msk [tilespmem:v29+s2+$0x0], $0xffff  }
0x3dc: {  	v17 =	vld.idx.msk [tilespmem:v30+s2+$0x0], $0xffff  }
0x3dd: {  	[tilespmem:s30+$0xE1B0] =	vst v12  }
0x3de: {  	v12 =	vld.idx.msk [tilespmem:v31+s2+$0x0], $0xffff  }
0x3df: {  	v33 =	vld.idx.msk [tilespmem:v32+s2+$0x0], $0xffff;
	_ =	sdelay $0x1  }
0x3e0: {  	v35 =	vor.u32 $0x5, v7;
	v34 =	vadd.f32 v17, v16  }
0x3e1: {  	v36 =	vor.u32 $0xD, v9  }
0x3e2: {  	v15 =	vmul.f32 v34, v56  }
0x3e3: {  	v37 =	vor.u32 $0x5, v8;
	v12 =	vadd.f32 v33, v12  }
0x3e4: {  	v38 =	vor.u32 $0xD, v10;
	[tilespmem:s21+$0xE230] =	vst v15  }
0x3e5: {  	v12 =	vmul.f32 v12, v59;
	v16 =	vld.idx.msk [tilespmem:v35+s2+$0x0], $0xffff  }
0x3e6: {  	v17 =	vld.idx.msk [tilespmem:v36+s2+$0x0], $0xffff  }
0x3e7: {  	[tilespmem:s30+$0xE230] =	vst v12  }
0x3e8: {  	v12 =	vld.idx.msk [tilespmem:v37+s2+$0x0], $0xffff  }
0x3e9: {  	v39 =	vld.idx.msk [tilespmem:v38+s2+$0x0], $0xffff;
	_ =	sdelay $0x1  }
0x3ea: {  	v41 =	vor.u32 $0x6, v7;
	v40 =	vadd.f32 v17, v16  }
0x3eb: {  	v42 =	vor.u32 $0xE, v9  }
0x3ec: {  	v15 =	vmul.f32 v40, v56  }
0x3ed: {  	v43 =	vor.u32 $0x6, v8;
	v12 =	vadd.f32 v39, v12  }
0x3ee: {  	v44 =	vor.u32 $0xE, v10;
	[tilespmem:s21+$0xE2B0] =	vst v15  }
0x3ef: {  	v12 =	vmul.f32 v12, v59;
	v16 =	vld.idx.msk [tilespmem:v41+s2+$0x0], $0xffff  }
0x3f0: {  	v17 =	vld.idx.msk [tilespmem:v42+s2+$0x0], $0xffff  }
0x3f1: {  	[tilespmem:s30+$0xE2B0] =	vst v12  }
0x3f2: {  	v12 =	vld.idx.msk [tilespmem:v43+s2+$0x0], $0xffff  }
0x3f3: {  	v45 =	vld.idx.msk [tilespmem:v44+s2+$0x0], $0xffff;
	_ =	sdelay $0x1  }
0x3f4: {  	v7 =	vor.u32 $0x7, v7;
	v46 =	vadd.f32 v17, v16  }
0x3f5: {  	v9 =	vor.u32 $0xF, v9  }
0x3f6: {  	v15 =	vmul.f32 v46, v56  }
0x3f7: {  	v8 =	vor.u32 $0x7, v8;
	v12 =	vadd.f32 v45, v12  }
0x3f8: {  	v10 =	vor.u32 $0xF, v10;
	[tilespmem:s21+$0xE330] =	vst v15  }
0x3f9: {  	v12 =	vmul.f32 v12, v59;
	v7 =	vld.idx.msk [tilespmem:v7+s2+$0x0], $0xffff  }
0x3fa: {  	v9 =	vld.idx.msk [tilespmem:v9+s2+$0x0], $0xffff  }
0x3fb: {  	[tilespmem:s30+$0xE330] =	vst v12  }
0x3fc: {  	v8 =	vld.idx.msk [tilespmem:v8+s2+$0x0], $0xffff  }
0x3fd: {  	v10 =	vld.idx.msk [tilespmem:v10+s2+$0x0], $0xffff;
	_ =	sdelay $0x1  }
0x3fe: {  	v7 =	vadd.f32 v9, v7;
	_ =	sdelay $0x1  }
0x3ff: {  	v7 =	vmul.f32 v7, v56  }
0x400: {  	v8 =	vadd.f32 v10, v8  }
0x401: {  	[tilespmem:s21+$0xE3B0] =	vst v7  }
0x402: {  	v8 =	vmul.f32 v8, v59;
	v7 =	vld [tilespmem:s24+$0x8040]  }
0x403: {  	v47 =	vld [tilespmem:s24+$0x80C0]  }
0x404: {  	[tilespmem:s30+$0xE3B0] =	vst v8  }
0x405: {  	v8 =	vld [tilespmem:s26+$0x8040]  }
0x406: {  	v48 =	vld [tilespmem:s26+$0x80C0];
	_ =	sdelay $0x1  }
0x407: {  	v7 =	vshll.u32 v7, $0x4;
	v9 =	vshll.u32 v47, $0x4  }
0x408: {  	v49 =	vor.u32 $0x8, v9;
	_ =	sdelay $0x1  }
0x409: {  	v8 =	vshll.u32 v8, $0x4;
	v10 =	vshll.u32 v48, $0x4  }
0x40a: {  	v50 =	vld [tilespmem:s31+$0xC040];
	v51 =	vor.u32 $0x8, v10  }
0x40b: {  	v52 =	vld.idx.msk [tilespmem:v7+s2+$0x0], $0xffff  }
0x40c: {  	v11 =	vld.idx.msk [tilespmem:v49+s2+$0x0], $0xffff  }
0x40d: {  	v53 =	vld [tilespmem:s25+$0xC040]  }
0x40e: {  	v54 =	vld.idx.msk [tilespmem:v8+s2+$0x0], $0xffff  }
0x40f: {  	v13 =	vld.idx.msk [tilespmem:v51+s2+$0x0], $0xffff;
	_ =	sdelay $0x1  }
0x410: {  	vm6 =	vgt.s32 v50, $0x1;
	v55 =	vor.u32 $0x1, v7;
	v11 =	vadd.f32 v11, v52  }
0x411: {  	v56 =	vsel vm6, $0x3F000000, v1;
	v57 =	vor.u32 $0x9, v9  }
0x412: {  	v11 =	vmul.f32 v11, v56  }
0x413: {  	vm7 =	vgt.s32 v53, $0x1;
	v58 =	vor.u32 $0x1, v8;
	v13 =	vadd.f32 v13, v54  }
0x414: {  	v59 =	vsel vm7, $0x3F000000, v1;
	v60 =	vor.u32 $0x9, v10;
	[tilespmem:s21+$0xE040] =	vst v11  }
0x415: {  	v13 =	vmul.f32 v13, v59;
	v12 =	vld.idx.msk [tilespmem:v55+s2+$0x0], $0xffff  }
0x416: {  	v17 =	vld.idx.msk [tilespmem:v57+s2+$0x0], $0xffff  }
0x417: {  	[tilespmem:s30+$0xE040] =	vst v13  }
0x418: {  	v13 =	vld.idx.msk [tilespmem:v58+s2+$0x0], $0xffff  }
0x419: {  	v61 =	vld.idx.msk [tilespmem:v60+s2+$0x0], $0xffff;
	_ =	sdelay $0x1  }
0x41a: {  	v62 =	vor.u32 $0x2, v7;
	v12 =	vadd.f32 v17, v12  }
0x41b: {  	v63 =	vor.u32 $0xA, v9  }
0x41c: {  	v12 =	vmul.f32 v12, v56  }
0x41d: {  	v20 =	vor.u32 $0x2, v8;
	v13 =	vadd.f32 v61, v13  }
0x41e: {  	v21 =	vor.u32 $0xA, v10;
	[tilespmem:s21+$0xE0C0] =	vst v12  }
0x41f: {  	v13 =	vmul.f32 v13, v59;
	v16 =	vld.idx.msk [tilespmem:v62+s2+$0x0], $0xffff  }
0x420: {  	v17 =	vld.idx.msk [tilespmem:v63+s2+$0x0], $0xffff  }
0x421: {  	[tilespmem:s30+$0xE0C0] =	vst v13  }
0x422: {  	v13 =	vld.idx.msk [tilespmem:v20+s2+$0x0], $0xffff  }
0x423: {  	v12 =	vld.idx.msk [tilespmem:v21+s2+$0x0], $0xffff;
	_ =	sdelay $0x1  }
0x424: {  	v23 =	vor.u32 $0x3, v7;
	v22 =	vadd.f32 v17, v16  }
0x425: {  	v24 =	vor.u32 $0xB, v9  }
0x426: {  	v15 =	vmul.f32 v22, v56  }
0x427: {  	v25 =	vor.u32 $0x3, v8;
	v12 =	vadd.f32 v12, v13  }
0x428: {  	v26 =	vor.u32 $0xB, v10;
	[tilespmem:s21+$0xE140] =	vst v15  }
0x429: {  	v12 =	vmul.f32 v12, v59;
	v16 =	vld.idx.msk [tilespmem:v23+s2+$0x0], $0xffff  }
0x42a: {  	v17 =	vld.idx.msk [tilespmem:v24+s2+$0x0], $0xffff  }
0x42b: {  	[tilespmem:s30+$0xE140] =	vst v12  }
0x42c: {  	v12 =	vld.idx.msk [tilespmem:v25+s2+$0x0], $0xffff  }
0x42d: {  	v27 =	vld.idx.msk [tilespmem:v26+s2+$0x0], $0xffff;
	_ =	sdelay $0x1  }
0x42e: {  	v29 =	vor.u32 $0x4, v7;
	v28 =	vadd.f32 v17, v16  }
0x42f: {  	v30 =	vor.u32 $0xC, v9  }
0x430: {  	v15 =	vmul.f32 v28, v56  }
0x431: {  	v31 =	vor.u32 $0x4, v8;
	v12 =	vadd.f32 v27, v12  }
0x432: {  	v32 =	vor.u32 $0xC, v10;
	[tilespmem:s21+$0xE1C0] =	vst v15  }
0x433: {  	v12 =	vmul.f32 v12, v59;
	v16 =	vld.idx.msk [tilespmem:v29+s2+$0x0], $0xffff  }
0x434: {  	v17 =	vld.idx.msk [tilespmem:v30+s2+$0x0], $0xffff  }
0x435: {  	[tilespmem:s30+$0xE1C0] =	vst v12  }
0x436: {  	v12 =	vld.idx.msk [tilespmem:v31+s2+$0x0], $0xffff  }
0x437: {  	v33 =	vld.idx.msk [tilespmem:v32+s2+$0x0], $0xffff;
	_ =	sdelay $0x1  }
0x438: {  	v35 =	vor.u32 $0x5, v7;
	v34 =	vadd.f32 v17, v16  }
0x439: {  	v36 =	vor.u32 $0xD, v9  }
0x43a: {  	v15 =	vmul.f32 v34, v56  }
0x43b: {  	v37 =	vor.u32 $0x5, v8;
	v12 =	vadd.f32 v33, v12  }
0x43c: {  	v38 =	vor.u32 $0xD, v10;
	[tilespmem:s21+$0xE240] =	vst v15  }
0x43d: {  	v12 =	vmul.f32 v12, v59;
	v16 =	vld.idx.msk [tilespmem:v35+s2+$0x0], $0xffff  }
0x43e: {  	v17 =	vld.idx.msk [tilespmem:v36+s2+$0x0], $0xffff  }
0x43f: {  	[tilespmem:s30+$0xE240] =	vst v12  }
0x440: {  	v12 =	vld.idx.msk [tilespmem:v37+s2+$0x0], $0xffff  }
0x441: {  	v39 =	vld.idx.msk [tilespmem:v38+s2+$0x0], $0xffff;
	_ =	sdelay $0x1  }
0x442: {  	v41 =	vor.u32 $0x6, v7;
	v40 =	vadd.f32 v17, v16  }
0x443: {  	v42 =	vor.u32 $0xE, v9  }
0x444: {  	v15 =	vmul.f32 v40, v56  }
0x445: {  	v43 =	vor.u32 $0x6, v8;
	v12 =	vadd.f32 v39, v12  }
0x446: {  	v44 =	vor.u32 $0xE, v10;
	[tilespmem:s21+$0xE2C0] =	vst v15  }
0x447: {  	v12 =	vmul.f32 v12, v59;
	v16 =	vld.idx.msk [tilespmem:v41+s2+$0x0], $0xffff  }
0x448: {  	v17 =	vld.idx.msk [tilespmem:v42+s2+$0x0], $0xffff  }
0x449: {  	[tilespmem:s30+$0xE2C0] =	vst v12  }
0x44a: {  	v12 =	vld.idx.msk [tilespmem:v43+s2+$0x0], $0xffff  }
0x44b: {  	v45 =	vld.idx.msk [tilespmem:v44+s2+$0x0], $0xffff;
	_ =	sdelay $0x1  }
0x44c: {  	v7 =	vor.u32 $0x7, v7;
	v46 =	vadd.f32 v17, v16  }
0x44d: {  	v9 =	vor.u32 $0xF, v9  }
0x44e: {  	v15 =	vmul.f32 v46, v56  }
0x44f: {  	v8 =	vor.u32 $0x7, v8;
	v12 =	vadd.f32 v45, v12  }
0x450: {  	v10 =	vor.u32 $0xF, v10;
	[tilespmem:s21+$0xE340] =	vst v15  }
0x451: {  	v12 =	vmul.f32 v12, v59;
	v7 =	vld.idx.msk [tilespmem:v7+s2+$0x0], $0xffff  }
0x452: {  	v9 =	vld.idx.msk [tilespmem:v9+s2+$0x0], $0xffff  }
0x453: {  	[tilespmem:s30+$0xE340] =	vst v12  }
0x454: {  	v8 =	vld.idx.msk [tilespmem:v8+s2+$0x0], $0xffff  }
0x455: {  	v10 =	vld.idx.msk [tilespmem:v10+s2+$0x0], $0xffff;
	_ =	sdelay $0x1  }
0x456: {  	v7 =	vadd.f32 v9, v7;
	_ =	sdelay $0x1  }
0x457: {  	v7 =	vmul.f32 v7, v56  }
0x458: {  	v8 =	vadd.f32 v10, v8  }
0x459: {  	[tilespmem:s21+$0xE3C0] =	vst v7  }
0x45a: {  	v8 =	vmul.f32 v8, v59;
	v7 =	vld [tilespmem:s24+$0x8050]  }
0x45b: {  	v47 =	vld [tilespmem:s24+$0x80D0]  }
0x45c: {  	[tilespmem:s30+$0xE3C0] =	vst v8  }
0x45d: {  	v8 =	vld [tilespmem:s26+$0x8050]  }
0x45e: {  	v48 =	vld [tilespmem:s26+$0x80D0];
	_ =	sdelay $0x1  }
0x45f: {  	v11 =	vshll.u32 v7, $0x4;
	v12 =	vshll.u32 v47, $0x4  }
0x460: {  	v49 =	vor.u32 $0x8, v12;
	_ =	sdelay $0x1  }
0x461: {  	v9 =	vshll.u32 v8, $0x4;
	v8 =	vshll.u32 v48, $0x4  }
0x462: {  	v50 =	vld [tilespmem:s31+$0xC050];
	v51 =	vor.u32 $0x8, v8  }
0x463: {  	v52 =	vld.idx.msk [tilespmem:v11+s2+$0x0], $0xffff  }
0x464: {  	v7 =	vld.idx.msk [tilespmem:v49+s2+$0x0], $0xffff  }
0x465: {  	v53 =	vld [tilespmem:s25+$0xC050]  }
0x466: {  	v54 =	vld.idx.msk [tilespmem:v9+s2+$0x0], $0xffff  }
0x467: {  	v13 =	vld.idx.msk [tilespmem:v51+s2+$0x0], $0xffff;
	_ =	sdelay $0x1  }
0x468: {  	vm8 =	vgt.s32 v50, $0x1;
	v56 =	vor.u32 $0x1, v11;
	v55 =	vadd.f32 v7, v52  }
0x469: {  	v57 =	vsel vm8, $0x3F000000, v1;
	v58 =	vor.u32 $0x9, v12  }
0x46a: {  	v10 =	vmul.f32 v55, v57  }
0x46b: {  	vm9 =	vgt.s32 v53, $0x1;
	v59 =	vor.u32 $0x1, v9;
	v13 =	vadd.f32 v13, v54  }
0x46c: {  	v60 =	vsel vm9, $0x3F000000, v1;
	v61 =	vor.u32 $0x9, v8;
	[tilespmem:s21+$0xE050] =	vst v10  }
0x46d: {  	v13 =	vmul.f32 v13, v60;
	v14 =	vld.idx.msk [tilespmem:v56+s2+$0x0], $0xffff  }
0x46e: {  	v17 =	vld.idx.msk [tilespmem:v58+s2+$0x0], $0xffff  }
0x46f: {  	[tilespmem:s30+$0xE050] =	vst v13  }
0x470: {  	v13 =	vld.idx.msk [tilespmem:v59+s2+$0x0], $0xffff  }
0x471: {  	v62 =	vld.idx.msk [tilespmem:v61+s2+$0x0], $0xffff;
	_ =	sdelay $0x1  }
0x472: {  	v63 =	vor.u32 $0x2, v11;
	v14 =	vadd.f32 v17, v14  }
0x473: {  	v20 =	vor.u32 $0xA, v12  }
0x474: {  	v14 =	vmul.f32 v14, v57  }
0x475: {  	v21 =	vor.u32 $0x2, v9;
	v13 =	vadd.f32 v62, v13  }
0x476: {  	v22 =	vor.u32 $0xA, v8;
	[tilespmem:s21+$0xE0D0] =	vst v14  }
0x477: {  	v13 =	vmul.f32 v13, v60;
	v16 =	vld.idx.msk [tilespmem:v63+s2+$0x0], $0xffff  }
0x478: {  	v17 =	vld.idx.msk [tilespmem:v20+s2+$0x0], $0xffff  }
0x479: {  	[tilespmem:s30+$0xE0D0] =	vst v13  }
0x47a: {  	v13 =	vld.idx.msk [tilespmem:v21+s2+$0x0], $0xffff  }
0x47b: {  	v14 =	vld.idx.msk [tilespmem:v22+s2+$0x0], $0xffff;
	_ =	sdelay $0x1  }
0x47c: {  	v24 =	vor.u32 $0x3, v11;
	v23 =	vadd.f32 v17, v16  }
0x47d: {  	v25 =	vor.u32 $0xB, v12  }
0x47e: {  	v15 =	vmul.f32 v23, v57  }
0x47f: {  	v26 =	vor.u32 $0x3, v9;
	v13 =	vadd.f32 v14, v13  }
0x480: {  	v27 =	vor.u32 $0xB, v8;
	[tilespmem:s21+$0xE150] =	vst v15  }
0x481: {  	v13 =	vmul.f32 v13, v60;
	v16 =	vld.idx.msk [tilespmem:v24+s2+$0x0], $0xffff  }
0x482: {  	v17 =	vld.idx.msk [tilespmem:v25+s2+$0x0], $0xffff  }
0x483: {  	[tilespmem:s30+$0xE150] =	vst v13  }
0x484: {  	v13 =	vld.idx.msk [tilespmem:v26+s2+$0x0], $0xffff  }
0x485: {  	v5 =	vadd.f32 v6, v5;
	v28 =	vor.u32 $0x4, v4;
	v15 =	vld.idx.msk [tilespmem:v27+s2+$0x0], $0xffff  }
0x486: {  	v29 =	vor.u32 $0xC, v3  }
0x487: {  	v5 =	vmul.f32 v5, v2;
	v30 =	vor.u32 $0x4, v11;
	v16 =	vadd.f32 v17, v16  }
0x488: {  	v31 =	vor.u32 $0xC, v12  }
0x489: {  	[tilespmem:s18+$0xE1D0] =	vst v5;
	v16 =	vmul.f32 v16, v57  }
0x48a: {  	v6 =	vld.idx.msk [tilespmem:v28+s2+$0x0], $0xffff;
	v32 =	vor.u32 $0x4, v9;
	v13 =	vadd.f32 v15, v13  }
0x48b: {  	v33 =	vor.u32 $0xC, v8;
	v14 =	vld.idx.msk [tilespmem:v29+s2+$0x0], $0xffff;
	[tilespmem:s21+$0xE1D0] =	vst v16  }
0x48c: {  	v13 =	vmul.f32 v13, v60;
	v17 =	vld.idx.msk [tilespmem:v30+s2+$0x0], $0xffff  }
0x48d: {  	v5 =	vld.idx.msk [tilespmem:v31+s2+$0x0], $0xffff  }
0x48e: {  	[tilespmem:s30+$0xE1D0] =	vst v13  }
0x48f: {  	v35 =	vld.idx.msk [tilespmem:v32+s2+$0x0], $0xffff  }
0x490: {  	v36 =	vor.u32 $0xD, v3;
	v6 =	vadd.f32 v14, v6;
	v16 =	vld.idx.msk [tilespmem:v33+s2+$0x0], $0xffff  }
0x491: {  	v34 =	vor.u32 $0x5, v4  }
0x492: {  	v37 =	vor.u32 $0x5, v11;
	v6 =	vmul.f32 v6, v2;
	v5 =	vadd.f32 v5, v17  }
0x493: {  	v38 =	vor.u32 $0xD, v12  }
0x494: {  	[tilespmem:s18+$0xE250] =	vst v6;
	v5 =	vmul.f32 v5, v57  }
0x495: {  	v39 =	vor.u32 $0x5, v9;
	v15 =	vld.idx.msk [tilespmem:v36+s2+$0x0], $0xffff;
	v14 =	vadd.f32 v16, v35  }
0x496: {  	v40 =	vor.u32 $0xD, v8;
	v13 =	vld.idx.msk [tilespmem:v34+s2+$0x0], $0xffff;
	[tilespmem:s21+$0xE250] =	vst v5  }
0x497: {  	v14 =	vmul.f32 v14, v60;
	v17 =	vld.idx.msk [tilespmem:v37+s2+$0x0], $0xffff  }
0x498: {  	v6 =	vld.idx.msk [tilespmem:v38+s2+$0x0], $0xffff  }
0x499: {  	[tilespmem:s30+$0xE250] =	vst v14  }
0x49a: {  	v42 =	vld.idx.msk [tilespmem:v39+s2+$0x0], $0xffff  }
0x49b: {  	v41 =	vor.u32 $0x6, v4;
	v13 =	vadd.f32 v15, v13;
	v5 =	vld.idx.msk [tilespmem:v40+s2+$0x0], $0xffff  }
0x49c: {  	v43 =	vor.u32 $0xE, v3  }
0x49d: {  	v44 =	vor.u32 $0x6, v11;
	v13 =	vmul.f32 v13, v2;
	v6 =	vadd.f32 v6, v17  }
0x49e: {  	v45 =	vor.u32 $0xE, v12  }
0x49f: {  	[tilespmem:s18+$0xE2D0] =	vst v13;
	v6 =	vmul.f32 v6, v57  }
0x4a0: {  	v46 =	vor.u32 $0x6, v9;
	v14 =	vld.idx.msk [tilespmem:v41+s2+$0x0], $0xffff;
	v5 =	vadd.f32 v5, v42  }
0x4a1: {  	v47 =	vor.u32 $0xE, v8;
	v16 =	vld.idx.msk [tilespmem:v43+s2+$0x0], $0xffff;
	[tilespmem:s21+$0xE2D0] =	vst v6  }
0x4a2: {  	v5 =	vmul.f32 v5, v60;
	v17 =	vld.idx.msk [tilespmem:v44+s2+$0x0], $0xffff  }
0x4a3: {  	v13 =	vld.idx.msk [tilespmem:v45+s2+$0x0], $0xffff  }
0x4a4: {  	[tilespmem:s30+$0xE2D0] =	vst v5  }
0x4a5: {  	v49 =	vld.idx.msk [tilespmem:v46+s2+$0x0], $0xffff  }
0x4a6: {  	v4 =	vor.u32 $0x7, v4;
	v48 =	vadd.f32 v16, v14;
	v6 =	vld.idx.msk [tilespmem:v47+s2+$0x0], $0xffff  }
0x4a7: {  	v3 =	vor.u32 $0xF, v3  }
0x4a8: {  	v11 =	vor.u32 $0x7, v11;
	v5 =	vmul.f32 v48, v2;
	v13 =	vadd.f32 v13, v17  }
0x4a9: {  	v50 =	vor.u32 $0xF, v12  }
0x4aa: {  	[tilespmem:s18+$0xE350] =	vst v5;
	v51 =	vmul.f32 v13, v57  }
0x4ab: {  	v9 =	vor.u32 $0x7, v9;
	v4 =	vld.idx.msk [tilespmem:v4+s2+$0x0], $0xffff;
	v6 =	vadd.f32 v6, v49  }
0x4ac: {  	v8 =	vor.u32 $0xF, v8;
	v3 =	vld.idx.msk [tilespmem:v3+s2+$0x0], $0xffff;
	[tilespmem:s21+$0xE350] =	vst v51  }
0x4ad: {  	v6 =	vmul.f32 v6, v60;
	v11 =	vld.idx.msk [tilespmem:v11+s2+$0x0], $0xffff  }
0x4ae: {  	v5 =	vld.idx.msk [tilespmem:v50+s2+$0x0], $0xffff  }
0x4af: {  	[tilespmem:s30+$0xE350] =	vst v6  }
0x4b0: {  	v52 =	vld.idx.msk [tilespmem:v9+s2+$0x0], $0xffff  }
0x4b1: {  	v3 =	vadd.f32 v3, v4;
	v6 =	vld.idx.msk [tilespmem:v8+s2+$0x0], $0xffff;
	_ =	sdelay $0x1  }
0x4b2: {  	v2 =	vmul.f32 v3, v2;
	v3 =	vadd.f32 v5, v11;
	_ =	sdelay $0x1  }
0x4b3: {  	[tilespmem:s18+$0xE3D0] =	vst v2;
	v3 =	vmul.f32 v3, v57  }
0x4b4: {  	v2 =	vld [tilespmem:s19+$0x8060];
	v4 =	vadd.f32 v6, v52  }
0x4b5: {  	v53 =	vld [tilespmem:s19+$0x80E0];
	[tilespmem:s21+$0xE3D0] =	vst v3  }
0x4b6: {  	v3 =	vmul.f32 v4, v60;
	v54 =	vld [tilespmem:s24+$0x8060]  }
0x4b7: {  	v55 =	vld [tilespmem:s24+$0x80E0]  }
0x4b8: {  	[tilespmem:s30+$0xE3D0] =	vst v3  }
0x4b9: {  	v5 =	vshll.u32 v2, $0x4;
	v2 =	vld [tilespmem:s26+$0x8060]  }
0x4ba: {  	v3 =	vshll.u32 v53, $0x4;
	v57 =	vld [tilespmem:s26+$0x80E0]  }
0x4bb: {  	v56 =	vor.u32 $0x8, v3  }
0x4bc: {  	v6 =	vshll.u32 v54, $0x4;
	v7 =	vshll.u32 v55, $0x4  }
0x4bd: {  	v58 =	vld [tilespmem:s20+$0xC060];
	v59 =	vor.u32 $0x8, v7  }
0x4be: {  	v62 =	vld [tilespmem:s31+$0xC060]  }
0x4bf: {  	v60 =	vld.idx.msk [tilespmem:v5+s2+$0x0], $0xffff;
	v8 =	vshll.u32 v2, $0x4;
	v2 =	vshll.u32 v57, $0x4  }
0x4c0: {  	v61 =	vld.idx.msk [tilespmem:v56+s2+$0x0], $0xffff;
	v63 =	vor.u32 $0x8, v2  }
0x4c1: {  	v20 =	vld.idx.msk [tilespmem:v6+s2+$0x0], $0xffff  }
0x4c2: {  	v10 =	vld.idx.msk [tilespmem:v59+s2+$0x0], $0xffff  }
0x4c3: {  	v21 =	vld [tilespmem:s25+$0xC060]  }
0x4c4: {  	v22 =	vld.idx.msk [tilespmem:v8+s2+$0x0], $0xffff  }
0x4c5: {  	vm10 =	vgt.s32 v58, $0x1;
	v13 =	vld.idx.msk [tilespmem:v63+s2+$0x0], $0xffff  }
0x4c6: {  	v23 =	vor.u32 $0x1, v5;
	v4 =	vsel vm10, $0x3F000000, v1;
	v11 =	vadd.f32 v61, v60  }
0x4c7: {  	v24 =	vor.u32 $0x9, v3;
	vm11 =	vgt.s32 v62, $0x1;
	v10 =	vadd.f32 v10, v20  }
0x4c8: {  	v25 =	vor.u32 $0x1, v6;
	v9 =	vsel vm11, $0x3F000000, v1;
	v11 =	vmul.f32 v11, v4  }
0x4c9: {  	v18 =	vor.u32 $0x9, v7;
	v10 =	vmul.f32 v10, v9  }
0x4ca: {  	vm12 =	vgt.s32 v21, $0x1;
	v26 =	vor.u32 $0x1, v8;
	[tilespmem:s18+$0xE060] =	vst v11;
	v12 =	vadd.f32 v13, v22  }
0x4cb: {  	v28 =	vor.u32 $0x9, v2;
	v11 =	vld.idx.msk [tilespmem:v23+s2+$0x0], $0xffff;
	[tilespmem:s21+$0xE060] =	vst v10;
	v10 =	vsel vm12, $0x3F000000, v1  }
0x4cc: {  	v27 =	vld.idx.msk [tilespmem:v24+s2+$0x0], $0xffff;
	v12 =	vmul.f32 v12, v10  }
0x4cd: {  	v14 =	vld.idx.msk [tilespmem:v25+s2+$0x0], $0xffff  }
0x4ce: {  	v29 =	vld.idx.msk [tilespmem:v18+s2+$0x0], $0xffff;
	[tilespmem:s30+$0xE060] =	vst v12  }
0x4cf: {  	v12 =	vld.idx.msk [tilespmem:v26+s2+$0x0], $0xffff  }
0x4d0: {  	v31 =	vld.idx.msk [tilespmem:v28+s2+$0x0], $0xffff  }
0x4d1: {  	v30 =	vor.u32 $0x2, v5;
	v11 =	vadd.f32 v27, v11  }
0x4d2: {  	v32 =	vor.u32 $0xA, v3  }
0x4d3: {  	v33 =	vor.u32 $0x2, v6;
	v11 =	vmul.f32 v11, v4;
	v14 =	vadd.f32 v29, v14  }
0x4d4: {  	v34 =	vor.u32 $0xA, v7  }
0x4d5: {  	v36 =	vor.u32 $0x2, v8;
	[tilespmem:s18+$0xE0E0] =	vst v11;
	v35 =	vmul.f32 v14, v9;
	v12 =	vadd.f32 v31, v12  }
0x4d6: {  	v38 =	vor.u32 $0xA, v2;
	v13 =	vld.idx.msk [tilespmem:v30+s2+$0x0], $0xffff  }
0x4d7: {  	v37 =	vld.idx.msk [tilespmem:v32+s2+$0x0], $0xffff;
	[tilespmem:s21+$0xE0E0] =	vst v35;
	v12 =	vmul.f32 v12, v10  }
0x4d8: {  	v39 =	vld.idx.msk [tilespmem:v33+s2+$0x0], $0xffff  }
0x4d9: {  	v40 =	vld.idx.msk [tilespmem:v34+s2+$0x0], $0xffff;
	[tilespmem:s30+$0xE0E0] =	vst v12  }
0x4da: {  	v12 =	vld.idx.msk [tilespmem:v36+s2+$0x0], $0xffff  }
0x4db: {  	v11 =	vld.idx.msk [tilespmem:v38+s2+$0x0], $0xffff  }
0x4dc: {  	v41 =	vor.u32 $0x3, v5;
	v13 =	vadd.f32 v37, v13  }
0x4dd: {  	v42 =	vor.u32 $0xB, v3  }
0x4de: {  	v43 =	vor.u32 $0x3, v6;
	v13 =	vmul.f32 v13, v4;
	v16 =	vadd.f32 v40, v39  }
0x4df: {  	v44 =	vor.u32 $0xB, v7  }
0x4e0: {  	v46 =	vor.u32 $0x3, v8;
	[tilespmem:s18+$0xE160] =	vst v13;
	v45 =	vmul.f32 v16, v9;
	v11 =	vadd.f32 v11, v12  }
0x4e1: {  	v47 =	vor.u32 $0xB, v2;
	v14 =	vld.idx.msk [tilespmem:v41+s2+$0x0], $0xffff  }
0x4e2: {  	v15 =	vld.idx.msk [tilespmem:v42+s2+$0x0], $0xffff;
	[tilespmem:s21+$0xE160] =	vst v45;
	v11 =	vmul.f32 v11, v10  }
0x4e3: {  	v48 =	vld.idx.msk [tilespmem:v43+s2+$0x0], $0xffff  }
0x4e4: {  	v49 =	vld.idx.msk [tilespmem:v44+s2+$0x0], $0xffff;
	[tilespmem:s30+$0xE160] =	vst v11  }
0x4e5: {  	v11 =	vld.idx.msk [tilespmem:v46+s2+$0x0], $0xffff  }
0x4e6: {  	v13 =	vld.idx.msk [tilespmem:v47+s2+$0x0], $0xffff  }
0x4e7: {  	v51 =	vor.u32 $0x4, v5;
	v50 =	vadd.f32 v15, v14  }
0x4e8: {  	v52 =	vor.u32 $0xC, v3  }
0x4e9: {  	v53 =	vor.u32 $0x4, v6;
	v12 =	vmul.f32 v50, v4;
	v16 =	vadd.f32 v49, v48  }
0x4ea: {  	v54 =	vor.u32 $0xC, v7  }
0x4eb: {  	v56 =	vor.u32 $0x4, v8;
	[tilespmem:s18+$0xE1E0] =	vst v12;
	v55 =	vmul.f32 v16, v9;
	v11 =	vadd.f32 v13, v11  }
0x4ec: {  	v57 =	vor.u32 $0xC, v2;
	v14 =	vld.idx.msk [tilespmem:v51+s2+$0x0], $0xffff  }
0x4ed: {  	v15 =	vld.idx.msk [tilespmem:v52+s2+$0x0], $0xffff;
	[tilespmem:s21+$0xE1E0] =	vst v55;
	v11 =	vmul.f32 v11, v10  }
0x4ee: {  	v58 =	vld.idx.msk [tilespmem:v53+s2+$0x0], $0xffff  }
0x4ef: {  	v59 =	vld.idx.msk [tilespmem:v54+s2+$0x0], $0xffff;
	[tilespmem:s30+$0xE1E0] =	vst v11  }
0x4f0: {  	v11 =	vld.idx.msk [tilespmem:v56+s2+$0x0], $0xffff  }
0x4f1: {  	v12 =	vld.idx.msk [tilespmem:v57+s2+$0x0], $0xffff  }
0x4f2: {  	v61 =	vor.u32 $0x5, v5;
	v60 =	vadd.f32 v15, v14  }
0x4f3: {  	v62 =	vor.u32 $0xD, v3  }
0x4f4: {  	v63 =	vor.u32 $0x5, v6;
	v13 =	vmul.f32 v60, v4;
	v16 =	vadd.f32 v59, v58  }
0x4f5: {  	v21 =	vor.u32 $0xD, v7  }
0x4f6: {  	v23 =	vor.u32 $0x5, v8;
	[tilespmem:s18+$0xE260] =	vst v13;
	v22 =	vmul.f32 v16, v9;
	v11 =	vadd.f32 v12, v11  }
0x4f7: {  	v24 =	vor.u32 $0xD, v2;
	v14 =	vld.idx.msk [tilespmem:v61+s2+$0x0], $0xffff  }
0x4f8: {  	v15 =	vld.idx.msk [tilespmem:v62+s2+$0x0], $0xffff;
	[tilespmem:s21+$0xE260] =	vst v22;
	v11 =	vmul.f32 v11, v10  }
0x4f9: {  	v25 =	vld.idx.msk [tilespmem:v63+s2+$0x0], $0xffff  }
0x4fa: {  	v26 =	vld.idx.msk [tilespmem:v21+s2+$0x0], $0xffff;
	[tilespmem:s30+$0xE260] =	vst v11  }
0x4fb: {  	v11 =	vld.idx.msk [tilespmem:v23+s2+$0x0], $0xffff  }
0x4fc: {  	v13 =	vld.idx.msk [tilespmem:v24+s2+$0x0], $0xffff  }
0x4fd: {  	v28 =	vor.u32 $0x6, v5;
	v27 =	vadd.f32 v15, v14  }
0x4fe: {  	v29 =	vor.u32 $0xE, v3  }
0x4ff: {  	v30 =	vor.u32 $0x6, v6;
	v12 =	vmul.f32 v27, v4;
	v16 =	vadd.f32 v26, v25  }
0x500: {  	v31 =	vor.u32 $0xE, v7  }
0x501: {  	v33 =	vor.u32 $0x6, v8;
	[tilespmem:s18+$0xE2E0] =	vst v12;
	v32 =	vmul.f32 v16, v9;
	v11 =	vadd.f32 v13, v11  }
0x502: {  	v34 =	vor.u32 $0xE, v2;
	v14 =	vld.idx.msk [tilespmem:v28+s2+$0x0], $0xffff  }
0x503: {  	v15 =	vld.idx.msk [tilespmem:v29+s2+$0x0], $0xffff;
	[tilespmem:s21+$0xE2E0] =	vst v32;
	v11 =	vmul.f32 v11, v10  }
0x504: {  	v35 =	vld.idx.msk [tilespmem:v30+s2+$0x0], $0xffff  }
0x505: {  	v36 =	vld.idx.msk [tilespmem:v31+s2+$0x0], $0xffff;
	[tilespmem:s30+$0xE2E0] =	vst v11  }
0x506: {  	v11 =	vld.idx.msk [tilespmem:v33+s2+$0x0], $0xffff  }
0x507: {  	v12 =	vld.idx.msk [tilespmem:v34+s2+$0x0], $0xffff  }
0x508: {  	v5 =	vor.u32 $0x7, v5;
	v37 =	vadd.f32 v15, v14  }
0x509: {  	v3 =	vor.u32 $0xF, v3  }
0x50a: {  	v6 =	vor.u32 $0x7, v6;
	v13 =	vmul.f32 v37, v4;
	v38 =	vadd.f32 v36, v35  }
0x50b: {  	v7 =	vor.u32 $0xF, v7  }
0x50c: {  	v8 =	vor.u32 $0x7, v8;
	[tilespmem:s18+$0xE360] =	vst v13;
	v39 =	vmul.f32 v38, v9;
	v11 =	vadd.f32 v12, v11  }
0x50d: {  	v2 =	vor.u32 $0xF, v2;
	v5 =	vld.idx.msk [tilespmem:v5+s2+$0x0], $0xffff  }
0x50e: {  	v3 =	vld.idx.msk [tilespmem:v3+s2+$0x0], $0xffff;
	[tilespmem:s21+$0xE360] =	vst v39;
	v11 =	vmul.f32 v11, v10  }
0x50f: {  	v6 =	vld.idx.msk [tilespmem:v6+s2+$0x0], $0xffff  }
0x510: {  	v7 =	vld.idx.msk [tilespmem:v7+s2+$0x0], $0xffff;
	[tilespmem:s30+$0xE360] =	vst v11  }
0x511: {  	v8 =	vld.idx.msk [tilespmem:v8+s2+$0x0], $0xffff  }
0x512: {  	v2 =	vld.idx.msk [tilespmem:v2+s2+$0x0], $0xffff  }
0x513: {  	v3 =	vadd.f32 v3, v5;
	_ =	sdelay $0x1  }
0x514: {  	v3 =	vmul.f32 v3, v4;
	v40 =	vadd.f32 v7, v6;
	_ =	sdelay $0x1  }
0x515: {  	[tilespmem:s18+$0xE3E0] =	vst v3;
	v3 =	vmul.f32 v40, v9;
	v2 =	vadd.f32 v2, v8  }
0x516: {  	v41 =	vld [tilespmem:s19+$0x8070]  }
0x517: {  	v42 =	vld [tilespmem:s19+$0x80F0];
	[tilespmem:s21+$0xE3E0] =	vst v3;
	v2 =	vmul.f32 v2, v10  }
0x518: {  	v3 =	vld [tilespmem:s24+$0x8070]  }
0x519: {  	v43 =	vld [tilespmem:s24+$0x80F0];
	[tilespmem:s30+$0xE3E0] =	vst v2  }
0x51a: {  	v2 =	vld [tilespmem:s26+$0x8070]  }
0x51b: {  	v44 =	vld [tilespmem:s26+$0x80F0]  }
0x51c: {  	v6 =	vshll.u32 v41, $0x4;
	v7 =	vshll.u32 v42, $0x4  }
0x51d: {  	v45 =	vor.u32 $0x8, v7  }
0x51e: {  	v46 =	vld [tilespmem:s20+$0xC070];
	v3 =	vshll.u32 v3, $0x4;
	v4 =	vshll.u32 v43, $0x4  }
0x51f: {  	v13 =	vld [tilespmem:s31+$0xC070];
	v47 =	vor.u32 $0x8, v4  }
0x520: {  	v51 =	vld [tilespmem:s25+$0xC070];
	v8 =	vshll.u32 v2, $0x4;
	v5 =	vshll.u32 v44, $0x4  }
0x521: {  	v48 =	vld.idx.msk [tilespmem:v6+s2+$0x0], $0xffff;
	v2 =	vor.u32 $0x8, v5  }
0x522: {  	v49 =	vld.idx.msk [tilespmem:v45+s2+$0x0], $0xffff  }
0x523: {  	v50 =	vld.idx.msk [tilespmem:v3+s2+$0x0], $0xffff  }
0x524: {  	v12 =	vld.idx.msk [tilespmem:v47+s2+$0x0], $0xffff  }
0x525: {  	v52 =	vld.idx.msk [tilespmem:v8+s2+$0x0], $0xffff  }
0x526: {  	v53 =	vld.idx.msk [tilespmem:v2+s2+$0x0], $0xffff  }
0x527: {  	vm13 =	vgt.s32 v46, $0x1;
	v54 =	vor.u32 $0x1, v6;
	v9 =	vadd.f32 v49, v48  }
0x528: {  	v55 =	vor.u32 $0x9, v7;
	vm14 =	vgt.s32 v13, $0x1;
	v2 =	vsel vm13, $0x3F000000, v1  }
0x529: {  	v57 =	vor.u32 $0x1, v3;
	v56 =	vmul.f32 v9, v2;
	v10 =	vadd.f32 v12, v50  }
0x52a: {  	v19 =	vor.u32 $0x9, v4;
	vm15 =	vgt.s32 v51, $0x1;
	v9 =	vsel vm14, $0x3F000000, v1  }
0x52b: {  	v59 =	vor.u32 $0x1, v8;
	[tilespmem:s18+$0xE070] =	vst v56;
	v58 =	vmul.f32 v10, v9;
	v11 =	vadd.f32 v53, v52  }
0x52c: {  	v60 =	vor.u32 $0x9, v5;
	v14 =	vld.idx.msk [tilespmem:v54+s2+$0x0], $0xffff;
	v10 =	vsel vm15, $0x3F000000, v1  }
0x52d: {  	v61 =	vld.idx.msk [tilespmem:v55+s2+$0x0], $0xffff;
	[tilespmem:s21+$0xE070] =	vst v58;
	v11 =	vmul.f32 v11, v10  }
0x52e: {  	v13 =	vld.idx.msk [tilespmem:v57+s2+$0x0], $0xffff  }
0x52f: {  	v62 =	vld.idx.msk [tilespmem:v19+s2+$0x0], $0xffff;
	[tilespmem:s30+$0xE070] =	vst v11  }
0x530: {  	v11 =	vld.idx.msk [tilespmem:v59+s2+$0x0], $0xffff  }
0x531: {  	v63 =	vld.idx.msk [tilespmem:v60+s2+$0x0], $0xffff  }
0x532: {  	v21 =	vor.u32 $0x2, v6;
	v14 =	vadd.f32 v61, v14  }
0x533: {  	v22 =	vor.u32 $0xA, v7  }
0x534: {  	v23 =	vor.u32 $0x2, v3;
	v14 =	vmul.f32 v14, v2;
	v13 =	vadd.f32 v62, v13  }
0x535: {  	v24 =	vor.u32 $0xA, v4  }
0x536: {  	v25 =	vor.u32 $0x2, v8;
	[tilespmem:s18+$0xE0F0] =	vst v14;
	v13 =	vmul.f32 v13, v9;
	v11 =	vadd.f32 v63, v11  }
0x537: {  	v26 =	vor.u32 $0xA, v5;
	v14 =	vld.idx.msk [tilespmem:v21+s2+$0x0], $0xffff  }
0x538: {  	v16 =	vld.idx.msk [tilespmem:v22+s2+$0x0], $0xffff;
	[tilespmem:s21+$0xE0F0] =	vst v13;
	v11 =	vmul.f32 v11, v10  }
0x539: {  	v13 =	vld.idx.msk [tilespmem:v23+s2+$0x0], $0xffff  }
0x53a: {  	v27 =	vld.idx.msk [tilespmem:v24+s2+$0x0], $0xffff;
	[tilespmem:s30+$0xE0F0] =	vst v11  }
0x53b: {  	v11 =	vld.idx.msk [tilespmem:v25+s2+$0x0], $0xffff  }
0x53c: {  	v28 =	vld.idx.msk [tilespmem:v26+s2+$0x0], $0xffff  }
0x53d: {  	v29 =	vor.u32 $0x3, v6;
	v14 =	vadd.f32 v16, v14  }
0x53e: {  	v30 =	vor.u32 $0xB, v7  }
0x53f: {  	v31 =	vor.u32 $0x3, v3;
	v14 =	vmul.f32 v14, v2;
	v13 =	vadd.f32 v27, v13  }
0x540: {  	v32 =	vor.u32 $0xB, v4  }
0x541: {  	v33 =	vor.u32 $0x3, v8;
	[tilespmem:s18+$0xE170] =	vst v14;
	v13 =	vmul.f32 v13, v9;
	v11 =	vadd.f32 v28, v11  }
0x542: {  	v34 =	vor.u32 $0xB, v5;
	v14 =	vld.idx.msk [tilespmem:v29+s2+$0x0], $0xffff  }
0x543: {  	v16 =	vld.idx.msk [tilespmem:v30+s2+$0x0], $0xffff;
	[tilespmem:s21+$0xE170] =	vst v13;
	v11 =	vmul.f32 v11, v10  }
0x544: {  	v13 =	vld.idx.msk [tilespmem:v31+s2+$0x0], $0xffff  }
0x545: {  	v35 =	vld.idx.msk [tilespmem:v32+s2+$0x0], $0xffff;
	[tilespmem:s30+$0xE170] =	vst v11  }
0x546: {  	v11 =	vld.idx.msk [tilespmem:v33+s2+$0x0], $0xffff  }
0x547: {  	v36 =	vld.idx.msk [tilespmem:v34+s2+$0x0], $0xffff  }
0x548: {  	v37 =	vor.u32 $0x4, v6;
	v14 =	vadd.f32 v16, v14  }
0x549: {  	v38 =	vor.u32 $0xC, v7  }
0x54a: {  	v39 =	vor.u32 $0x4, v3;
	v14 =	vmul.f32 v14, v2;
	v13 =	vadd.f32 v35, v13  }
0x54b: {  	v40 =	vor.u32 $0xC, v4  }
0x54c: {  	v41 =	vor.u32 $0x4, v8;
	[tilespmem:s18+$0xE1F0] =	vst v14;
	v13 =	vmul.f32 v13, v9;
	v11 =	vadd.f32 v36, v11  }
0x54d: {  	v42 =	vor.u32 $0xC, v5;
	v14 =	vld.idx.msk [tilespmem:v37+s2+$0x0], $0xffff  }
0x54e: {  	v16 =	vld.idx.msk [tilespmem:v38+s2+$0x0], $0xffff;
	[tilespmem:s21+$0xE1F0] =	vst v13;
	v11 =	vmul.f32 v11, v10  }
0x54f: {  	v13 =	vld.idx.msk [tilespmem:v39+s2+$0x0], $0xffff  }
0x550: {  	v43 =	vld.idx.msk [tilespmem:v40+s2+$0x0], $0xffff;
	[tilespmem:s30+$0xE1F0] =	vst v11  }
0x551: {  	v11 =	vld.idx.msk [tilespmem:v41+s2+$0x0], $0xffff  }
0x552: {  	v44 =	vld.idx.msk [tilespmem:v42+s2+$0x0], $0xffff  }
0x553: {  	v45 =	vor.u32 $0x5, v6;
	v14 =	vadd.f32 v16, v14  }
0x554: {  	v46 =	vor.u32 $0xD, v7  }
0x555: {  	v47 =	vor.u32 $0x5, v3;
	v14 =	vmul.f32 v14, v2;
	v13 =	vadd.f32 v43, v13  }
0x556: {  	v48 =	vor.u32 $0xD, v4  }
0x557: {  	v49 =	vor.u32 $0x5, v8;
	[tilespmem:s18+$0xE270] =	vst v14;
	v13 =	vmul.f32 v13, v9;
	v11 =	vadd.f32 v44, v11  }
0x558: {  	v50 =	vor.u32 $0xD, v5;
	v14 =	vld.idx.msk [tilespmem:v45+s2+$0x0], $0xffff  }
0x559: {  	v16 =	vld.idx.msk [tilespmem:v46+s2+$0x0], $0xffff;
	[tilespmem:s21+$0xE270] =	vst v13;
	v11 =	vmul.f32 v11, v10  }
0x55a: {  	v13 =	vld.idx.msk [tilespmem:v47+s2+$0x0], $0xffff  }
0x55b: {  	v51 =	vld.idx.msk [tilespmem:v48+s2+$0x0], $0xffff;
	[tilespmem:s30+$0xE270] =	vst v11  }
0x55c: {  	v11 =	vld.idx.msk [tilespmem:v49+s2+$0x0], $0xffff  }
0x55d: {  	v52 =	vld.idx.msk [tilespmem:v50+s2+$0x0], $0xffff  }
0x55e: {  	v53 =	vor.u32 $0x6, v6;
	v14 =	vadd.f32 v16, v14  }
0x55f: {  	v54 =	vor.u32 $0xE, v7  }
0x560: {  	v55 =	vor.u32 $0x6, v3;
	v14 =	vmul.f32 v14, v2;
	v13 =	vadd.f32 v51, v13  }
0x561: {  	v56 =	vor.u32 $0xE, v4  }
0x562: {  	v57 =	vor.u32 $0x6, v8;
	[tilespmem:s18+$0xE2F0] =	vst v14;
	v13 =	vmul.f32 v13, v9;
	v11 =	vadd.f32 v52, v11  }
0x563: {  	v58 =	vor.u32 $0xE, v5;
	v14 =	vld.idx.msk [tilespmem:v53+s2+$0x0], $0xffff  }
0x564: {  	v59 =	vld.idx.msk [tilespmem:v54+s2+$0x0], $0xffff;
	[tilespmem:s21+$0xE2F0] =	vst v13;
	v11 =	vmul.f32 v11, v10  }
0x565: {  	v60 =	vld.idx.msk [tilespmem:v55+s2+$0x0], $0xffff  }
0x566: {  	v61 =	vld.idx.msk [tilespmem:v56+s2+$0x0], $0xffff;
	[tilespmem:s30+$0xE2F0] =	vst v11  }
0x567: {  	v12 =	vld.idx.msk [tilespmem:v57+s2+$0x0], $0xffff  }
0x568: {  	v15 =	vld.idx.msk [tilespmem:v58+s2+$0x0], $0xffff  }
0x569: {  	v6 =	vor.u32 $0x7, v6;
	v13 =	vadd.f32 v59, v14  }
0x56a: {  	v7 =	vor.u32 $0xF, v7  }
0x56b: {  	v3 =	vor.u32 $0x7, v3;
	v13 =	vmul.f32 v13, v2;
	v11 =	vadd.f32 v61, v60  }
0x56c: {  	v4 =	vor.u32 $0xF, v4  }
0x56d: {  	v8 =	vor.u32 $0x7, v8;
	[tilespmem:s18+$0xE370] =	vst v13;
	v11 =	vmul.f32 v11, v9;
	v12 =	vadd.f32 v15, v12  }
0x56e: {  	v5 =	vor.u32 $0xF, v5;
	v6 =	vld.idx.msk [tilespmem:v6+s2+$0x0], $0xffff  }
0x56f: {  	v7 =	vld.idx.msk [tilespmem:v7+s2+$0x0], $0xffff;
	[tilespmem:s21+$0xE370] =	vst v11;
	v62 =	vmul.f32 v12, v10  }
0x570: {  	v3 =	vld.idx.msk [tilespmem:v3+s2+$0x0], $0xffff  }
0x571: {  	v4 =	vld.idx.msk [tilespmem:v4+s2+$0x0], $0xffff;
	[tilespmem:s30+$0xE370] =	vst v62  }
0x572: {  	v8 =	vld.idx.msk [tilespmem:v8+s2+$0x0], $0xffff  }
0x573: {  	v5 =	vld.idx.msk [tilespmem:v5+s2+$0x0], $0xffff;
	_ =	sdelay $0x2  }
0x574: {  	v6 =	vadd.f32 v7, v6  }
0x575: {  	p1 =	slt.u32 s17, $0x3C;
	v3 =	vadd.f32 v4, v3  }
.Ltmp5:
0x576: {  	v2 =	vmul.f32 v6, v2;
	v63 =	vadd.f32 v5, v8;
	(pc) =	sbr.rel @p1 .LBB2_3-.Ltmp5, $4  }
0x577: {  	v3 =	vmul.f32 v3, v9  }
0x578: {  	[tilespmem:s18+$0xE3F0] =	vst v2;
	v2 =	vmul.f32 v63, v10  }
0x579: {  	s31 =	sadd.s32 $0x4, s17;
	[tilespmem:s21+$0xE3F0] =	vst v3  }
0x57a: {  	s17 =	smov.u32 s31;
	[tilespmem:s30+$0xE3F0] =	vst v2  }
.Ltmp6:
0x57b: {  	(pc) =	sbr.rel .LBB2_8-.Ltmp6, $2  }
0x57c: {  	_ =	sdelay $0x2  }
0x57d: {  	s17 =	smov.u32 s7  }
.LBB2_9:
0x57e: {  	_ =	sfence.sel $0x180000  }
0x57f: {  	[bflag:$0x0] =	sbarrier.arrive $0xFFFF  }
0x580: {  	p0 =	sne.s32 s0, $0x0;
	_ =	strace $0x90000047  }
0x581: {  	s0 =	sadd.s32 @!p0 $0x100000, s1;
	[bflag:$0x2] =	sbarrier.arrive $0xFFFF  }
0x582: {  	[sflag:s0] =	ssyncadd.tile.s32 @!p0 $0x1;
	_ =	shalt  }
.Lfunc_end2:
_tile_overlayer_lowered:
.L_overlay_start_2:
0x583: {  	(tag) =	ssettag $0x2  }
0x584: {  	s0 =	rddreg [dreg:$0x0];
	s2 =	stileid.u32  }
0x585: {  	s1 =	rddreg [dreg:$0x1];
	p0 =	sne.s32 s2, $0x0  }
0x586: {  	s3 =	rddreg [dreg:$0x2];
	[bflag:$0x3] =	sbarrier.arrive $0xFFFF;
	s2 =	simm.s32 @!p0 $0x1C04  }
0x587: {  	[timem:s3], [sflag:s2] =	dma.local @!p0 [hbm:s0], s1  }
0x588: {  	s0 =	simm.s32 @!p0 $0x4  }
0x589: {  	_ =	swait.ge @!p0 [sflag:s0], s1  }
0x58a: {  	s1 =	ssub.s32 @!p0 $0x0, s1;
	[sflag:s0] =	ssyncset.done @!p0 $0x0  }
0x58b: {  	[sflag:s0] =	ssyncadd.s32 @!p0 s1  }
0x58c: {  	[bflag:$0x3] =	sbarrier.arrive $0xFFFF  }
0x58d: {  	_ =	shalt  }

</sc_bundles>
